<compile_context>
chip_gen: v7x
topology: tpu7x:2x2x1
jax: 0.10.2.dev20260603
libtpu: 0.0.44.dev20260713+nightly
codegen_flags: <defaults>
</compile_context>

<pallas_src>
import functools

import jax
import jax.numpy as jnp
from jax import lax
from jax.experimental import pallas as pl
from jax.experimental.pallas import tpu as pltpu
from jax.experimental.pallas import tpu_sc as plsc

_NC = 2
_NS = 16
_NW = _NC * _NS
_LANES = 16


def _silu(v):
    return v * (1.0 / (1.0 + jnp.exp(-v)))


def _rw(W):
    O, I, J = W.shape
    return jnp.transpose(W, (1, 2, 0)).reshape(I, J * O)


def _jsum(y, x2, b, O):
    J = x2.shape[1]
    acc = b
    for j in range(J):
        acc = acc + y[:, j * O:(j + 1) * O] * x2[:, j:j + 1]
    return acc



def _emb_body(x, na, wr, b, out):
    y = jnp.dot(x[...], wr[...], preferred_element_type=jnp.float32)
    out[...] = _jsum(y, na[...], b[...], out.shape[1])


def _msg_body(xi, xj, ea, amf, wri, wrj, wra, b1, wr2, b2, out):
    D = out.shape[1]
    y = (jnp.dot(xi[...], wri[...], preferred_element_type=jnp.float32)
         + jnp.dot(xj[...], wrj[...], preferred_element_type=jnp.float32)
         + jnp.dot(amf[...], wra[...], preferred_element_type=jnp.float32))
    m1 = _silu(_jsum(y, ea[...], b1[...], D))
    y2 = jnp.dot(m1, wr2[...], preferred_element_type=jnp.float32)
    out[...] = _silu(_jsum(y2, ea[...], b2[...], D))


def _upd_body(h, p, na, wuh, wua, b1, wu2, b2, out):
    D = out.shape[1]
    agg = p[0] + p[1]
    y = (jnp.dot(h[...], wuh[...], preferred_element_type=jnp.float32)
         + jnp.dot(agg, wua[...], preferred_element_type=jnp.float32))
    u = _silu(_jsum(y, na[...], b1[...], D))
    y2 = jnp.dot(u, wu2[...], preferred_element_type=jnp.float32)
    out[...] = h[...] + _jsum(y2, na[...], b2[...], D)


def _post_body(h, na, wp1, b1, wp2, b2, out):
    D = out.shape[1]
    y = jnp.dot(h[...], wp1[...], preferred_element_type=jnp.float32)
    u = _silu(_jsum(y, na[...], b1[...], D))
    y2 = jnp.dot(u, wp2[...], preferred_element_type=jnp.float32)
    out[...] = _jsum(y2, na[...], b2[...], D)


def _full(shape):
    return pl.BlockSpec(shape, lambda i: (0,) * len(shape))


def _rows(bs, shape_rest, off=0):
    n = len(shape_rest)
    return pl.BlockSpec((bs,) + shape_rest, lambda i, _o=off: (i + _o,) + (0,) * n)



def _sc_gather(table, idx2d):
    ni = idx2d.shape[1]
    d = table.shape[1]
    w = 128

    @functools.partial(
        pl.kernel,
        out_type=jax.ShapeDtypeStruct((ni, d), table.dtype),
        mesh=plsc.VectorSubcoreMesh(core_axis_name="c", subcore_axis_name="s"),
    )
    def k(table_hbm, idx_hbm, out_hbm):
        def body(i_vmem, o_vmem):
            pltpu.sync_copy(table_hbm.at[i_vmem.at[0]], o_vmem)

        pltpu.emit_pipeline(
            body,
            grid=(ni // w,),
            in_specs=[pl.BlockSpec((1, w), lambda i: (0, i))],
            out_specs=[pl.BlockSpec((w, d), lambda i: (i, 0))],
            core_axis_name=("c", "s"),
            dimension_semantics=(pltpu.PARALLEL,),
        )(idx_hbm, out_hbm)

    return k(table, idx2d)


def _sc_scatter_add(ms, idx2d, n_rows):
    nsl = len(ms)
    es, d = ms[0].shape
    ch = 128
    nchunks = es // ch
    wloops = (nchunks + _NW - 1) // _NW
    st = 200
    nst = n_rows // st
    rounds = (nst + _NS - 1) // _NS

    @functools.partial(
        pl.kernel,
        out_type=jax.ShapeDtypeStruct((_NC, n_rows, d), jnp.float32),
        mesh=plsc.VectorSubcoreMesh(core_axis_name="c", subcore_axis_name="s"),
        scratch_types=[
            pltpu.VMEM_SHARED((n_rows, d), jnp.float32),
            pltpu.VMEM((1, ch), jnp.int32),
            pltpu.VMEM((ch, d), jnp.float32),
            pltpu.VMEM((st, d), jnp.float32),
        ],
    )
    def k(*refs):
        m_hbms = refs[:nsl]
        idx_hbm, out_hbm, acc, idx_v, rows_v, stage_v = refs[nsl:]
        c = lax.axis_index("c")
        s = lax.axis_index("s")
        wid = s * _NC + c

        @pl.loop(0, st)
        def _(r):
            for cc in range(0, d, _LANES):
                stage_v[r, pl.ds(cc, _LANES)] = jnp.zeros((_LANES,), jnp.float32)

        @pl.loop(0, rounds)
        def _(kk):
            cid = s + kk * _NS

            @pl.when(cid < nst)
            def _():
                pltpu.sync_copy(stage_v, acc.at[pl.ds(cid * st, st)])

        plsc.subcore_barrier()

        for sl in range(nsl):
            m_hbm = m_hbms[sl]

            @pl.loop(0, wloops)
            def _(kk):
                cid = wid + kk * _NW

                @pl.when(cid < nchunks)
                def _():
                    off = cid * ch
                    pltpu.sync_copy(
                        idx_hbm.at[0, pl.ds(sl * es + off, ch)], idx_v.at[0])
                    pltpu.sync_copy(m_hbm.at[pl.ds(off, ch), :], rows_v)
                    pltpu.sync_copy(rows_v, acc.at[idx_v.at[0]], add=True)

        plsc.subcore_barrier()

        @pl.loop(0, rounds)
        def _(kk):
            cid = s + kk * _NS

            @pl.when(cid < nst)
            def _():
                r0 = cid * st
                pltpu.sync_copy(acc.at[pl.ds(r0, st)], stage_v)
                pltpu.sync_copy(stage_v, out_hbm.at[c, pl.ds(r0, st), :])

    return k(*ms, idx2d)



def kernel(x, edge_index, edge_attr, node_attr, batch,
           additional_message_features,
           W_emb, b_emb, W_m1, b_m1, W_m2, b_m2, W_u1, b_u1, W_u2, b_u2,
           W_p1, b_p1, W_p2, b_p2):
    n, d = x.shape
    e = edge_index.shape[1]
    dn = node_attr.shape[1]
    de = edge_attr.shape[1]
    da = additional_message_features.shape[1]
    nl = W_m1.shape[0]

    src = edge_index[0]
    dst = edge_index[1]

    nsl = 1
    es = e // nsl
    gchunk = 128 * _NW
    ni = ((2 * es + gchunk - 1) // gchunk) * gchunk
    idx_gs = [
        jnp.concatenate(
            [dst[sl * es:(sl + 1) * es], src[sl * es:(sl + 1) * es],
             jnp.zeros((ni - 2 * es,), jnp.int32)]).reshape(1, ni)
        for sl in range(nsl)
    ]
    idx_s = dst.reshape(1, e)

    wr_emb = _rw(W_emb)
    b2d = lambda b: b.reshape(1, d)
    wri = [_rw(W_m1[l][:, :d, :]) for l in range(nl)]
    wrj = [_rw(W_m1[l][:, d:2 * d, :]) for l in range(nl)]
    wra = [_rw(W_m1[l][:, 2 * d:, :]) for l in range(nl)]
    wr2 = [_rw(W_m2[l]) for l in range(nl)]
    wuh = [_rw(W_u1[l][:, :d, :]) for l in range(nl)]
    wua = [_rw(W_u1[l][:, d:, :]) for l in range(nl)]
    wu2 = [_rw(W_u2[l]) for l in range(nl)]
    wp1 = _rw(W_p1)
    wp2 = _rw(W_p2)

    bn = 400
    be = 640
    gn = n // bn
    ge = es // be
    nbi = es // be

    f32 = jnp.float32

    emb = pl.pallas_call(
        _emb_body, grid=(gn,),
        in_specs=[_rows(bn, (d,)), _rows(bn, (dn,)),
                  _full((d, dn * d)), _full((1, d))],
        out_specs=_rows(bn, (d,)),
        out_shape=jax.ShapeDtypeStruct((n, d), f32))
    h = emb(x, node_attr, wr_emb, b2d(b_emb))

    msg = pl.pallas_call(
        _msg_body, grid=(ge,),
        in_specs=[_rows(be, (d,)), _rows(be, (d,), off=nbi),
                  _rows(be, (de,)), _rows(be, (da,)),
                  _full((d, de * d)), _full((d, de * d)),
                  _full((da, de * d)), _full((1, d)),
                  _full((d, de * d)), _full((1, d))],
        out_specs=_rows(be, (d,)),
        out_shape=jax.ShapeDtypeStruct((es, d), f32))

    ea_s = [edge_attr[sl * es:(sl + 1) * es] for sl in range(nsl)]
    amf_s = [additional_message_features[sl * es:(sl + 1) * es]
             for sl in range(nsl)]

    for l in range(nl):
        ms = []
        for sl in range(nsl):
            g = _sc_gather(h, idx_gs[sl])
            ms.append(msg(g, g, ea_s[sl], amf_s[sl],
                          wri[l], wrj[l], wra[l], b2d(b_m1[l]),
                          wr2[l], b2d(b_m2[l])))

        parts = _sc_scatter_add(ms, idx_s, n)

        upd = pl.pallas_call(
            _upd_body, grid=(gn,),
            in_specs=[_rows(bn, (d,)),
                      pl.BlockSpec((2, bn, d), lambda i: (0, i, 0)),
                      _rows(bn, (dn,)),
                      _full((d, dn * d)), _full((d, dn * d)), _full((1, d)),
                      _full((d, dn * d)), _full((1, d))],
            out_specs=_rows(bn, (d,)),
            out_shape=jax.ShapeDtypeStruct((n, d), f32))
        h = upd(h, parts, node_attr,
                wuh[l], wua[l], b2d(b_u1[l]), wu2[l], b2d(b_u2[l]))

    post = pl.pallas_call(
        _post_body, grid=(gn,),
        in_specs=[_rows(bn, (d,)), _rows(bn, (dn,)),
                  _full((d, dn * d)), _full((1, d)),
                  _full((d, dn * d)), _full((1, d))],
        out_specs=_rows(bn, (d,)),
        out_shape=jax.ShapeDtypeStruct((n, d), f32))
    return post(h, node_attr, wp1, b2d(b_p1), wp2, b2d(b_p2))

# --- scband reference (transcript-rebuilt; emitter-appended) ---
"""Pipeline reference for scband-segr-33517924778680 (READ-ONLY COPY).

The authoritative reference and input builder live on the scoring server;
editing this copy changes nothing except your own understanding.
"""

import jax, jax.numpy as jnp
import numpy as np

N = 10000
E = 160000
D = 128   # hidden / input / output irreps: 128x0e (scalars)
DE = 4    # edge_attr irreps: 4x0e
DN = 16   # node_attr irreps: 16x0e
DADD = 4  # additional_message_irreps: 4x0e
L = 2     # num_layers


def _silu(v):
    return v * jax.nn.sigmoid(v)


def _bilinear(x1, x2, W, b):
    # Fully-connected O(3) tensor product restricted to scalar (0e) irreps:
    # out[b, o] = sum_{i,j} W[o, i, j] * x1[b, i] * x2[b, j] + b[o]
    return jnp.einsum('oij,bi,bj->bo', W, x1, x2) + b


def setup_inputs(seed: int = 0) -> dict:
    key = jax.random.key(seed)
    ks = jax.random.split(key, 32)

    def w(k, o, i, j):
        return jax.random.normal(k, (o, i, j), jnp.float32) / np.sqrt(i * j)

    d_msg_in = 2 * D + DADD   # cat(x_i, x_j, additional_message_features)
    d_upd_in = 2 * D          # cat(x, aggregated message)

    inp = {
        'x': jax.random.normal(ks[0], (N, D), jnp.float32),
        'edge_index': jax.random.randint(ks[1], (2, E), 0, N, jnp.int32),
        'edge_attr': jax.random.normal(ks[2], (E, DE), jnp.float32),
        'node_attr': jax.random.normal(ks[3], (N, DN), jnp.float32),
        'batch': jnp.zeros((N,), jnp.int32),
        'additional_message_features': jax.random.normal(ks[4], (E, DADD), jnp.float32),
        # embedding O3TensorProduct
        'W_emb': w(ks[5], D, D, DN), 'b_emb': jnp.zeros((D,), jnp.float32),
        # per-layer weights, stacked over L layers
        'W_m1': jnp.stack([w(ks[6 + l], D, d_msg_in, DE) for l in range(L)]),
        'b_m1': jnp.zeros((L, D), jnp.float32),
        'W_m2': jnp.stack([w(ks[10 + l], D, D, DE) for l in range(L)]),
        'b_m2': jnp.zeros((L, D), jnp.float32),
        'W_u1': jnp.stack([w(ks[14 + l], D, d_upd_in, DN) for l in range(L)]),
        'b_u1': jnp.zeros((L, D), jnp.float32),
        'W_u2': jnp.stack([w(ks[18 + l], D, D, DN) for l in range(L)]),
        'b_u2': jnp.zeros((L, D), jnp.float32),
        # post-processing
        'W_p1': w(ks[22], D, D, DN), 'b_p1': jnp.zeros((D,), jnp.float32),
        'W_p2': w(ks[23], D, D, DN), 'b_p2': jnp.zeros((D,), jnp.float32),
    }
    return inp


def reference(x, edge_index, edge_attr, node_attr, batch, additional_message_features,
              W_emb, b_emb, W_m1, b_m1, W_m2, b_m2, W_u1, b_u1, W_u2, b_u2,
              W_p1, b_p1, W_p2, b_p2):
    src = edge_index[0]
    dst = edge_index[1]

    # embedding layer: O3TensorProduct(x, node_attr)
    h = _bilinear(x, node_attr, W_emb, b_emb)

    for l in range(L):
        # message(): cat(x_i, x_j, additional) -> TP-swish-gate -> TP-swish-gate
        x_i = h[dst]
        x_j = h[src]
        m_in = jnp.concatenate([x_i, x_j, additional_message_features], axis=-1)
        m = _silu(_bilinear(m_in, edge_attr, W_m1[l], b_m1[l]))
        m = _silu(_bilinear(m, edge_attr, W_m2[l], b_m2[l]))
        # aggregate (aggr='add') onto destination nodes
        agg = jax.ops.segment_sum(m, dst, num_segments=N)
        # update(): cat(x, message) -> TP-swish-gate -> TP, residual
        u_in = jnp.concatenate([h, agg], axis=-1)
        u = _silu(_bilinear(u_in, node_attr, W_u1[l], b_u1[l]))
        u = _bilinear(u, node_attr, W_u2[l], b_u2[l])
        h = h + u

    # post-processing
    h = _silu(_bilinear(h, node_attr, W_p1, b_p1))
    out = _bilinear(h, node_attr, W_p2, b_p2)
    return out

if __name__ == "__main__":
    import jax
    _d = setup_inputs()
    print(jax.jit(kernel)(*tuple(_d.values())))

</pallas_src>

<mosaic_0001>
#map = affine_map<(d0, d1) -> (0, 0)>
module attributes {stable_mosaic.version = 14 : i64} {
  func.func @k(%arg0: i32, %arg1: i32, %arg2: memref<10000x128xf32, #tpu.memory_space<hbm>>, %arg3: memref<1x323584xi32, #tpu.memory_space<hbm>>, %arg4: memref<323584x128xf32, #tpu.memory_space<hbm>>) attributes {dimension_semantics = [#tpu.dimension_semantics<core_parallel>, #tpu.dimension_semantics<subcore_parallel>], iteration_bounds = array<i64: 2, 16>, scalar_prefetch = 0 : i64, scratch_operands = 0 : i64, tpu.core_type = #tpu.core_type<sc_vector_subcore>, window_params = [{transform_indices = #map}, {transform_indices = #map}, {transform_indices = #map}]} {
    %mul3A = arith.constant 1 : i32
    %mul3A_0 = arith.muli %arg1, %mul3A : i32
    %add3A = arith.constant 0 : i32
    %add3A_1 = arith.addi %add3A, %mul3A_0 : i32
    %mul3A_2 = arith.constant 16 : i32
    %mul3A_3 = arith.muli %arg0, %mul3A_2 : i32
    %add3A_4 = arith.addi %add3A_1, %mul3A_3 : i32
    %mul3A_5 = arith.constant 79 : i32
    %mul3A_6 = arith.muli %add3A_4, %mul3A_5 : i32
    "tpu.region"() ({
      %run_scoped3A = memref.alloca() : memref<2x1x128xi32, #tpu.memory_space<vmem>>
      %run_scoped3A_7 = tpu.sem_alloc : memref<2x!tpu.dma_semaphore, #tpu.memory_space<semaphore_mem>>
      %run_scoped3A_8 = memref.alloca() : memref<2x128x128xf32, #tpu.memory_space<vmem>>
      %run_scoped3A_9 = tpu.sem_alloc : memref<2x!tpu.dma_semaphore, #tpu.memory_space<semaphore_mem>>
      %add3A_10 = arith.constant 0 : i32
      %add3A_11 = arith.addi %add3A_10, %mul3A_6 : i32
      %select_n3A = arith.constant true
      %select_n3A_12 = arith.constant 0 : i32
      %select_n3A_13 = arith.constant -1 : i32
      %select_n3A_14 = arith.select %select_n3A, %select_n3A_13, %select_n3A_12 : i32
      %eq3A = arith.constant -1 : i32
      %eq3A_15 = arith.cmpi eq, %select_n3A_14, %eq3A : i32
      %select_n3A_16 = arith.constant 78 : i32
      %select_n3A_17 = arith.select %eq3A_15, %select_n3A_16, %select_n3A_14 : i32
      %add3A_18 = arith.addi %select_n3A_17, %mul3A_6 : i32
      %select_n3A_19 = arith.constant true
      %select_n3A_20 = arith.constant 0 : i32
      %select_n3A_21 = arith.constant 1 : i32
      %select_n3A_22 = arith.select %select_n3A_19, %select_n3A_21, %select_n3A_20 : i32
      %eq3A_23 = arith.constant 79 : i32
      %eq3A_24 = arith.cmpi eq, %select_n3A_22, %eq3A_23 : i32
      %select_n3A_25 = arith.constant 0 : i32
      %select_n3A_26 = arith.select %eq3A_24, %select_n3A_25, %select_n3A_22 : i32
      %add3A_27 = arith.addi %select_n3A_26, %mul3A_6 : i32
      %add3A_28 = arith.constant 1 : i32
      %add3A_29 = arith.addi %select_n3A_26, %add3A_28 : i32
      %select_n3A_30 = arith.constant true
      %select_n3A_31 = arith.select %select_n3A_30, %add3A_29, %select_n3A_26 : i32
      %eq3A_32 = arith.constant 79 : i32
      %eq3A_33 = arith.cmpi eq, %select_n3A_31, %eq3A_32 : i32
      %select_n3A_34 = arith.constant 0 : i32
      %select_n3A_35 = arith.select %eq3A_33, %select_n3A_34, %select_n3A_31 : i32
      %add3A_36 = arith.addi %select_n3A_35, %mul3A_6 : i32
      "tpu.trace_start"() <{level = 10 : i32, message = "ep_initialize_0"}> : () -> ()
      %rem3A = arith.constant 0 : i32
      %rem3A_37 = arith.constant 2 : i32
      %rem3A_38 = arith.remui %rem3A, %rem3A_37 : i32
      %mul3A_39 = arith.constant 128 : i32
      %mul3A_40 = arith.muli %mul3A_39, %add3A_11 : i32
      %dma_start3A = arith.constant 0 : i32
      %dma_start3A_41 = arith.constant 0 : i32
      %dma_start3A_42 = tpu.memref_slice %run_scoped3A[%rem3A_38, %dma_start3A, %dma_start3A_41] : memref<2x1x128xi32, #tpu.memory_space<vmem>> -> memref<1x1x128xi32, #tpu.memory_space<vmem>>
      %dma_start3A_43 = tpu.memref_squeeze %dma_start3A_42 : memref<1x1x128xi32, #tpu.memory_space<vmem>> -> memref<1x128xi32, #tpu.memory_space<vmem>>
      %dma_start3A_44 = arith.constant 0 : i32
      %dma_start3A_45 = tpu.memref_slice %arg3[%dma_start3A_44, %mul3A_40] : memref<1x323584xi32, #tpu.memory_space<hbm>> -> memref<1x128xi32, #tpu.memory_space<hbm>>
      %dma_start3A_46 = tpu.memref_slice %run_scoped3A_7[%rem3A_38] : memref<2x!tpu.dma_semaphore, #tpu.memory_space<semaphore_mem>> -> memref<1x!tpu.dma_semaphore, #tpu.memory_space<semaphore_mem>>
      %dma_start3A_47 = tpu.memref_squeeze %dma_start3A_46 : memref<1x!tpu.dma_semaphore, #tpu.memory_space<semaphore_mem>> -> memref<!tpu.dma_semaphore, #tpu.memory_space<semaphore_mem>>
      %dma_start3A_48 = arith.constant 0 : i32
      %dma_start3A_49 = arith.constant 0 : i32
      %dma_start3A_50 = tpu.memref_slice %run_scoped3A[%rem3A_38, %dma_start3A_48, %dma_start3A_49] : memref<2x1x128xi32, #tpu.memory_space<vmem>> -> memref<1x1x128xi32, #tpu.memory_space<vmem>>
      %dma_start3A_51 = tpu.memref_squeeze %dma_start3A_50 : memref<1x1x128xi32, #tpu.memory_space<vmem>> -> memref<1x128xi32, #tpu.memory_space<vmem>>
      %dma_start3A_52 = arith.constant 0 : i32
      %dma_start3A_53 = tpu.memref_slice %arg3[%dma_start3A_52, %mul3A_40] : memref<1x323584xi32, #tpu.memory_space<hbm>> -> memref<1x128xi32, #tpu.memory_space<hbm>>
      tpu.enqueue_dma source(%dma_start3A_53 : memref<1x128xi32, #tpu.memory_space<hbm>>) target(%dma_start3A_51 : memref<1x128xi32, #tpu.memory_space<vmem>>) target_semaphore(%dma_start3A_47 : memref<!tpu.dma_semaphore, #tpu.memory_space<semaphore_mem>>)
      %add3A_54 = arith.constant 0 : i32
      %add3A_55 = arith.constant 1 : i32
      %add3A_56 = arith.addi %add3A_54, %add3A_55 : i32
      %select_n3A_57 = arith.constant true
      %select_n3A_58 = arith.constant 0 : i32
      %select_n3A_59 = arith.select %select_n3A_57, %add3A_56, %select_n3A_58 : i32
      "tpu.trace_stop"() : () -> ()
      %scan3A = arith.constant 0 : i32
      %scan3A_60 = arith.constant 0 : i32
      %scan3A_61 = arith.constant 0 : i32
      %scan3A_62 = arith.constant 0 : i32
      %scan3A_63 = arith.constant 0 : i32
      %scan3A_64 = arith.constant 79 : i32
      %scan3A_65 = arith.addi %scan3A_63, %scan3A_64 : i32
      %scan3A_66 = arith.constant 1 : i32
      %scan3A_67:5 = scf.for %scan3A_121 = %scan3A_63 to %scan3A_65 step %scan3A_66 iter_args(%scan3A_122 = %select_n3A_59, %scan3A_123 = %scan3A, %scan3A_124 = %scan3A_60, %scan3A_125 = %scan3A_61, %scan3A_126 = %scan3A_62) -> (i32, i32, i32, i32, i32)  : i32 {
        %eq3A_127 = arith.constant 0 : i32
        %eq3A_128 = arith.cmpi eq, %scan3A_121, %eq3A_127 : i32
        %eq3A_129 = arith.constant 78 : i32
        %eq3A_130 = arith.cmpi eq, %scan3A_121, %eq3A_129 : i32
        %add3A_131 = arith.addi %scan3A_126, %mul3A_6 : i32
        %sub3A_132 = arith.constant 1 : i32
        %sub3A_133 = arith.subi %scan3A_126, %sub3A_132 : i32
        %select_n3A_134 = arith.constant true
        %select_n3A_135 = arith.select %select_n3A_134, %sub3A_133, %scan3A_126 : i32
        %eq3A_136 = arith.constant -1 : i32
        %eq3A_137 = arith.cmpi eq, %select_n3A_135, %eq3A_136 : i32
        %select_n3A_138 = arith.constant 78 : i32
        %select_n3A_139 = arith.select %eq3A_137, %select_n3A_138, %select_n3A_135 : i32
        %add3A_140 = arith.addi %select_n3A_139, %mul3A_6 : i32
        %add3A_141 = arith.constant 1 : i32
        %add3A_142 = arith.addi %scan3A_126, %add3A_141 : i32
        %select_n3A_143 = arith.constant true
        %select_n3A_144 = arith.select %select_n3A_143, %add3A_142, %scan3A_126 : i32
        %eq3A_145 = arith.constant 79 : i32
        %eq3A_146 = arith.cmpi eq, %select_n3A_144, %eq3A_145 : i32
        %select_n3A_147 = arith.constant 0 : i32
        %select_n3A_148 = arith.select %eq3A_146, %select_n3A_147, %select_n3A_144 : i32
        %add3A_149 = arith.addi %select_n3A_148, %mul3A_6 : i32
        %add3A_150 = arith.constant 1 : i32
        %add3A_151 = arith.addi %select_n3A_148, %add3A_150 : i32
        %select_n3A_152 = arith.constant true
        %select_n3A_153 = arith.select %select_n3A_152, %add3A_151, %select_n3A_148 : i32
        %eq3A_154 = arith.constant 79 : i32
        %eq3A_155 = arith.cmpi eq, %select_n3A_153, %eq3A_154 : i32
        %select_n3A_156 = arith.constant 0 : i32
        %select_n3A_157 = arith.select %eq3A_155, %select_n3A_156, %select_n3A_153 : i32
        %add3A_158 = arith.addi %select_n3A_157, %mul3A_6 : i32
        %ne3A = arith.cmpi ne, %add3A_131, %add3A_149 : i32
        %or3A = arith.constant false
        %or3A_159 = arith.ori %or3A, %ne3A : i1
        %ge3A = arith.constant 78 : i32
        %ge3A_160 = arith.cmpi sge, %scan3A_121, %ge3A : i32
        %not3A = arith.constant true
        %not3A_161 = arith.xori %ge3A_160, %not3A : i1
        %and3A = arith.andi %or3A_159, %not3A_161 : i1
        %convert_element_type3A = arith.extui %and3A : i1 to i32
        %cond3A = arith.constant 0 : i32
        %cond3A_162 = arith.cmpi ne, %convert_element_type3A, %cond3A : i32
        scf.if %cond3A_162 {
          "tpu.trace_start"() <{level = 10 : i32, message = "ep_copy_in"}> : () -> ()
          %rem3A_264 = arith.constant 2 : i32
          %rem3A_265 = arith.remui %scan3A_122, %rem3A_264 : i32
          %mul3A_266 = arith.constant 128 : i32
          %mul3A_267 = arith.muli %mul3A_266, %add3A_149 : i32
          %dma_start3A_268 = arith.constant 0 : i32
          %dma_start3A_269 = arith.constant 0 : i32
          %dma_start3A_270 = tpu.memref_slice %run_scoped3A[%rem3A_265, %dma_start3A_268, %dma_start3A_269] : memref<2x1x128xi32, #tpu.memory_space<vmem>> -> memref<1x1x128xi32, #tpu.memory_space<vmem>>
          %dma_start3A_271 = tpu.memref_squeeze %dma_start3A_270 : memref<1x1x128xi32, #tpu.memory_space<vmem>> -> memref<1x128xi32, #tpu.memory_space<vmem>>
          %dma_start3A_272 = arith.constant 0 : i32
          %dma_start3A_273 = tpu.memref_slice %arg3[%dma_start3A_272, %mul3A_267] : memref<1x323584xi32, #tpu.memory_space<hbm>> -> memref<1x128xi32, #tpu.memory_space<hbm>>
          %dma_start3A_274 = tpu.memref_slice %run_scoped3A_7[%rem3A_265] : memref<2x!tpu.dma_semaphore, #tpu.memory_space<semaphore_mem>> -> memref<1x!tpu.dma_semaphore, #tpu.memory_space<semaphore_mem>>
          %dma_start3A_275 = tpu.memref_squeeze %dma_start3A_274 : memref<1x!tpu.dma_semaphore, #tpu.memory_space<semaphore_mem>> -> memref<!tpu.dma_semaphore, #tpu.memory_space<semaphore_mem>>
          %dma_start3A_276 = arith.constant 0 : i32
          %dma_start3A_277 = arith.constant 0 : i32
          %dma_start3A_278 = tpu.memref_slice %run_scoped3A[%rem3A_265, %dma_start3A_276, %dma_start3A_277] : memref<2x1x128xi32, #tpu.memory_space<vmem>> -> memref<1x1x128xi32, #tpu.memory_space<vmem>>
          %dma_start3A_279 = tpu.memref_squeeze %dma_start3A_278 : memref<1x1x128xi32, #tpu.memory_space<vmem>> -> memref<1x128xi32, #tpu.memory_space<vmem>>
          %dma_start3A_280 = arith.constant 0 : i32
          %dma_start3A_281 = tpu.memref_slice %arg3[%dma_start3A_280, %mul3A_267] : memref<1x323584xi32, #tpu.memory_space<hbm>> -> memref<1x128xi32, #tpu.memory_space<hbm>>
          tpu.enqueue_dma source(%dma_start3A_281 : memref<1x128xi32, #tpu.memory_space<hbm>>) target(%dma_start3A_279 : memref<1x128xi32, #tpu.memory_space<vmem>>) target_semaphore(%dma_start3A_275 : memref<!tpu.dma_semaphore, #tpu.memory_space<semaphore_mem>>)
          "tpu.trace_stop"() : () -> ()
        } else {
        }
        %and3A_163 = arith.constant true
        %and3A_164 = arith.andi %and3A, %and3A_163 : i1
        %add3A_165 = arith.constant 1 : i32
        %add3A_166 = arith.addi %scan3A_122, %add3A_165 : i32
        %select_n3A_167 = arith.select %and3A_164, %add3A_166, %scan3A_122 : i32
        %ne3A_168 = arith.cmpi ne, %add3A_131, %add3A_149 : i32
        %or3A_169 = arith.constant false
        %or3A_170 = arith.ori %or3A_169, %ne3A_168 : i1
        %or3A_171 = arith.constant false
        %or3A_172 = arith.ori %or3A_170, %or3A_171 : i1
        %ge3A_173 = arith.constant 78 : i32
        %ge3A_174 = arith.cmpi sge, %scan3A_121, %ge3A_173 : i32
        %not3A_175 = arith.constant true
        %not3A_176 = arith.xori %ge3A_174, %not3A_175 : i1
        %and3A_177 = arith.andi %or3A_172, %not3A_176 : i1
        %ne3A_178 = arith.cmpi ne, %add3A_131, %add3A_140 : i32
        %or3A_179 = arith.constant false
        %or3A_180 = arith.ori %or3A_179, %ne3A_178 : i1
        %or3A_181 = arith.ori %or3A_180, %eq3A_128 : i1
        %convert_element_type3A_182 = arith.extui %or3A_181 : i1 to i32
        %cond3A_183 = arith.constant 0 : i32
        %cond3A_184 = arith.cmpi ne, %convert_element_type3A_182, %cond3A_183 : i32
        scf.if %cond3A_184 {
          "tpu.trace_start"() <{level = 10 : i32, message = "ep_wait_in"}> : () -> ()
          %mul3A_264 = arith.constant 128 : i32
          %mul3A_265 = arith.muli %mul3A_264, %add3A_131 : i32
          %rem3A_266 = arith.constant 2 : i32
          %rem3A_267 = arith.remui %scan3A_123, %rem3A_266 : i32
          %dma_wait3A_268 = arith.constant 0 : i32
          %dma_wait3A_269 = arith.constant 0 : i32
          %dma_wait3A_270 = tpu.memref_slice %run_scoped3A[%rem3A_267, %dma_wait3A_268, %dma_wait3A_269] : memref<2x1x128xi32, #tpu.memory_space<vmem>> -> memref<1x1x128xi32, #tpu.memory_space<vmem>>
          %dma_wait3A_271 = tpu.memref_squeeze %dma_wait3A_270 : memref<1x1x128xi32, #tpu.memory_space<vmem>> -> memref<1x128xi32, #tpu.memory_space<vmem>>
          %dma_wait3A_272 = arith.constant 0 : i32
          %dma_wait3A_273 = tpu.memref_slice %arg3[%dma_wait3A_272, %mul3A_265] : memref<1x323584xi32, #tpu.memory_space<hbm>> -> memref<1x128xi32, #tpu.memory_space<hbm>>
          %dma_wait3A_274 = tpu.memref_slice %run_scoped3A_7[%rem3A_267] : memref<2x!tpu.dma_semaphore, #tpu.memory_space<semaphore_mem>> -> memref<1x!tpu.dma_semaphore, #tpu.memory_space<semaphore_mem>>
          %dma_wait3A_275 = tpu.memref_squeeze %dma_wait3A_274 : memref<1x!tpu.dma_semaphore, #tpu.memory_space<semaphore_mem>> -> memref<!tpu.dma_semaphore, #tpu.memory_space<semaphore_mem>>
          %dma_wait3A_276 = arith.constant 0 : i32
          %dma_wait3A_277 = arith.constant 0 : i32
          %dma_wait3A_278 = tpu.memref_slice %run_scoped3A[%rem3A_267, %dma_wait3A_276, %dma_wait3A_277] : memref<2x1x128xi32, #tpu.memory_space<vmem>> -> memref<1x1x128xi32, #tpu.memory_space<vmem>>
          %dma_wait3A_279 = tpu.memref_squeeze %dma_wait3A_278 : memref<1x1x128xi32, #tpu.memory_space<vmem>> -> memref<1x128xi32, #tpu.memory_space<vmem>>
          %dma_wait3A_280 = arith.constant 0 : i32
          %dma_wait3A_281 = tpu.memref_slice %arg3[%dma_wait3A_280, %mul3A_265] : memref<1x323584xi32, #tpu.memory_space<hbm>> -> memref<1x128xi32, #tpu.memory_space<hbm>>
          tpu.wait_dma2 semaphore(%dma_wait3A_275 : memref<!tpu.dma_semaphore, #tpu.memory_space<semaphore_mem>>) src(%dma_wait3A_281 : memref<1x128xi32, #tpu.memory_space<hbm>>) dst(%dma_wait3A_279 : memref<1x128xi32, #tpu.memory_space<vmem>>)
          "tpu.trace_stop"() : () -> ()
        } else {
        }
        %ne3A_185 = arith.cmpi ne, %add3A_131, %add3A_140 : i32
        %or3A_186 = arith.constant false
        %or3A_187 = arith.ori %or3A_186, %ne3A_185 : i1
        %or3A_188 = arith.constant false
        %or3A_189 = arith.ori %or3A_187, %or3A_188 : i1
        %or3A_190 = arith.ori %or3A_189, %eq3A_128 : i1
        %convert_element_type3A_191 = arith.extui %or3A_190 : i1 to i32
        %cond3A_192 = arith.constant 0 : i32
        %cond3A_193 = arith.cmpi ne, %convert_element_type3A_191, %cond3A_192 : i32
        scf.if %cond3A_193 {
        } else {
        }
        %rem3A_194 = arith.constant 2 : i32
        %rem3A_195 = arith.remui %scan3A_123, %rem3A_194 : i32
        %rem3A_196 = arith.constant 2 : i32
        %rem3A_197 = arith.remui %scan3A_124, %rem3A_196 : i32
        %run_scoped3A_198 = arith.constant 0 : i32
        "tpu.trace_start"() <{level = 10 : i32, message = "ep_run_kernel"}> : () -> ()
        "tpu.region"() ({
          %run_scoped3A_264 = tpu.sem_alloc : memref<!tpu.dma_semaphore, #tpu.memory_space<semaphore_mem>>
          %dma_start3A_265 = arith.constant 0 : i32
          %dma_start3A_266 = arith.constant 0 : i32
          %dma_start3A_267 = tpu.memref_slice %run_scoped3A_8[%rem3A_197, %dma_start3A_265, %dma_start3A_266] : memref<2x128x128xf32, #tpu.memory_space<vmem>> -> memref<1x128x128xf32, #tpu.memory_space<vmem>>
          %dma_start3A_268 = tpu.memref_squeeze %dma_start3A_267 : memref<1x128x128xf32, #tpu.memory_space<vmem>> -> memref<128x128xf32, #tpu.memory_space<vmem>>
          %dma_start3A_269 = arith.constant 0 : i32
          %dma_start3A_270 = arith.constant 0 : i32
          %dma_start3A_271 = tpu.memref_slice %run_scoped3A[%rem3A_195, %dma_start3A_269, %dma_start3A_270] : memref<2x1x128xi32, #tpu.memory_space<vmem>> -> memref<1x1x128xi32, #tpu.memory_space<vmem>>
          %dma_start3A_272 = tpu.memref_squeeze %dma_start3A_271 : memref<1x1x128xi32, #tpu.memory_space<vmem>> -> memref<1x128xi32, #tpu.memory_space<vmem>>
          %dma_start3A_273 = arith.constant 0 : i32
          %dma_start3A_274 = tpu.memref_slice %dma_start3A_272[%run_scoped3A_198, %dma_start3A_273] : memref<1x128xi32, #tpu.memory_space<vmem>> -> memref<1x128xi32, #tpu.memory_space<vmem>>
          %dma_start3A_275 = tpu.memref_squeeze %dma_start3A_274 : memref<1x128xi32, #tpu.memory_space<vmem>> -> memref<128xi32, #tpu.memory_space<vmem>>
          %dma_start3A_276 = arith.constant 0 : i32
          %dma_start3A_277 = arith.constant 0 : i32
          %dma_start3A_278 = tpu.memref_slice %arg2[%dma_start3A_276, %dma_start3A_277] : memref<10000x128xf32, #tpu.memory_space<hbm>> -> memref<10000x128xf32, #tpu.memory_space<hbm>>
          tpu.enqueue_indirect_dma source(%dma_start3A_278 : memref<10000x128xf32, #tpu.memory_space<hbm>>) target(%dma_start3A_268 : memref<128x128xf32, #tpu.memory_space<vmem>>) offsets(%dma_start3A_275 : memref<128xi32, #tpu.memory_space<vmem>>) semaphore(%run_scoped3A_264 : memref<!tpu.dma_semaphore, #tpu.memory_space<semaphore_mem>>)
          %dma_wait3A_279 = arith.constant 0 : i32
          %dma_wait3A_280 = arith.constant 0 : i32
          %dma_wait3A_281 = tpu.memref_slice %run_scoped3A_8[%rem3A_197, %dma_wait3A_279, %dma_wait3A_280] : memref<2x128x128xf32, #tpu.memory_space<vmem>> -> memref<1x128x128xf32, #tpu.memory_space<vmem>>
          %dma_wait3A_282 = tpu.memref_squeeze %dma_wait3A_281 : memref<1x128x128xf32, #tpu.memory_space<vmem>> -> memref<128x128xf32, #tpu.memory_space<vmem>>
          %dma_wait3A_283 = arith.constant 0 : i32
          %dma_wait3A_284 = arith.constant 0 : i32
          %dma_wait3A_285 = tpu.memref_slice %run_scoped3A[%rem3A_195, %dma_wait3A_283, %dma_wait3A_284] : memref<2x1x128xi32, #tpu.memory_space<vmem>> -> memref<1x1x128xi32, #tpu.memory_space<vmem>>
          %dma_wait3A_286 = tpu.memref_squeeze %dma_wait3A_285 : memref<1x1x128xi32, #tpu.memory_space<vmem>> -> memref<1x128xi32, #tpu.memory_space<vmem>>
          %dma_wait3A_287 = arith.constant 0 : i32
          %dma_wait3A_288 = tpu.memref_slice %dma_wait3A_286[%run_scoped3A_198, %dma_wait3A_287] : memref<1x128xi32, #tpu.memory_space<vmem>> -> memref<1x128xi32, #tpu.memory_space<vmem>>
          %dma_wait3A_289 = tpu.memref_squeeze %dma_wait3A_288 : memref<1x128xi32, #tpu.memory_space<vmem>> -> memref<128xi32, #tpu.memory_space<vmem>>
          %dma_wait3A_290 = arith.constant 0 : i32
          %dma_wait3A_291 = arith.constant 0 : i32
          %dma_wait3A_292 = tpu.memref_slice %arg2[%dma_wait3A_290, %dma_wait3A_291] : memref<10000x128xf32, #tpu.memory_space<hbm>> -> memref<10000x128xf32, #tpu.memory_space<hbm>>
          tpu.wait_indirect_dma semaphore(%run_scoped3A_264 : memref<!tpu.dma_semaphore, #tpu.memory_space<semaphore_mem>>) src(%dma_wait3A_292 : memref<10000x128xf32, #tpu.memory_space<hbm>>) dst(%dma_wait3A_282 : memref<128x128xf32, #tpu.memory_space<vmem>>)
          tpu.yield
        }) : () -> ()
        "tpu.trace_stop"() : () -> ()
        %ne3A_199 = arith.cmpi ne, %add3A_131, %add3A_149 : i32
        %or3A_200 = arith.constant false
        %or3A_201 = arith.ori %or3A_200, %ne3A_199 : i1
        %or3A_202 = arith.ori %or3A_201, %eq3A_130 : i1
        %convert_element_type3A_203 = arith.extui %or3A_202 : i1 to i32
        %cond3A_204 = arith.constant 0 : i32
        %cond3A_205 = arith.cmpi ne, %convert_element_type3A_203, %cond3A_204 : i32
        scf.if %cond3A_205 {
        } else {
        }
        %and3A_206 = arith.constant false
        %and3A_207 = arith.andi %or3A_202, %and3A_206 : i1
        %ne3A_208 = arith.cmpi ne, %add3A_131, %add3A_149 : i32
        %or3A_209 = arith.constant false
        %or3A_210 = arith.ori %or3A_209, %ne3A_208 : i1
        %or3A_211 = arith.constant false
        %or3A_212 = arith.ori %or3A_210, %or3A_211 : i1
        %or3A_213 = arith.ori %or3A_212, %eq3A_130 : i1
        %convert_element_type3A_214 = arith.extui %or3A_213 : i1 to i32
        %cond3A_215 = arith.constant 0 : i32
        %cond3A_216 = arith.cmpi ne, %convert_element_type3A_214, %cond3A_215 : i32
        scf.if %cond3A_216 {
          "tpu.trace_start"() <{level = 10 : i32, message = "ep_copy_out"}> : () -> ()
          %rem3A_264 = arith.constant 2 : i32
          %rem3A_265 = arith.remui %scan3A_124, %rem3A_264 : i32
          %mul3A_266 = arith.constant 128 : i32
          %mul3A_267 = arith.muli %mul3A_266, %add3A_131 : i32
          %dma_start3A_268 = arith.constant 0 : i32
          %dma_start3A_269 = arith.constant 0 : i32
          %dma_start3A_270 = tpu.memref_slice %run_scoped3A_8[%rem3A_265, %dma_start3A_268, %dma_start3A_269] : memref<2x128x128xf32, #tpu.memory_space<vmem>> -> memref<1x128x128xf32, #tpu.memory_space<vmem>>
          %dma_start3A_271 = tpu.memref_squeeze %dma_start3A_270 : memref<1x128x128xf32, #tpu.memory_space<vmem>> -> memref<128x128xf32, #tpu.memory_space<vmem>>
          %dma_start3A_272 = arith.constant 0 : i32
          %dma_start3A_273 = tpu.memref_slice %arg4[%mul3A_267, %dma_start3A_272] : memref<323584x128xf32, #tpu.memory_space<hbm>> -> memref<128x128xf32, #tpu.memory_space<hbm>>
          %dma_start3A_274 = tpu.memref_slice %run_scoped3A_9[%rem3A_265] : memref<2x!tpu.dma_semaphore, #tpu.memory_space<semaphore_mem>> -> memref<1x!tpu.dma_semaphore, #tpu.memory_space<semaphore_mem>>
          %dma_start3A_275 = tpu.memref_squeeze %dma_start3A_274 : memref<1x!tpu.dma_semaphore, #tpu.memory_space<semaphore_mem>> -> memref<!tpu.dma_semaphore, #tpu.memory_space<semaphore_mem>>
          %dma_start3A_276 = arith.constant 0 : i32
          %dma_start3A_277 = tpu.memref_slice %arg4[%mul3A_267, %dma_start3A_276] : memref<323584x128xf32, #tpu.memory_space<hbm>> -> memref<128x128xf32, #tpu.memory_space<hbm>>
          %dma_start3A_278 = arith.constant 0 : i32
          %dma_start3A_279 = arith.constant 0 : i32
          %dma_start3A_280 = tpu.memref_slice %run_scoped3A_8[%rem3A_265, %dma_start3A_278, %dma_start3A_279] : memref<2x128x128xf32, #tpu.memory_space<vmem>> -> memref<1x128x128xf32, #tpu.memory_space<vmem>>
          %dma_start3A_281 = tpu.memref_squeeze %dma_start3A_280 : memref<1x128x128xf32, #tpu.memory_space<vmem>> -> memref<128x128xf32, #tpu.memory_space<vmem>>
          tpu.enqueue_dma source(%dma_start3A_281 : memref<128x128xf32, #tpu.memory_space<vmem>>) target(%dma_start3A_277 : memref<128x128xf32, #tpu.memory_space<hbm>>) target_semaphore(%dma_start3A_275 : memref<!tpu.dma_semaphore, #tpu.memory_space<semaphore_mem>>)
          "tpu.trace_stop"() : () -> ()
        } else {
        }
        %and3A_217 = arith.constant true
        %and3A_218 = arith.andi %or3A_213, %and3A_217 : i1
        %add3A_219 = arith.constant 1 : i32
        %add3A_220 = arith.addi %scan3A_124, %add3A_219 : i32
        %select_n3A_221 = arith.select %and3A_218, %add3A_220, %scan3A_124 : i32
        %ne3A_222 = arith.cmpi ne, %add3A_131, %add3A_140 : i32
        %or3A_223 = arith.constant false
        %or3A_224 = arith.ori %or3A_223, %ne3A_222 : i1
        %not3A_225 = arith.constant true
        %not3A_226 = arith.xori %eq3A_128, %not3A_225 : i1
        %and3A_227 = arith.andi %or3A_224, %not3A_226 : i1
        %convert_element_type3A_228 = arith.extui %and3A_227 : i1 to i32
        %cond3A_229 = arith.constant 0 : i32
        %cond3A_230 = arith.cmpi ne, %convert_element_type3A_228, %cond3A_229 : i32
        scf.if %cond3A_230 {
        } else {
        }
        %and3A_231 = arith.constant false
        %and3A_232 = arith.andi %and3A_227, %and3A_231 : i1
        %ne3A_233 = arith.cmpi ne, %add3A_131, %add3A_140 : i32
        %or3A_234 = arith.constant false
        %or3A_235 = arith.ori %or3A_234, %ne3A_233 : i1
        %or3A_236 = arith.constant false
        %or3A_237 = arith.ori %or3A_235, %or3A_236 : i1
        %not3A_238 = arith.constant true
        %not3A_239 = arith.xori %eq3A_128, %not3A_238 : i1
        %and3A_240 = arith.andi %or3A_237, %not3A_239 : i1
        %convert_element_type3A_241 = arith.extui %and3A_240 : i1 to i32
        %cond3A_242 = arith.constant 0 : i32
        %cond3A_243 = arith.cmpi ne, %convert_element_type3A_241, %cond3A_242 : i32
        scf.if %cond3A_243 {
          "tpu.trace_start"() <{level = 10 : i32, message = "ep_wait_out"}> : () -> ()
          %rem3A_264 = arith.constant 2 : i32
          %rem3A_265 = arith.remui %scan3A_125, %rem3A_264 : i32
          %mul3A_266 = arith.constant 128 : i32
          %mul3A_267 = arith.muli %mul3A_266, %add3A_140 : i32
          %dma_wait3A_268 = arith.constant 0 : i32
          %dma_wait3A_269 = arith.constant 0 : i32
          %dma_wait3A_270 = tpu.memref_slice %run_scoped3A_8[%rem3A_265, %dma_wait3A_268, %dma_wait3A_269] : memref<2x128x128xf32, #tpu.memory_space<vmem>> -> memref<1x128x128xf32, #tpu.memory_space<vmem>>
          %dma_wait3A_271 = tpu.memref_squeeze %dma_wait3A_270 : memref<1x128x128xf32, #tpu.memory_space<vmem>> -> memref<128x128xf32, #tpu.memory_space<vmem>>
          %dma_wait3A_272 = arith.constant 0 : i32
          %dma_wait3A_273 = tpu.memref_slice %arg4[%mul3A_267, %dma_wait3A_272] : memref<323584x128xf32, #tpu.memory_space<hbm>> -> memref<128x128xf32, #tpu.memory_space<hbm>>
          %dma_wait3A_274 = tpu.memref_slice %run_scoped3A_9[%rem3A_265] : memref<2x!tpu.dma_semaphore, #tpu.memory_space<semaphore_mem>> -> memref<1x!tpu.dma_semaphore, #tpu.memory_space<semaphore_mem>>
          %dma_wait3A_275 = tpu.memref_squeeze %dma_wait3A_274 : memref<1x!tpu.dma_semaphore, #tpu.memory_space<semaphore_mem>> -> memref<!tpu.dma_semaphore, #tpu.memory_space<semaphore_mem>>
          %dma_wait3A_276 = arith.constant 0 : i32
          %dma_wait3A_277 = tpu.memref_slice %arg4[%mul3A_267, %dma_wait3A_276] : memref<323584x128xf32, #tpu.memory_space<hbm>> -> memref<128x128xf32, #tpu.memory_space<hbm>>
          %dma_wait3A_278 = arith.constant 0 : i32
          %dma_wait3A_279 = arith.constant 0 : i32
          %dma_wait3A_280 = tpu.memref_slice %run_scoped3A_8[%rem3A_265, %dma_wait3A_278, %dma_wait3A_279] : memref<2x128x128xf32, #tpu.memory_space<vmem>> -> memref<1x128x128xf32, #tpu.memory_space<vmem>>
          %dma_wait3A_281 = tpu.memref_squeeze %dma_wait3A_280 : memref<1x128x128xf32, #tpu.memory_space<vmem>> -> memref<128x128xf32, #tpu.memory_space<vmem>>
          tpu.wait_dma2 semaphore(%dma_wait3A_275 : memref<!tpu.dma_semaphore, #tpu.memory_space<semaphore_mem>>) src(%dma_wait3A_281 : memref<128x128xf32, #tpu.memory_space<vmem>>) dst(%dma_wait3A_277 : memref<128x128xf32, #tpu.memory_space<hbm>>)
          "tpu.trace_stop"() : () -> ()
        } else {
        }
        %and3A_244 = arith.constant true
        %and3A_245 = arith.andi %and3A_240, %and3A_244 : i1
        %add3A_246 = arith.constant 1 : i32
        %add3A_247 = arith.addi %scan3A_125, %add3A_246 : i32
        %select_n3A_248 = arith.select %and3A_245, %add3A_247, %scan3A_125 : i32
        %ne3A_249 = arith.cmpi ne, %add3A_131, %add3A_149 : i32
        %or3A_250 = arith.constant false
        %or3A_251 = arith.ori %or3A_250, %ne3A_249 : i1
        %or3A_252 = arith.ori %or3A_251, %eq3A_130 : i1
        %add3A_253 = arith.constant 1 : i32
        %add3A_254 = arith.addi %scan3A_123, %add3A_253 : i32
        %select_n3A_255 = arith.select %or3A_252, %add3A_254, %scan3A_123 : i32
        %add3A_256 = arith.constant 1 : i32
        %add3A_257 = arith.addi %scan3A_126, %add3A_256 : i32
        %select_n3A_258 = arith.constant true
        %select_n3A_259 = arith.select %select_n3A_258, %add3A_257, %scan3A_126 : i32
        %eq3A_260 = arith.constant 79 : i32
        %eq3A_261 = arith.cmpi eq, %select_n3A_259, %eq3A_260 : i32
        %select_n3A_262 = arith.constant 0 : i32
        %select_n3A_263 = arith.select %eq3A_261, %select_n3A_262, %select_n3A_259 : i32
        scf.yield %select_n3A_167, %select_n3A_255, %select_n3A_221, %select_n3A_248, %select_n3A_263 : i32, i32, i32, i32, i32
      }
      %scan3A_68 = arith.constant 79 : i32
      %sub3A = arith.constant 1 : i32
      %sub3A_69 = arith.subi %scan3A_67#4, %sub3A : i32
      %select_n3A_70 = arith.constant true
      %select_n3A_71 = arith.select %select_n3A_70, %sub3A_69, %scan3A_67#4 : i32
      %eq3A_72 = arith.constant -1 : i32
      %eq3A_73 = arith.cmpi eq, %select_n3A_71, %eq3A_72 : i32
      %select_n3A_74 = arith.constant 78 : i32
      %select_n3A_75 = arith.select %eq3A_73, %select_n3A_74, %select_n3A_71 : i32
      %add3A_76 = arith.addi %select_n3A_75, %mul3A_6 : i32
      %sub3A_77 = arith.constant 1 : i32
      %sub3A_78 = arith.subi %select_n3A_75, %sub3A_77 : i32
      %select_n3A_79 = arith.constant true
      %select_n3A_80 = arith.select %select_n3A_79, %sub3A_78, %select_n3A_75 : i32
      %eq3A_81 = arith.constant -1 : i32
      %eq3A_82 = arith.cmpi eq, %select_n3A_80, %eq3A_81 : i32
      %select_n3A_83 = arith.constant 78 : i32
      %select_n3A_84 = arith.select %eq3A_82, %select_n3A_83, %select_n3A_80 : i32
      %add3A_85 = arith.addi %select_n3A_84, %mul3A_6 : i32
      %add3A_86 = arith.constant 1 : i32
      %add3A_87 = arith.addi %select_n3A_75, %add3A_86 : i32
      %select_n3A_88 = arith.constant true
      %select_n3A_89 = arith.select %select_n3A_88, %add3A_87, %select_n3A_75 : i32
      %eq3A_90 = arith.constant 79 : i32
      %eq3A_91 = arith.cmpi eq, %select_n3A_89, %eq3A_90 : i32
      %select_n3A_92 = arith.constant 0 : i32
      %select_n3A_93 = arith.select %eq3A_91, %select_n3A_92, %select_n3A_89 : i32
      %add3A_94 = arith.addi %select_n3A_93, %mul3A_6 : i32
      %add3A_95 = arith.constant 1 : i32
      %add3A_96 = arith.addi %select_n3A_93, %add3A_95 : i32
      %select_n3A_97 = arith.constant true
      %select_n3A_98 = arith.select %select_n3A_97, %add3A_96, %select_n3A_93 : i32
      %eq3A_99 = arith.constant 79 : i32
      %eq3A_100 = arith.cmpi eq, %select_n3A_98, %eq3A_99 : i32
      %select_n3A_101 = arith.constant 0 : i32
      %select_n3A_102 = arith.select %eq3A_100, %select_n3A_101, %select_n3A_98 : i32
      %add3A_103 = arith.addi %select_n3A_102, %mul3A_6 : i32
      "tpu.trace_start"() <{level = 10 : i32, message = "ep_finalize"}> : () -> ()
      %rem3A_104 = arith.constant 2 : i32
      %rem3A_105 = arith.remui %scan3A_67#3, %rem3A_104 : i32
      %mul3A_106 = arith.constant 128 : i32
      %mul3A_107 = arith.muli %mul3A_106, %add3A_76 : i32
      %dma_wait3A = arith.constant 0 : i32
      %dma_wait3A_108 = arith.constant 0 : i32
      %dma_wait3A_109 = tpu.memref_slice %run_scoped3A_8[%rem3A_105, %dma_wait3A, %dma_wait3A_108] : memref<2x128x128xf32, #tpu.memory_space<vmem>> -> memref<1x128x128xf32, #tpu.memory_space<vmem>>
      %dma_wait3A_110 = tpu.memref_squeeze %dma_wait3A_109 : memref<1x128x128xf32, #tpu.memory_space<vmem>> -> memref<128x128xf32, #tpu.memory_space<vmem>>
      %dma_wait3A_111 = arith.constant 0 : i32
      %dma_wait3A_112 = tpu.memref_slice %arg4[%mul3A_107, %dma_wait3A_111] : memref<323584x128xf32, #tpu.memory_space<hbm>> -> memref<128x128xf32, #tpu.memory_space<hbm>>
      %dma_wait3A_113 = tpu.memref_slice %run_scoped3A_9[%rem3A_105] : memref<2x!tpu.dma_semaphore, #tpu.memory_space<semaphore_mem>> -> memref<1x!tpu.dma_semaphore, #tpu.memory_space<semaphore_mem>>
      %dma_wait3A_114 = tpu.memref_squeeze %dma_wait3A_113 : memref<1x!tpu.dma_semaphore, #tpu.memory_space<semaphore_mem>> -> memref<!tpu.dma_semaphore, #tpu.memory_space<semaphore_mem>>
      %dma_wait3A_115 = arith.constant 0 : i32
      %dma_wait3A_116 = tpu.memref_slice %arg4[%mul3A_107, %dma_wait3A_115] : memref<323584x128xf32, #tpu.memory_space<hbm>> -> memref<128x128xf32, #tpu.memory_space<hbm>>
      %dma_wait3A_117 = arith.constant 0 : i32
      %dma_wait3A_118 = arith.constant 0 : i32
      %dma_wait3A_119 = tpu.memref_slice %run_scoped3A_8[%rem3A_105, %dma_wait3A_117, %dma_wait3A_118] : memref<2x128x128xf32, #tpu.memory_space<vmem>> -> memref<1x128x128xf32, #tpu.memory_space<vmem>>
      %dma_wait3A_120 = tpu.memref_squeeze %dma_wait3A_119 : memref<1x128x128xf32, #tpu.memory_space<vmem>> -> memref<128x128xf32, #tpu.memory_space<vmem>>
      tpu.wait_dma2 semaphore(%dma_wait3A_114 : memref<!tpu.dma_semaphore, #tpu.memory_space<semaphore_mem>>) src(%dma_wait3A_120 : memref<128x128xf32, #tpu.memory_space<vmem>>) dst(%dma_wait3A_116 : memref<128x128xf32, #tpu.memory_space<hbm>>)
      "tpu.trace_stop"() : () -> ()
      tpu.yield
    }) : () -> ()
    return
  }
}

#map = affine_map<(d0, d1) -> (0, 0)>
module attributes {stable_mosaic.version = 14 : i64} {
  func.func @k(%arg0: i32, %arg1: i32, %arg2: memref<10000x128xf32, #tpu.memory_space<hbm>>, %arg3: memref<1x323584xi32, #tpu.memory_space<hbm>>, %arg4: memref<323584x128xf32, #tpu.memory_space<hbm>>) attributes {dimension_semantics = [#tpu.dimension_semantics<core_parallel>, #tpu.dimension_semantics<subcore_parallel>], iteration_bounds = array<i64: 2, 16>, scalar_prefetch = 0 : i64, scratch_operands = 0 : i64, tpu.core_type = #tpu.core_type<sc_vector_subcore>, window_params = [{transform_indices = #map}, {transform_indices = #map}, {transform_indices = #map}]} {
    %mul3A = arith.constant 1 : i32
    %mul3A_0 = arith.muli %arg1, %mul3A : i32
    %add3A = arith.constant 0 : i32
    %add3A_1 = arith.addi %add3A, %mul3A_0 : i32
    %mul3A_2 = arith.constant 16 : i32
    %mul3A_3 = arith.muli %arg0, %mul3A_2 : i32
    %add3A_4 = arith.addi %add3A_1, %mul3A_3 : i32
    %mul3A_5 = arith.constant 79 : i32
    %mul3A_6 = arith.muli %add3A_4, %mul3A_5 : i32
    "tpu.region"() ({
      %run_scoped3A = memref.alloca() : memref<2x1x128xi32, #tpu.memory_space<vmem>>
      %run_scoped3A_7 = tpu.sem_alloc : memref<2x!tpu.dma_semaphore, #tpu.memory_space<semaphore_mem>>
      %run_scoped3A_8 = memref.alloca() : memref<2x128x128xf32, #tpu.memory_space<vmem>>
      %run_scoped3A_9 = tpu.sem_alloc : memref<2x!tpu.dma_semaphore, #tpu.memory_space<semaphore_mem>>
      %add3A_10 = arith.constant 0 : i32
      %add3A_11 = arith.addi %add3A_10, %mul3A_6 : i32
      %select_n3A = arith.constant true
      %select_n3A_12 = arith.constant 0 : i32
      %select_n3A_13 = arith.constant -1 : i32
      %select_n3A_14 = arith.select %select_n3A, %select_n3A_13, %select_n3A_12 : i32
      %eq3A = arith.constant -1 : i32
      %eq3A_15 = arith.cmpi eq, %select_n3A_14, %eq3A : i32
      %select_n3A_16 = arith.constant 78 : i32
      %select_n3A_17 = arith.select %eq3A_15, %select_n3A_16, %select_n3A_14 : i32
      %add3A_18 = arith.addi %select_n3A_17, %mul3A_6 : i32
      %select_n3A_19 = arith.constant true
      %select_n3A_20 = arith.constant 0 : i32
      %select_n3A_21 = arith.constant 1 : i32
      %select_n3A_22 = arith.select %select_n3A_19, %select_n3A_21, %select_n3A_20 : i32
      %eq3A_23 = arith.constant 79 : i32
      %eq3A_24 = arith.cmpi eq, %select_n3A_22, %eq3A_23 : i32
      %select_n3A_25 = arith.constant 0 : i32
      %select_n3A_26 = arith.select %eq3A_24, %select_n3A_25, %select_n3A_22 : i32
      %add3A_27 = arith.addi %select_n3A_26, %mul3A_6 : i32
      %add3A_28 = arith.constant 1 : i32
      %add3A_29 = arith.addi %select_n3A_26, %add3A_28 : i32
      %select_n3A_30 = arith.constant true
      %select_n3A_31 = arith.select %select_n3A_30, %add3A_29, %select_n3A_26 : i32
      %eq3A_32 = arith.constant 79 : i32
      %eq3A_33 = arith.cmpi eq, %select_n3A_31, %eq3A_32 : i32
      %select_n3A_34 = arith.constant 0 : i32
      %select_n3A_35 = arith.select %eq3A_33, %select_n3A_34, %select_n3A_31 : i32
      %add3A_36 = arith.addi %select_n3A_35, %mul3A_6 : i32
      "tpu.trace_start"() <{level = 10 : i32, message = "ep_initialize_0"}> : () -> ()
      %rem3A = arith.constant 0 : i32
      %rem3A_37 = arith.constant 2 : i32
      %rem3A_38 = arith.remui %rem3A, %rem3A_37 : i32
      %mul3A_39 = arith.constant 128 : i32
      %mul3A_40 = arith.muli %mul3A_39, %add3A_11 : i32
      %dma_start3A = arith.constant 0 : i32
      %dma_start3A_41 = arith.constant 0 : i32
      %dma_start3A_42 = tpu.memref_slice %run_scoped3A[%rem3A_38, %dma_start3A, %dma_start3A_41] : memref<2x1x128xi32, #tpu.memory_space<vmem>> -> memref<1x1x128xi32, #tpu.memory_space<vmem>>
      %dma_start3A_43 = tpu.memref_squeeze %dma_start3A_42 : memref<1x1x128xi32, #tpu.memory_space<vmem>> -> memref<1x128xi32, #tpu.memory_space<vmem>>
      %dma_start3A_44 = arith.constant 0 : i32
      %dma_start3A_45 = tpu.memref_slice %arg3[%dma_start3A_44, %mul3A_40] : memref<1x323584xi32, #tpu.memory_space<hbm>> -> memref<1x128xi32, #tpu.memory_space<hbm>>
      %dma_start3A_46 = tpu.memref_slice %run_scoped3A_7[%rem3A_38] : memref<2x!tpu.dma_semaphore, #tpu.memory_space<semaphore_mem>> -> memref<1x!tpu.dma_semaphore, #tpu.memory_space<semaphore_mem>>
      %dma_start3A_47 = tpu.memref_squeeze %dma_start3A_46 : memref<1x!tpu.dma_semaphore, #tpu.memory_space<semaphore_mem>> -> memref<!tpu.dma_semaphore, #tpu.memory_space<semaphore_mem>>
      %dma_start3A_48 = arith.constant 0 : i32
      %dma_start3A_49 = arith.constant 0 : i32
      %dma_start3A_50 = tpu.memref_slice %run_scoped3A[%rem3A_38, %dma_start3A_48, %dma_start3A_49] : memref<2x1x128xi32, #tpu.memory_space<vmem>> -> memref<1x1x128xi32, #tpu.memory_space<vmem>>
      %dma_start3A_51 = tpu.memref_squeeze %dma_start3A_50 : memref<1x1x128xi32, #tpu.memory_space<vmem>> -> memref<1x128xi32, #tpu.memory_space<vmem>>
      %dma_start3A_52 = arith.constant 0 : i32
      %dma_start3A_53 = tpu.memref_slice %arg3[%dma_start3A_52, %mul3A_40] : memref<1x323584xi32, #tpu.memory_space<hbm>> -> memref<1x128xi32, #tpu.memory_space<hbm>>
      tpu.enqueue_dma source(%dma_start3A_53 : memref<1x128xi32, #tpu.memory_space<hbm>>) target(%dma_start3A_51 : memref<1x128xi32, #tpu.memory_space<vmem>>) target_semaphore(%dma_start3A_47 : memref<!tpu.dma_semaphore, #tpu.memory_space<semaphore_mem>>)
      %add3A_54 = arith.constant 0 : i32
      %add3A_55 = arith.constant 1 : i32
      %add3A_56 = arith.addi %add3A_54, %add3A_55 : i32
      %select_n3A_57 = arith.constant true
      %select_n3A_58 = arith.constant 0 : i32
      %select_n3A_59 = arith.select %select_n3A_57, %add3A_56, %select_n3A_58 : i32
      "tpu.trace_stop"() : () -> ()
      %scan3A = arith.constant 0 : i32
      %scan3A_60 = arith.constant 0 : i32
      %scan3A_61 = arith.constant 0 : i32
      %scan3A_62 = arith.constant 0 : i32
      %scan3A_63 = arith.constant 0 : i32
      %scan3A_64 = arith.constant 79 : i32
      %scan3A_65 = arith.addi %scan3A_63, %scan3A_64 : i32
      %scan3A_66 = arith.constant 1 : i32
      %scan3A_67:5 = scf.for %scan3A_121 = %scan3A_63 to %scan3A_65 step %scan3A_66 iter_args(%scan3A_122 = %select_n3A_59, %scan3A_123 = %scan3A, %scan3A_124 = %scan3A_60, %scan3A_125 = %scan3A_61, %scan3A_126 = %scan3A_62) -> (i32, i32, i32, i32, i32)  : i32 {
        %eq3A_127 = arith.constant 0 : i32
        %eq3A_128 = arith.cmpi eq, %scan3A_121, %eq3A_127 : i32
        %eq3A_129 = arith.constant 78 : i32
        %eq3A_130 = arith.cmpi eq, %scan3A_121, %eq3A_129 : i32
        %add3A_131 = arith.addi %scan3A_126, %mul3A_6 : i32
        %sub3A_132 = arith.constant 1 : i32
        %sub3A_133 = arith.subi %scan3A_126, %sub3A_132 : i32
        %select_n3A_134 = arith.constant true
        %select_n3A_135 = arith.select %select_n3A_134, %sub3A_133, %scan3A_126 : i32
        %eq3A_136 = arith.constant -1 : i32
        %eq3A_137 = arith.cmpi eq, %select_n3A_135, %eq3A_136 : i32
        %select_n3A_138 = arith.constant 78 : i32
        %select_n3A_139 = arith.select %eq3A_137, %select_n3A_138, %select_n3A_135 : i32
        %add3A_140 = arith.addi %select_n3A_139, %mul3A_6 : i32
        %add3A_141 = arith.constant 1 : i32
        %add3A_142 = arith.addi %scan3A_126, %add3A_141 : i32
        %select_n3A_143 = arith.constant true
        %select_n3A_144 = arith.select %select_n3A_143, %add3A_142, %scan3A_126 : i32
        %eq3A_145 = arith.constant 79 : i32
        %eq3A_146 = arith.cmpi eq, %select_n3A_144, %eq3A_145 : i32
        %select_n3A_147 = arith.constant 0 : i32
        %select_n3A_148 = arith.select %eq3A_146, %select_n3A_147, %select_n3A_144 : i32
        %add3A_149 = arith.addi %select_n3A_148, %mul3A_6 : i32
        %add3A_150 = arith.constant 1 : i32
        %add3A_151 = arith.addi %select_n3A_148, %add3A_150 : i32
        %select_n3A_152 = arith.constant true
        %select_n3A_153 = arith.select %select_n3A_152, %add3A_151, %select_n3A_148 : i32
        %eq3A_154 = arith.constant 79 : i32
        %eq3A_155 = arith.cmpi eq, %select_n3A_153, %eq3A_154 : i32
        %select_n3A_156 = arith.constant 0 : i32
        %select_n3A_157 = arith.select %eq3A_155, %select_n3A_156, %select_n3A_153 : i32
        %add3A_158 = arith.addi %select_n3A_157, %mul3A_6 : i32
        %ne3A = arith.cmpi ne, %add3A_131, %add3A_149 : i32
        %or3A = arith.constant false
        %or3A_159 = arith.ori %or3A, %ne3A : i1
        %ge3A = arith.constant 78 : i32
        %ge3A_160 = arith.cmpi sge, %scan3A_121, %ge3A : i32
        %not3A = arith.constant true
        %not3A_161 = arith.xori %ge3A_160, %not3A : i1
        %and3A = arith.andi %or3A_159, %not3A_161 : i1
        %convert_element_type3A = arith.extui %and3A : i1 to i32
        %cond3A = arith.constant 0 : i32
        %cond3A_162 = arith.cmpi ne, %convert_element_type3A, %cond3A : i32
        scf.if %cond3A_162 {
          "tpu.trace_start"() <{level = 10 : i32, message = "ep_copy_in"}> : () -> ()
          %rem3A_264 = arith.constant 2 : i32
          %rem3A_265 = arith.remui %scan3A_122, %rem3A_264 : i32
          %mul3A_266 = arith.constant 128 : i32
          %mul3A_267 = arith.muli %mul3A_266, %add3A_149 : i32
          %dma_start3A_268 = arith.constant 0 : i32
          %dma_start3A_269 = arith.constant 0 : i32
          %dma_start3A_270 = tpu.memref_slice %run_scoped3A[%rem3A_265, %dma_start3A_268, %dma_start3A_269] : memref<2x1x128xi32, #tpu.memory_space<vmem>> -> memref<1x1x128xi32, #tpu.memory_space<vmem>>
          %dma_start3A_271 = tpu.memref_squeeze %dma_start3A_270 : memref<1x1x128xi32, #tpu.memory_space<vmem>> -> memref<1x128xi32, #tpu.memory_space<vmem>>
          %dma_start3A_272 = arith.constant 0 : i32
          %dma_start3A_273 = tpu.memref_slice %arg3[%dma_start3A_272, %mul3A_267] : memref<1x323584xi32, #tpu.memory_space<hbm>> -> memref<1x128xi32, #tpu.memory_space<hbm>>
          %dma_start3A_274 = tpu.memref_slice %run_scoped3A_7[%rem3A_265] : memref<2x!tpu.dma_semaphore, #tpu.memory_space<semaphore_mem>> -> memref<1x!tpu.dma_semaphore, #tpu.memory_space<semaphore_mem>>
          %dma_start3A_275 = tpu.memref_squeeze %dma_start3A_274 : memref<1x!tpu.dma_semaphore, #tpu.memory_space<semaphore_mem>> -> memref<!tpu.dma_semaphore, #tpu.memory_space<semaphore_mem>>
          %dma_start3A_276 = arith.constant 0 : i32
          %dma_start3A_277 = arith.constant 0 : i32
          %dma_start3A_278 = tpu.memref_slice %run_scoped3A[%rem3A_265, %dma_start3A_276, %dma_start3A_277] : memref<2x1x128xi32, #tpu.memory_space<vmem>> -> memref<1x1x128xi32, #tpu.memory_space<vmem>>
          %dma_start3A_279 = tpu.memref_squeeze %dma_start3A_278 : memref<1x1x128xi32, #tpu.memory_space<vmem>> -> memref<1x128xi32, #tpu.memory_space<vmem>>
          %dma_start3A_280 = arith.constant 0 : i32
          %dma_start3A_281 = tpu.memref_slice %arg3[%dma_start3A_280, %mul3A_267] : memref<1x323584xi32, #tpu.memory_space<hbm>> -> memref<1x128xi32, #tpu.memory_space<hbm>>
          tpu.enqueue_dma source(%dma_start3A_281 : memref<1x128xi32, #tpu.memory_space<hbm>>) target(%dma_start3A_279 : memref<1x128xi32, #tpu.memory_space<vmem>>) target_semaphore(%dma_start3A_275 : memref<!tpu.dma_semaphore, #tpu.memory_space<semaphore_mem>>)
          "tpu.trace_stop"() : () -> ()
        } else {
        }
        %and3A_163 = arith.constant true
        %and3A_164 = arith.andi %and3A, %and3A_163 : i1
        %add3A_165 = arith.constant 1 : i32
        %add3A_166 = arith.addi %scan3A_122, %add3A_165 : i32
        %select_n3A_167 = arith.select %and3A_164, %add3A_166, %scan3A_122 : i32
        %ne3A_168 = arith.cmpi ne, %add3A_131, %add3A_149 : i32
        %or3A_169 = arith.constant false
        %or3A_170 = arith.ori %or3A_169, %ne3A_168 : i1
        %or3A_171 = arith.constant false
        %or3A_172 = arith.ori %or3A_170, %or3A_171 : i1
        %ge3A_173 = arith.constant 78 : i32
        %ge3A_174 = arith.cmpi sge, %scan3A_121, %ge3A_173 : i32
        %not3A_175 = arith.constant true
        %not3A_176 = arith.xori %ge3A_174, %not3A_175 : i1
        %and3A_177 = arith.andi %or3A_172, %not3A_176 : i1
        %ne3A_178 = arith.cmpi ne, %add3A_131, %add3A_140 : i32
        %or3A_179 = arith.constant false
        %or3A_180 = arith.ori %or3A_179, %ne3A_178 : i1
        %or3A_181 = arith.ori %or3A_180, %eq3A_128 : i1
        %convert_element_type3A_182 = arith.extui %or3A_181 : i1 to i32
        %cond3A_183 = arith.constant 0 : i32
        %cond3A_184 = arith.cmpi ne, %convert_element_type3A_182, %cond3A_183 : i32
        scf.if %cond3A_184 {
          "tpu.trace_start"() <{level = 10 : i32, message = "ep_wait_in"}> : () -> ()
          %mul3A_264 = arith.constant 128 : i32
          %mul3A_265 = arith.muli %mul3A_264, %add3A_131 : i32
          %rem3A_266 = arith.constant 2 : i32
          %rem3A_267 = arith.remui %scan3A_123, %rem3A_266 : i32
          %dma_wait3A_268 = arith.constant 0 : i32
          %dma_wait3A_269 = arith.constant 0 : i32
          %dma_wait3A_270 = tpu.memref_slice %run_scoped3A[%rem3A_267, %dma_wait3A_268, %dma_wait3A_269] : memref<2x1x128xi32, #tpu.memory_space<vmem>> -> memref<1x1x128xi32, #tpu.memory_space<vmem>>
          %dma_wait3A_271 = tpu.memref_squeeze %dma_wait3A_270 : memref<1x1x128xi32, #tpu.memory_space<vmem>> -> memref<1x128xi32, #tpu.memory_space<vmem>>
          %dma_wait3A_272 = arith.constant 0 : i32
          %dma_wait3A_273 = tpu.memref_slice %arg3[%dma_wait3A_272, %mul3A_265] : memref<1x323584xi32, #tpu.memory_space<hbm>> -> memref<1x128xi32, #tpu.memory_space<hbm>>
          %dma_wait3A_274 = tpu.memref_slice %run_scoped3A_7[%rem3A_267] : memref<2x!tpu.dma_semaphore, #tpu.memory_space<semaphore_mem>> -> memref<1x!tpu.dma_semaphore, #tpu.memory_space<semaphore_mem>>
          %dma_wait3A_275 = tpu.memref_squeeze %dma_wait3A_274 : memref<1x!tpu.dma_semaphore, #tpu.memory_space<semaphore_mem>> -> memref<!tpu.dma_semaphore, #tpu.memory_space<semaphore_mem>>
          %dma_wait3A_276 = arith.constant 0 : i32
          %dma_wait3A_277 = arith.constant 0 : i32
          %dma_wait3A_278 = tpu.memref_slice %run_scoped3A[%rem3A_267, %dma_wait3A_276, %dma_wait3A_277] : memref<2x1x128xi32, #tpu.memory_space<vmem>> -> memref<1x1x128xi32, #tpu.memory_space<vmem>>
          %dma_wait3A_279 = tpu.memref_squeeze %dma_wait3A_278 : memref<1x1x128xi32, #tpu.memory_space<vmem>> -> memref<1x128xi32, #tpu.memory_space<vmem>>
          %dma_wait3A_280 = arith.constant 0 : i32
          %dma_wait3A_281 = tpu.memref_slice %arg3[%dma_wait3A_280, %mul3A_265] : memref<1x323584xi32, #tpu.memory_space<hbm>> -> memref<1x128xi32, #tpu.memory_space<hbm>>
          tpu.wait_dma2 semaphore(%dma_wait3A_275 : memref<!tpu.dma_semaphore, #tpu.memory_space<semaphore_mem>>) src(%dma_wait3A_281 : memref<1x128xi32, #tpu.memory_space<hbm>>) dst(%dma_wait3A_279 : memref<1x128xi32, #tpu.memory_space<vmem>>)
          "tpu.trace_stop"() : () -> ()
        } else {
        }
        %ne3A_185 = arith.cmpi ne, %add3A_131, %add3A_140 : i32
        %or3A_186 = arith.constant false
        %or3A_187 = arith.ori %or3A_186, %ne3A_185 : i1
        %or3A_188 = arith.constant false
        %or3A_189 = arith.ori %or3A_187, %or3A_188 : i1
        %or3A_190 = arith.ori %or3A_189, %eq3A_128 : i1
        %convert_element_type3A_191 = arith.extui %or3A_190 : i1 to i32
        %cond3A_192 = arith.constant 0 : i32
        %cond3A_193 = arith.cmpi ne, %convert_element_type3A_191, %cond3A_192 : i32
        scf.if %cond3A_193 {
        } else {
        }
        %rem3A_194 = arith.constant 2 : i32
        %rem3A_195 = arith.remui %scan3A_123, %rem3A_194 : i32
        %rem3A_196 = arith.constant 2 : i32
        %rem3A_197 = arith.remui %scan3A_124, %rem3A_196 : i32
        %run_scoped3A_198 = arith.constant 0 : i32
        "tpu.trace_start"() <{level = 10 : i32, message = "ep_run_kernel"}> : () -> ()
        "tpu.region"() ({
          %run_scoped3A_264 = tpu.sem_alloc : memref<!tpu.dma_semaphore, #tpu.memory_space<semaphore_mem>>
          %dma_start3A_265 = arith.constant 0 : i32
          %dma_start3A_266 = arith.constant 0 : i32
          %dma_start3A_267 = tpu.memref_slice %run_scoped3A_8[%rem3A_197, %dma_start3A_265, %dma_start3A_266] : memref<2x128x128xf32, #tpu.memory_space<vmem>> -> memref<1x128x128xf32, #tpu.memory_space<vmem>>
          %dma_start3A_268 = tpu.memref_squeeze %dma_start3A_267 : memref<1x128x128xf32, #tpu.memory_space<vmem>> -> memref<128x128xf32, #tpu.memory_space<vmem>>
          %dma_start3A_269 = arith.constant 0 : i32
          %dma_start3A_270 = arith.constant 0 : i32
          %dma_start3A_271 = tpu.memref_slice %run_scoped3A[%rem3A_195, %dma_start3A_269, %dma_start3A_270] : memref<2x1x128xi32, #tpu.memory_space<vmem>> -> memref<1x1x128xi32, #tpu.memory_space<vmem>>
          %dma_start3A_272 = tpu.memref_squeeze %dma_start3A_271 : memref<1x1x128xi32, #tpu.memory_space<vmem>> -> memref<1x128xi32, #tpu.memory_space<vmem>>
          %dma_start3A_273 = arith.constant 0 : i32
          %dma_start3A_274 = tpu.memref_slice %dma_start3A_272[%run_scoped3A_198, %dma_start3A_273] : memref<1x128xi32, #tpu.memory_space<vmem>> -> memref<1x128xi32, #tpu.memory_space<vmem>>
          %dma_start3A_275 = tpu.memref_squeeze %dma_start3A_274 : memref<1x128xi32, #tpu.memory_space<vmem>> -> memref<128xi32, #tpu.memory_space<vmem>>
          %dma_start3A_276 = arith.constant 0 : i32
          %dma_start3A_277 = arith.constant 0 : i32
          %dma_start3A_278 = tpu.memref_slice %arg2[%dma_start3A_276, %dma_start3A_277] : memref<10000x128xf32, #tpu.memory_space<hbm>> -> memref<10000x128xf32, #tpu.memory_space<hbm>>
          tpu.enqueue_indirect_dma source(%dma_start3A_278 : memref<10000x128xf32, #tpu.memory_space<hbm>>) target(%dma_start3A_268 : memref<128x128xf32, #tpu.memory_space<vmem>>) offsets(%dma_start3A_275 : memref<128xi32, #tpu.memory_space<vmem>>) semaphore(%run_scoped3A_264 : memref<!tpu.dma_semaphore, #tpu.memory_space<semaphore_mem>>)
          %dma_wait3A_279 = arith.constant 0 : i32
          %dma_wait3A_280 = arith.constant 0 : i32
          %dma_wait3A_281 = tpu.memref_slice %run_scoped3A_8[%rem3A_197, %dma_wait3A_279, %dma_wait3A_280] : memref<2x128x128xf32, #tpu.memory_space<vmem>> -> memref<1x128x128xf32, #tpu.memory_space<vmem>>
          %dma_wait3A_282 = tpu.memref_squeeze %dma_wait3A_281 : memref<1x128x128xf32, #tpu.memory_space<vmem>> -> memref<128x128xf32, #tpu.memory_space<vmem>>
          %dma_wait3A_283 = arith.constant 0 : i32
          %dma_wait3A_284 = arith.constant 0 : i32
          %dma_wait3A_285 = tpu.memref_slice %run_scoped3A[%rem3A_195, %dma_wait3A_283, %dma_wait3A_284] : memref<2x1x128xi32, #tpu.memory_space<vmem>> -> memref<1x1x128xi32, #tpu.memory_space<vmem>>
          %dma_wait3A_286 = tpu.memref_squeeze %dma_wait3A_285 : memref<1x1x128xi32, #tpu.memory_space<vmem>> -> memref<1x128xi32, #tpu.memory_space<vmem>>
          %dma_wait3A_287 = arith.constant 0 : i32
          %dma_wait3A_288 = tpu.memref_slice %dma_wait3A_286[%run_scoped3A_198, %dma_wait3A_287] : memref<1x128xi32, #tpu.memory_space<vmem>> -> memref<1x128xi32, #tpu.memory_space<vmem>>
          %dma_wait3A_289 = tpu.memref_squeeze %dma_wait3A_288 : memref<1x128xi32, #tpu.memory_space<vmem>> -> memref<128xi32, #tpu.memory_space<vmem>>
          %dma_wait3A_290 = arith.constant 0 : i32
          %dma_wait3A_291 = arith.constant 0 : i32
          %dma_wait3A_292 = tpu.memref_slice %arg2[%dma_wait3A_290, %dma_wait3A_291] : memref<10000x128xf32, #tpu.memory_space<hbm>> -> memref<10000x128xf32, #tpu.memory_space<hbm>>
          tpu.wait_indirect_dma semaphore(%run_scoped3A_264 : memref<!tpu.dma_semaphore, #tpu.memory_space<semaphore_mem>>) src(%dma_wait3A_292 : memref<10000x128xf32, #tpu.memory_space<hbm>>) dst(%dma_wait3A_282 : memref<128x128xf32, #tpu.memory_space<vmem>>)
          tpu.yield
        }) : () -> ()
        "tpu.trace_stop"() : () -> ()
        %ne3A_199 = arith.cmpi ne, %add3A_131, %add3A_149 : i32
        %or3A_200 = arith.constant false
        %or3A_201 = arith.ori %or3A_200, %ne3A_199 : i1
        %or3A_202 = arith.ori %or3A_201, %eq3A_130 : i1
        %convert_element_type3A_203 = arith.extui %or3A_202 : i1 to i32
        %cond3A_204 = arith.constant 0 : i32
        %cond3A_205 = arith.cmpi ne, %convert_element_type3A_203, %cond3A_204 : i32
        scf.if %cond3A_205 {
        } else {
        }
        %and3A_206 = arith.constant false
        %and3A_207 = arith.andi %or3A_202, %and3A_206 : i1
        %ne3A_208 = arith.cmpi ne, %add3A_131, %add3A_149 : i32
        %or3A_209 = arith.constant false
        %or3A_210 = arith.ori %or3A_209, %ne3A_208 : i1
        %or3A_211 = arith.constant false
        %or3A_212 = arith.ori %or3A_210, %or3A_211 : i1
        %or3A_213 = arith.ori %or3A_212, %eq3A_130 : i1
        %convert_element_type3A_214 = arith.extui %or3A_213 : i1 to i32
        %cond3A_215 = arith.constant 0 : i32
        %cond3A_216 = arith.cmpi ne, %convert_element_type3A_214, %cond3A_215 : i32
        scf.if %cond3A_216 {
          "tpu.trace_start"() <{level = 10 : i32, message = "ep_copy_out"}> : () -> ()
          %rem3A_264 = arith.constant 2 : i32
          %rem3A_265 = arith.remui %scan3A_124, %rem3A_264 : i32
          %mul3A_266 = arith.constant 128 : i32
          %mul3A_267 = arith.muli %mul3A_266, %add3A_131 : i32
          %dma_start3A_268 = arith.constant 0 : i32
          %dma_start3A_269 = arith.constant 0 : i32
          %dma_start3A_270 = tpu.memref_slice %run_scoped3A_8[%rem3A_265, %dma_start3A_268, %dma_start3A_269] : memref<2x128x128xf32, #tpu.memory_space<vmem>> -> memref<1x128x128xf32, #tpu.memory_space<vmem>>
          %dma_start3A_271 = tpu.memref_squeeze %dma_start3A_270 : memref<1x128x128xf32, #tpu.memory_space<vmem>> -> memref<128x128xf32, #tpu.memory_space<vmem>>
          %dma_start3A_272 = arith.constant 0 : i32
          %dma_start3A_273 = tpu.memref_slice %arg4[%mul3A_267, %dma_start3A_272] : memref<323584x128xf32, #tpu.memory_space<hbm>> -> memref<128x128xf32, #tpu.memory_space<hbm>>
          %dma_start3A_274 = tpu.memref_slice %run_scoped3A_9[%rem3A_265] : memref<2x!tpu.dma_semaphore, #tpu.memory_space<semaphore_mem>> -> memref<1x!tpu.dma_semaphore, #tpu.memory_space<semaphore_mem>>
          %dma_start3A_275 = tpu.memref_squeeze %dma_start3A_274 : memref<1x!tpu.dma_semaphore, #tpu.memory_space<semaphore_mem>> -> memref<!tpu.dma_semaphore, #tpu.memory_space<semaphore_mem>>
          %dma_start3A_276 = arith.constant 0 : i32
          %dma_start3A_277 = tpu.memref_slice %arg4[%mul3A_267, %dma_start3A_276] : memref<323584x128xf32, #tpu.memory_space<hbm>> -> memref<128x128xf32, #tpu.memory_space<hbm>>
          %dma_start3A_278 = arith.constant 0 : i32
          %dma_start3A_279 = arith.constant 0 : i32
          %dma_start3A_280 = tpu.memref_slice %run_scoped3A_8[%rem3A_265, %dma_start3A_278, %dma_start3A_279] : memref<2x128x128xf32, #tpu.memory_space<vmem>> -> memref<1x128x128xf32, #tpu.memory_space<vmem>>
          %dma_start3A_281 = tpu.memref_squeeze %dma_start3A_280 : memref<1x128x128xf32, #tpu.memory_space<vmem>> -> memref<128x128xf32, #tpu.memory_space<vmem>>
          tpu.enqueue_dma source(%dma_start3A_281 : memref<128x128xf32, #tpu.memory_space<vmem>>) target(%dma_start3A_277 : memref<128x128xf32, #tpu.memory_space<hbm>>) target_semaphore(%dma_start3A_275 : memref<!tpu.dma_semaphore, #tpu.memory_space<semaphore_mem>>)
          "tpu.trace_stop"() : () -> ()
        } else {
        }
        %and3A_217 = arith.constant true
        %and3A_218 = arith.andi %or3A_213, %and3A_217 : i1
        %add3A_219 = arith.constant 1 : i32
        %add3A_220 = arith.addi %scan3A_124, %add3A_219 : i32
        %select_n3A_221 = arith.select %and3A_218, %add3A_220, %scan3A_124 : i32
        %ne3A_222 = arith.cmpi ne, %add3A_131, %add3A_140 : i32
        %or3A_223 = arith.constant false
        %or3A_224 = arith.ori %or3A_223, %ne3A_222 : i1
        %not3A_225 = arith.constant true
        %not3A_226 = arith.xori %eq3A_128, %not3A_225 : i1
        %and3A_227 = arith.andi %or3A_224, %not3A_226 : i1
        %convert_element_type3A_228 = arith.extui %and3A_227 : i1 to i32
        %cond3A_229 = arith.constant 0 : i32
        %cond3A_230 = arith.cmpi ne, %convert_element_type3A_228, %cond3A_229 : i32
        scf.if %cond3A_230 {
        } else {
        }
        %and3A_231 = arith.constant false
        %and3A_232 = arith.andi %and3A_227, %and3A_231 : i1
        %ne3A_233 = arith.cmpi ne, %add3A_131, %add3A_140 : i32
        %or3A_234 = arith.constant false
        %or3A_235 = arith.ori %or3A_234, %ne3A_233 : i1
        %or3A_236 = arith.constant false
        %or3A_237 = arith.ori %or3A_235, %or3A_236 : i1
        %not3A_238 = arith.constant true
        %not3A_239 = arith.xori %eq3A_128, %not3A_238 : i1
        %and3A_240 = arith.andi %or3A_237, %not3A_239 : i1
        %convert_element_type3A_241 = arith.extui %and3A_240 : i1 to i32
        %cond3A_242 = arith.constant 0 : i32
        %cond3A_243 = arith.cmpi ne, %convert_element_type3A_241, %cond3A_242 : i32
        scf.if %cond3A_243 {
          "tpu.trace_start"() <{level = 10 : i32, message = "ep_wait_out"}> : () -> ()
          %rem3A_264 = arith.constant 2 : i32
          %rem3A_265 = arith.remui %scan3A_125, %rem3A_264 : i32
          %mul3A_266 = arith.constant 128 : i32
          %mul3A_267 = arith.muli %mul3A_266, %add3A_140 : i32
          %dma_wait3A_268 = arith.constant 0 : i32
          %dma_wait3A_269 = arith.constant 0 : i32
          %dma_wait3A_270 = tpu.memref_slice %run_scoped3A_8[%rem3A_265, %dma_wait3A_268, %dma_wait3A_269] : memref<2x128x128xf32, #tpu.memory_space<vmem>> -> memref<1x128x128xf32, #tpu.memory_space<vmem>>
          %dma_wait3A_271 = tpu.memref_squeeze %dma_wait3A_270 : memref<1x128x128xf32, #tpu.memory_space<vmem>> -> memref<128x128xf32, #tpu.memory_space<vmem>>
          %dma_wait3A_272 = arith.constant 0 : i32
          %dma_wait3A_273 = tpu.memref_slice %arg4[%mul3A_267, %dma_wait3A_272] : memref<323584x128xf32, #tpu.memory_space<hbm>> -> memref<128x128xf32, #tpu.memory_space<hbm>>
          %dma_wait3A_274 = tpu.memref_slice %run_scoped3A_9[%rem3A_265] : memref<2x!tpu.dma_semaphore, #tpu.memory_space<semaphore_mem>> -> memref<1x!tpu.dma_semaphore, #tpu.memory_space<semaphore_mem>>
          %dma_wait3A_275 = tpu.memref_squeeze %dma_wait3A_274 : memref<1x!tpu.dma_semaphore, #tpu.memory_space<semaphore_mem>> -> memref<!tpu.dma_semaphore, #tpu.memory_space<semaphore_mem>>
          %dma_wait3A_276 = arith.constant 0 : i32
          %dma_wait3A_277 = tpu.memref_slice %arg4[%mul3A_267, %dma_wait3A_276] : memref<323584x128xf32, #tpu.memory_space<hbm>> -> memref<128x128xf32, #tpu.memory_space<hbm>>
          %dma_wait3A_278 = arith.constant 0 : i32
          %dma_wait3A_279 = arith.constant 0 : i32
          %dma_wait3A_280 = tpu.memref_slice %run_scoped3A_8[%rem3A_265, %dma_wait3A_278, %dma_wait3A_279] : memref<2x128x128xf32, #tpu.memory_space<vmem>> -> memref<1x128x128xf32, #tpu.memory_space<vmem>>
          %dma_wait3A_281 = tpu.memref_squeeze %dma_wait3A_280 : memref<1x128x128xf32, #tpu.memory_space<vmem>> -> memref<128x128xf32, #tpu.memory_space<vmem>>
          tpu.wait_dma2 semaphore(%dma_wait3A_275 : memref<!tpu.dma_semaphore, #tpu.memory_space<semaphore_mem>>) src(%dma_wait3A_281 : memref<128x128xf32, #tpu.memory_space<vmem>>) dst(%dma_wait3A_277 : memref<128x128xf32, #tpu.memory_space<hbm>>)
          "tpu.trace_stop"() : () -> ()
        } else {
        }
        %and3A_244 = arith.constant true
        %and3A_245 = arith.andi %and3A_240, %and3A_244 : i1
        %add3A_246 = arith.constant 1 : i32
        %add3A_247 = arith.addi %scan3A_125, %add3A_246 : i32
        %select_n3A_248 = arith.select %and3A_245, %add3A_247, %scan3A_125 : i32
        %ne3A_249 = arith.cmpi ne, %add3A_131, %add3A_149 : i32
        %or3A_250 = arith.constant false
        %or3A_251 = arith.ori %or3A_250, %ne3A_249 : i1
        %or3A_252 = arith.ori %or3A_251, %eq3A_130 : i1
        %add3A_253 = arith.constant 1 : i32
        %add3A_254 = arith.addi %scan3A_123, %add3A_253 : i32
        %select_n3A_255 = arith.select %or3A_252, %add3A_254, %scan3A_123 : i32
        %add3A_256 = arith.constant 1 : i32
        %add3A_257 = arith.addi %scan3A_126, %add3A_256 : i32
        %select_n3A_258 = arith.constant true
        %select_n3A_259 = arith.select %select_n3A_258, %add3A_257, %scan3A_126 : i32
        %eq3A_260 = arith.constant 79 : i32
        %eq3A_261 = arith.cmpi eq, %select_n3A_259, %eq3A_260 : i32
        %select_n3A_262 = arith.constant 0 : i32
        %select_n3A_263 = arith.select %eq3A_261, %select_n3A_262, %select_n3A_259 : i32
        scf.yield %select_n3A_167, %select_n3A_255, %select_n3A_221, %select_n3A_248, %select_n3A_263 : i32, i32, i32, i32, i32
      }
      %scan3A_68 = arith.constant 79 : i32
      %sub3A = arith.constant 1 : i32
      %sub3A_69 = arith.subi %scan3A_67#4, %sub3A : i32
      %select_n3A_70 = arith.constant true
      %select_n3A_71 = arith.select %select_n3A_70, %sub3A_69, %scan3A_67#4 : i32
      %eq3A_72 = arith.constant -1 : i32
      %eq3A_73 = arith.cmpi eq, %select_n3A_71, %eq3A_72 : i32
      %select_n3A_74 = arith.constant 78 : i32
      %select_n3A_75 = arith.select %eq3A_73, %select_n3A_74, %select_n3A_71 : i32
      %add3A_76 = arith.addi %select_n3A_75, %mul3A_6 : i32
      %sub3A_77 = arith.constant 1 : i32
      %sub3A_78 = arith.subi %select_n3A_75, %sub3A_77 : i32
      %select_n3A_79 = arith.constant true
      %select_n3A_80 = arith.select %select_n3A_79, %sub3A_78, %select_n3A_75 : i32
      %eq3A_81 = arith.constant -1 : i32
      %eq3A_82 = arith.cmpi eq, %select_n3A_80, %eq3A_81 : i32
      %select_n3A_83 = arith.constant 78 : i32
      %select_n3A_84 = arith.select %eq3A_82, %select_n3A_83, %select_n3A_80 : i32
      %add3A_85 = arith.addi %select_n3A_84, %mul3A_6 : i32
      %add3A_86 = arith.constant 1 : i32
      %add3A_87 = arith.addi %select_n3A_75, %add3A_86 : i32
      %select_n3A_88 = arith.constant true
      %select_n3A_89 = arith.select %select_n3A_88, %add3A_87, %select_n3A_75 : i32
      %eq3A_90 = arith.constant 79 : i32
      %eq3A_91 = arith.cmpi eq, %select_n3A_89, %eq3A_90 : i32
      %select_n3A_92 = arith.constant 0 : i32
      %select_n3A_93 = arith.select %eq3A_91, %select_n3A_92, %select_n3A_89 : i32
      %add3A_94 = arith.addi %select_n3A_93, %mul3A_6 : i32
      %add3A_95 = arith.constant 1 : i32
      %add3A_96 = arith.addi %select_n3A_93, %add3A_95 : i32
      %select_n3A_97 = arith.constant true
      %select_n3A_98 = arith.select %select_n3A_97, %add3A_96, %select_n3A_93 : i32
      %eq3A_99 = arith.constant 79 : i32
      %eq3A_100 = arith.cmpi eq, %select_n3A_98, %eq3A_99 : i32
      %select_n3A_101 = arith.constant 0 : i32
      %select_n3A_102 = arith.select %eq3A_100, %select_n3A_101, %select_n3A_98 : i32
      %add3A_103 = arith.addi %select_n3A_102, %mul3A_6 : i32
      "tpu.trace_start"() <{level = 10 : i32, message = "ep_finalize"}> : () -> ()
      %rem3A_104 = arith.constant 2 : i32
      %rem3A_105 = arith.remui %scan3A_67#3, %rem3A_104 : i32
      %mul3A_106 = arith.constant 128 : i32
      %mul3A_107 = arith.muli %mul3A_106, %add3A_76 : i32
      %dma_wait3A = arith.constant 0 : i32
      %dma_wait3A_108 = arith.constant 0 : i32
      %dma_wait3A_109 = tpu.memref_slice %run_scoped3A_8[%rem3A_105, %dma_wait3A, %dma_wait3A_108] : memref<2x128x128xf32, #tpu.memory_space<vmem>> -> memref<1x128x128xf32, #tpu.memory_space<vmem>>
      %dma_wait3A_110 = tpu.memref_squeeze %dma_wait3A_109 : memref<1x128x128xf32, #tpu.memory_space<vmem>> -> memref<128x128xf32, #tpu.memory_space<vmem>>
      %dma_wait3A_111 = arith.constant 0 : i32
      %dma_wait3A_112 = tpu.memref_slice %arg4[%mul3A_107, %dma_wait3A_111] : memref<323584x128xf32, #tpu.memory_space<hbm>> -> memref<128x128xf32, #tpu.memory_space<hbm>>
      %dma_wait3A_113 = tpu.memref_slice %run_scoped3A_9[%rem3A_105] : memref<2x!tpu.dma_semaphore, #tpu.memory_space<semaphore_mem>> -> memref<1x!tpu.dma_semaphore, #tpu.memory_space<semaphore_mem>>
      %dma_wait3A_114 = tpu.memref_squeeze %dma_wait3A_113 : memref<1x!tpu.dma_semaphore, #tpu.memory_space<semaphore_mem>> -> memref<!tpu.dma_semaphore, #tpu.memory_space<semaphore_mem>>
      %dma_wait3A_115 = arith.constant 0 : i32
      %dma_wait3A_116 = tpu.memref_slice %arg4[%mul3A_107, %dma_wait3A_115] : memref<323584x128xf32, #tpu.memory_space<hbm>> -> memref<128x128xf32, #tpu.memory_space<hbm>>
      %dma_wait3A_117 = arith.constant 0 : i32
      %dma_wait3A_118 = arith.constant 0 : i32
      %dma_wait3A_119 = tpu.memref_slice %run_scoped3A_8[%rem3A_105, %dma_wait3A_117, %dma_wait3A_118] : memref<2x128x128xf32, #tpu.memory_space<vmem>> -> memref<1x128x128xf32, #tpu.memory_space<vmem>>
      %dma_wait3A_120 = tpu.memref_squeeze %dma_wait3A_119 : memref<1x128x128xf32, #tpu.memory_space<vmem>> -> memref<128x128xf32, #tpu.memory_space<vmem>>
      tpu.wait_dma2 semaphore(%dma_wait3A_114 : memref<!tpu.dma_semaphore, #tpu.memory_space<semaphore_mem>>) src(%dma_wait3A_120 : memref<128x128xf32, #tpu.memory_space<vmem>>) dst(%dma_wait3A_116 : memref<128x128xf32, #tpu.memory_space<hbm>>)
      "tpu.trace_stop"() : () -> ()
      tpu.yield
    }) : () -> ()
    return
  }
}

#map = affine_map<(d0, d1) -> (0, 0)>
#map1 = affine_map<(d0, d1) -> (0, 0, 0)>
module attributes {stable_mosaic.version = 14 : i64} {
  func.func @k(%arg0: i32, %arg1: i32, %arg2: memref<160000x128xf32, #tpu.memory_space<hbm>>, %arg3: memref<1x160000xi32, #tpu.memory_space<hbm>>, %arg4: memref<2x10000x128xf32, #tpu.memory_space<hbm>>, %arg5: memref<10000x128xf32, #tpu.memory_space<vmem_shared>>, %arg6: memref<1x128xi32, #tpu.memory_space<vmem>>, %arg7: memref<128x128xf32, #tpu.memory_space<vmem>>, %arg8: memref<200x128xf32, #tpu.memory_space<vmem>>) attributes {dimension_semantics = [#tpu.dimension_semantics<core_parallel>, #tpu.dimension_semantics<subcore_parallel>], iteration_bounds = array<i64: 2, 16>, scalar_prefetch = 0 : i64, scratch_operands = 4 : i64, tpu.core_type = #tpu.core_type<sc_vector_subcore>, window_params = [{transform_indices = #map}, {transform_indices = #map}, {transform_indices = #map1}]} {
    %mul3A = arith.constant 2 : i32
    %mul3A_0 = arith.muli %arg1, %mul3A : i32
    %add3A = arith.addi %mul3A_0, %arg0 : i32
    %scan3A = arith.constant 0 : i32
    %scan3A_1 = arith.constant 200 : i32
    %scan3A_2 = arith.addi %scan3A, %scan3A_1 : i32
    %scan3A_3 = arith.constant 1 : i32
    scf.for %scan3A_21 = %scan3A to %scan3A_2 step %scan3A_3  : i32 {
      %mul3A_22 = arith.constant 1 : i32
      %mul3A_23 = arith.muli %scan3A_21, %mul3A_22 : i32
      %add3A_24 = arith.constant 0 : i32
      %add3A_25 = arith.addi %add3A_24, %mul3A_23 : i32
      %broadcast_in_dim3A = arith.constant 0.000000e+00 : f32
      %broadcast_in_dim3A_26 = vector.broadcast %broadcast_in_dim3A : f32 to vector<16xf32>
      %swap3A = arith.index_cast %add3A_25 : i32 to index
      %swap3A_27 = arith.constant 0 : index
      %swap3A_28 = tpu.vector_load %arg8[%swap3A, %swap3A_27] {strides = array<i32>} : memref<200x128xf32, #tpu.memory_space<vmem>>, vector<1x16xf32>,
      %swap3A_29 = vector.shape_cast %swap3A_28 : vector<1x16xf32> to vector<16xf32>
      %swap3A_30 = vector.shape_cast %broadcast_in_dim3A_26 : vector<16xf32> to vector<1x16xf32>
      tpu.vector_store %arg8[%swap3A, %swap3A_27], %swap3A_30 {strides = array<i32>} : memref<200x128xf32, #tpu.memory_space<vmem>>, vector<1x16xf32>,
      %broadcast_in_dim3A_31 = arith.constant 0.000000e+00 : f32
      %broadcast_in_dim3A_32 = vector.broadcast %broadcast_in_dim3A_31 : f32 to vector<16xf32>
      %swap3A_33 = arith.index_cast %add3A_25 : i32 to index
      %swap3A_34 = arith.constant 16 : index
      %swap3A_35 = tpu.vector_load %arg8[%swap3A_33, %swap3A_34] {strides = array<i32>} : memref<200x128xf32, #tpu.memory_space<vmem>>, vector<1x16xf32>,
      %swap3A_36 = vector.shape_cast %swap3A_35 : vector<1x16xf32> to vector<16xf32>
      %swap3A_37 = vector.shape_cast %broadcast_in_dim3A_32 : vector<16xf32> to vector<1x16xf32>
      tpu.vector_store %arg8[%swap3A_33, %swap3A_34], %swap3A_37 {strides = array<i32>} : memref<200x128xf32, #tpu.memory_space<vmem>>, vector<1x16xf32>,
      %broadcast_in_dim3A_38 = arith.constant 0.000000e+00 : f32
      %broadcast_in_dim3A_39 = vector.broadcast %broadcast_in_dim3A_38 : f32 to vector<16xf32>
      %swap3A_40 = arith.index_cast %add3A_25 : i32 to index
      %swap3A_41 = arith.constant 32 : index
      %swap3A_42 = tpu.vector_load %arg8[%swap3A_40, %swap3A_41] {strides = array<i32>} : memref<200x128xf32, #tpu.memory_space<vmem>>, vector<1x16xf32>,
      %swap3A_43 = vector.shape_cast %swap3A_42 : vector<1x16xf32> to vector<16xf32>
      %swap3A_44 = vector.shape_cast %broadcast_in_dim3A_39 : vector<16xf32> to vector<1x16xf32>
      tpu.vector_store %arg8[%swap3A_40, %swap3A_41], %swap3A_44 {strides = array<i32>} : memref<200x128xf32, #tpu.memory_space<vmem>>, vector<1x16xf32>,
      %broadcast_in_dim3A_45 = arith.constant 0.000000e+00 : f32
      %broadcast_in_dim3A_46 = vector.broadcast %broadcast_in_dim3A_45 : f32 to vector<16xf32>
      %swap3A_47 = arith.index_cast %add3A_25 : i32 to index
      %swap3A_48 = arith.constant 48 : index
      %swap3A_49 = tpu.vector_load %arg8[%swap3A_47, %swap3A_48] {strides = array<i32>} : memref<200x128xf32, #tpu.memory_space<vmem>>, vector<1x16xf32>,
      %swap3A_50 = vector.shape_cast %swap3A_49 : vector<1x16xf32> to vector<16xf32>
      %swap3A_51 = vector.shape_cast %broadcast_in_dim3A_46 : vector<16xf32> to vector<1x16xf32>
      tpu.vector_store %arg8[%swap3A_47, %swap3A_48], %swap3A_51 {strides = array<i32>} : memref<200x128xf32, #tpu.memory_space<vmem>>, vector<1x16xf32>,
      %broadcast_in_dim3A_52 = arith.constant 0.000000e+00 : f32
      %broadcast_in_dim3A_53 = vector.broadcast %broadcast_in_dim3A_52 : f32 to vector<16xf32>
      %swap3A_54 = arith.index_cast %add3A_25 : i32 to index
      %swap3A_55 = arith.constant 64 : index
      %swap3A_56 = tpu.vector_load %arg8[%swap3A_54, %swap3A_55] {strides = array<i32>} : memref<200x128xf32, #tpu.memory_space<vmem>>, vector<1x16xf32>,
      %swap3A_57 = vector.shape_cast %swap3A_56 : vector<1x16xf32> to vector<16xf32>
      %swap3A_58 = vector.shape_cast %broadcast_in_dim3A_53 : vector<16xf32> to vector<1x16xf32>
      tpu.vector_store %arg8[%swap3A_54, %swap3A_55], %swap3A_58 {strides = array<i32>} : memref<200x128xf32, #tpu.memory_space<vmem>>, vector<1x16xf32>,
      %broadcast_in_dim3A_59 = arith.constant 0.000000e+00 : f32
      %broadcast_in_dim3A_60 = vector.broadcast %broadcast_in_dim3A_59 : f32 to vector<16xf32>
      %swap3A_61 = arith.index_cast %add3A_25 : i32 to index
      %swap3A_62 = arith.constant 80 : index
      %swap3A_63 = tpu.vector_load %arg8[%swap3A_61, %swap3A_62] {strides = array<i32>} : memref<200x128xf32, #tpu.memory_space<vmem>>, vector<1x16xf32>,
      %swap3A_64 = vector.shape_cast %swap3A_63 : vector<1x16xf32> to vector<16xf32>
      %swap3A_65 = vector.shape_cast %broadcast_in_dim3A_60 : vector<16xf32> to vector<1x16xf32>
      tpu.vector_store %arg8[%swap3A_61, %swap3A_62], %swap3A_65 {strides = array<i32>} : memref<200x128xf32, #tpu.memory_space<vmem>>, vector<1x16xf32>,
      %broadcast_in_dim3A_66 = arith.constant 0.000000e+00 : f32
      %broadcast_in_dim3A_67 = vector.broadcast %broadcast_in_dim3A_66 : f32 to vector<16xf32>
      %swap3A_68 = arith.index_cast %add3A_25 : i32 to index
      %swap3A_69 = arith.constant 96 : index
      %swap3A_70 = tpu.vector_load %arg8[%swap3A_68, %swap3A_69] {strides = array<i32>} : memref<200x128xf32, #tpu.memory_space<vmem>>, vector<1x16xf32>,
      %swap3A_71 = vector.shape_cast %swap3A_70 : vector<1x16xf32> to vector<16xf32>
      %swap3A_72 = vector.shape_cast %broadcast_in_dim3A_67 : vector<16xf32> to vector<1x16xf32>
      tpu.vector_store %arg8[%swap3A_68, %swap3A_69], %swap3A_72 {strides = array<i32>} : memref<200x128xf32, #tpu.memory_space<vmem>>, vector<1x16xf32>,
      %broadcast_in_dim3A_73 = arith.constant 0.000000e+00 : f32
      %broadcast_in_dim3A_74 = vector.broadcast %broadcast_in_dim3A_73 : f32 to vector<16xf32>
      %swap3A_75 = arith.index_cast %add3A_25 : i32 to index
      %swap3A_76 = arith.constant 112 : index
      %swap3A_77 = tpu.vector_load %arg8[%swap3A_75, %swap3A_76] {strides = array<i32>} : memref<200x128xf32, #tpu.memory_space<vmem>>, vector<1x16xf32>,
      %swap3A_78 = vector.shape_cast %swap3A_77 : vector<1x16xf32> to vector<16xf32>
      %swap3A_79 = vector.shape_cast %broadcast_in_dim3A_74 : vector<16xf32> to vector<1x16xf32>
      tpu.vector_store %arg8[%swap3A_75, %swap3A_76], %swap3A_79 {strides = array<i32>} : memref<200x128xf32, #tpu.memory_space<vmem>>, vector<1x16xf32>,
    }
    %scan3A_4 = arith.constant 200 : i32
    %scan3A_5 = arith.constant 0 : i32
    %scan3A_6 = arith.constant 4 : i32
    %scan3A_7 = arith.addi %scan3A_5, %scan3A_6 : i32
    %scan3A_8 = arith.constant 1 : i32
    scf.for %scan3A_21 = %scan3A_5 to %scan3A_7 step %scan3A_8  : i32 {
      %mul3A_22 = arith.constant 1 : i32
      %mul3A_23 = arith.muli %scan3A_21, %mul3A_22 : i32
      %add3A_24 = arith.constant 0 : i32
      %add3A_25 = arith.addi %add3A_24, %mul3A_23 : i32
      %mul3A_26 = arith.constant 16 : i32
      %mul3A_27 = arith.muli %add3A_25, %mul3A_26 : i32
      %add3A_28 = arith.addi %arg1, %mul3A_27 : i32
      %lt3A = arith.constant 50 : i32
      %lt3A_29 = arith.cmpi slt, %add3A_28, %lt3A : i32
      %convert_element_type3A = arith.extui %lt3A_29 : i1 to i32
      %cond3A = arith.constant 0 : i32
      %cond3A_30 = arith.cmpi ne, %convert_element_type3A, %cond3A : i32
      scf.if %cond3A_30 {
        %mul3A_31 = arith.constant 200 : i32
        %mul3A_32 = arith.muli %add3A_28, %mul3A_31 : i32
        "tpu.region"() ({
          %run_scoped3A = tpu.sem_alloc : memref<!tpu.dma_semaphore, #tpu.memory_space<semaphore_mem>>
          %dma_start3A = arith.constant 0 : i32
          %dma_start3A_33 = tpu.memref_slice %arg5[%mul3A_32, %dma_start3A] : memref<10000x128xf32, #tpu.memory_space<vmem_shared>> -> memref<200x128xf32, #tpu.memory_space<vmem_shared>>
          %dma_start3A_34 = arith.constant 0 : i32
          %dma_start3A_35 = tpu.memref_slice %arg5[%mul3A_32, %dma_start3A_34] : memref<10000x128xf32, #tpu.memory_space<vmem_shared>> -> memref<200x128xf32, #tpu.memory_space<vmem_shared>>
          tpu.enqueue_dma source(%arg8 : memref<200x128xf32, #tpu.memory_space<vmem>>) target(%dma_start3A_35 : memref<200x128xf32, #tpu.memory_space<vmem_shared>>) target_semaphore(%run_scoped3A : memref<!tpu.dma_semaphore, #tpu.memory_space<semaphore_mem>>)
          %dma_wait3A = arith.constant 0 : i32
          %dma_wait3A_36 = tpu.memref_slice %arg5[%mul3A_32, %dma_wait3A] : memref<10000x128xf32, #tpu.memory_space<vmem_shared>> -> memref<200x128xf32, #tpu.memory_space<vmem_shared>>
          %dma_wait3A_37 = arith.constant 0 : i32
          %dma_wait3A_38 = tpu.memref_slice %arg5[%mul3A_32, %dma_wait3A_37] : memref<10000x128xf32, #tpu.memory_space<vmem_shared>> -> memref<200x128xf32, #tpu.memory_space<vmem_shared>>
          tpu.wait_dma2 semaphore(%run_scoped3A : memref<!tpu.dma_semaphore, #tpu.memory_space<semaphore_mem>>) src(%arg8 : memref<200x128xf32, #tpu.memory_space<vmem>>) dst(%dma_wait3A_38 : memref<200x128xf32, #tpu.memory_space<vmem_shared>>)
          tpu.yield
        }) : () -> ()
      } else {
      }
    }
    %scan3A_9 = arith.constant 4 : i32
    %barrier3A = arith.constant 0 : index
    tpu.barrier barrier_id(%barrier3A)
    %scan3A_10 = arith.constant 0 : i32
    %scan3A_11 = arith.constant 40 : i32
    %scan3A_12 = arith.addi %scan3A_10, %scan3A_11 : i32
    %scan3A_13 = arith.constant 1 : i32
    scf.for %scan3A_21 = %scan3A_10 to %scan3A_12 step %scan3A_13  : i32 {
      %mul3A_22 = arith.constant 1 : i32
      %mul3A_23 = arith.muli %scan3A_21, %mul3A_22 : i32
      %add3A_24 = arith.constant 0 : i32
      %add3A_25 = arith.addi %add3A_24, %mul3A_23 : i32
      %mul3A_26 = arith.constant 32 : i32
      %mul3A_27 = arith.muli %add3A_25, %mul3A_26 : i32
      %add3A_28 = arith.addi %add3A, %mul3A_27 : i32
      %lt3A = arith.constant 1250 : i32
      %lt3A_29 = arith.cmpi slt, %add3A_28, %lt3A : i32
      %convert_element_type3A = arith.extui %lt3A_29 : i1 to i32
      %cond3A = arith.constant 0 : i32
      %cond3A_30 = arith.cmpi ne, %convert_element_type3A, %cond3A : i32
      scf.if %cond3A_30 {
        %mul3A_31 = arith.constant 128 : i32
        %mul3A_32 = arith.muli %add3A_28, %mul3A_31 : i32
        %add3A_33 = arith.constant 0 : i32
        %add3A_34 = arith.addi %add3A_33, %mul3A_32 : i32
        %run_scoped3A = arith.constant 0 : i32
        %run_scoped3A_35 = arith.constant 0 : i32
        "tpu.region"() ({
          %run_scoped3A_37 = tpu.sem_alloc : memref<!tpu.dma_semaphore, #tpu.memory_space<semaphore_mem>>
          %dma_start3A = arith.constant 0 : i32
          %dma_start3A_38 = tpu.memref_slice %arg6[%run_scoped3A_35, %dma_start3A] : memref<1x128xi32, #tpu.memory_space<vmem>> -> memref<1x128xi32, #tpu.memory_space<vmem>>
          %dma_start3A_39 = tpu.memref_squeeze %dma_start3A_38 : memref<1x128xi32, #tpu.memory_space<vmem>> -> memref<128xi32, #tpu.memory_space<vmem>>
          %dma_start3A_40 = tpu.memref_slice %arg3[%run_scoped3A, %add3A_34] : memref<1x160000xi32, #tpu.memory_space<hbm>> -> memref<1x128xi32, #tpu.memory_space<hbm>>
          %dma_start3A_41 = tpu.memref_squeeze %dma_start3A_40 : memref<1x128xi32, #tpu.memory_space<hbm>> -> memref<128xi32, #tpu.memory_space<hbm>>
          %dma_start3A_42 = arith.constant 0 : i32
          %dma_start3A_43 = tpu.memref_slice %arg6[%run_scoped3A_35, %dma_start3A_42] : memref<1x128xi32, #tpu.memory_space<vmem>> -> memref<1x128xi32, #tpu.memory_space<vmem>>
          %dma_start3A_44 = tpu.memref_squeeze %dma_start3A_43 : memref<1x128xi32, #tpu.memory_space<vmem>> -> memref<128xi32, #tpu.memory_space<vmem>>
          %dma_start3A_45 = tpu.memref_slice %arg3[%run_scoped3A, %add3A_34] : memref<1x160000xi32, #tpu.memory_space<hbm>> -> memref<1x128xi32, #tpu.memory_space<hbm>>
          %dma_start3A_46 = tpu.memref_squeeze %dma_start3A_45 : memref<1x128xi32, #tpu.memory_space<hbm>> -> memref<128xi32, #tpu.memory_space<hbm>>
          tpu.enqueue_dma source(%dma_start3A_46 : memref<128xi32, #tpu.memory_space<hbm>>) target(%dma_start3A_44 : memref<128xi32, #tpu.memory_space<vmem>>) target_semaphore(%run_scoped3A_37 : memref<!tpu.dma_semaphore, #tpu.memory_space<semaphore_mem>>)
          %dma_wait3A = arith.constant 0 : i32
          %dma_wait3A_47 = tpu.memref_slice %arg6[%run_scoped3A_35, %dma_wait3A] : memref<1x128xi32, #tpu.memory_space<vmem>> -> memref<1x128xi32, #tpu.memory_space<vmem>>
          %dma_wait3A_48 = tpu.memref_squeeze %dma_wait3A_47 : memref<1x128xi32, #tpu.memory_space<vmem>> -> memref<128xi32, #tpu.memory_space<vmem>>
          %dma_wait3A_49 = tpu.memref_slice %arg3[%run_scoped3A, %add3A_34] : memref<1x160000xi32, #tpu.memory_space<hbm>> -> memref<1x128xi32, #tpu.memory_space<hbm>>
          %dma_wait3A_50 = tpu.memref_squeeze %dma_wait3A_49 : memref<1x128xi32, #tpu.memory_space<hbm>> -> memref<128xi32, #tpu.memory_space<hbm>>
          %dma_wait3A_51 = arith.constant 0 : i32
          %dma_wait3A_52 = tpu.memref_slice %arg6[%run_scoped3A_35, %dma_wait3A_51] : memref<1x128xi32, #tpu.memory_space<vmem>> -> memref<1x128xi32, #tpu.memory_space<vmem>>
          %dma_wait3A_53 = tpu.memref_squeeze %dma_wait3A_52 : memref<1x128xi32, #tpu.memory_space<vmem>> -> memref<128xi32, #tpu.memory_space<vmem>>
          %dma_wait3A_54 = tpu.memref_slice %arg3[%run_scoped3A, %add3A_34] : memref<1x160000xi32, #tpu.memory_space<hbm>> -> memref<1x128xi32, #tpu.memory_space<hbm>>
          %dma_wait3A_55 = tpu.memref_squeeze %dma_wait3A_54 : memref<1x128xi32, #tpu.memory_space<hbm>> -> memref<128xi32, #tpu.memory_space<hbm>>
          tpu.wait_dma2 semaphore(%run_scoped3A_37 : memref<!tpu.dma_semaphore, #tpu.memory_space<semaphore_mem>>) src(%dma_wait3A_55 : memref<128xi32, #tpu.memory_space<hbm>>) dst(%dma_wait3A_53 : memref<128xi32, #tpu.memory_space<vmem>>)
          tpu.yield
        }) : () -> ()
        "tpu.region"() ({
          %run_scoped3A_37 = tpu.sem_alloc : memref<!tpu.dma_semaphore, #tpu.memory_space<semaphore_mem>>
          %dma_start3A = arith.constant 0 : i32
          %dma_start3A_38 = tpu.memref_slice %arg2[%mul3A_32, %dma_start3A] : memref<160000x128xf32, #tpu.memory_space<hbm>> -> memref<128x128xf32, #tpu.memory_space<hbm>>
          %dma_start3A_39 = arith.constant 0 : i32
          %dma_start3A_40 = tpu.memref_slice %arg2[%mul3A_32, %dma_start3A_39] : memref<160000x128xf32, #tpu.memory_space<hbm>> -> memref<128x128xf32, #tpu.memory_space<hbm>>
          tpu.enqueue_dma source(%dma_start3A_40 : memref<128x128xf32, #tpu.memory_space<hbm>>) target(%arg7 : memref<128x128xf32, #tpu.memory_space<vmem>>) target_semaphore(%run_scoped3A_37 : memref<!tpu.dma_semaphore, #tpu.memory_space<semaphore_mem>>)
          %dma_wait3A = arith.constant 0 : i32
          %dma_wait3A_41 = tpu.memref_slice %arg2[%mul3A_32, %dma_wait3A] : memref<160000x128xf32, #tpu.memory_space<hbm>> -> memref<128x128xf32, #tpu.memory_space<hbm>>
          %dma_wait3A_42 = arith.constant 0 : i32
          %dma_wait3A_43 = tpu.memref_slice %arg2[%mul3A_32, %dma_wait3A_42] : memref<160000x128xf32, #tpu.memory_space<hbm>> -> memref<128x128xf32, #tpu.memory_space<hbm>>
          tpu.wait_dma2 semaphore(%run_scoped3A_37 : memref<!tpu.dma_semaphore, #tpu.memory_space<semaphore_mem>>) src(%dma_wait3A_43 : memref<128x128xf32, #tpu.memory_space<hbm>>) dst(%arg7 : memref<128x128xf32, #tpu.memory_space<vmem>>)
          tpu.yield
        }) : () -> ()
        %run_scoped3A_36 = arith.constant 0 : i32
        "tpu.region"() ({
          %run_scoped3A_37 = tpu.sem_alloc : memref<!tpu.dma_semaphore, #tpu.memory_space<semaphore_mem>>
          %dma_start3A = arith.constant 0 : i32
          %dma_start3A_38 = tpu.memref_slice %arg6[%run_scoped3A_36, %dma_start3A] : memref<1x128xi32, #tpu.memory_space<vmem>> -> memref<1x128xi32, #tpu.memory_space<vmem>>
          %dma_start3A_39 = tpu.memref_squeeze %dma_start3A_38 : memref<1x128xi32, #tpu.memory_space<vmem>> -> memref<128xi32, #tpu.memory_space<vmem>>
          %dma_start3A_40 = arith.constant 0 : i32
          %dma_start3A_41 = arith.constant 0 : i32
          %dma_start3A_42 = tpu.memref_slice %arg5[%dma_start3A_40, %dma_start3A_41] : memref<10000x128xf32, #tpu.memory_space<vmem_shared>> -> memref<10000x128xf32, #tpu.memory_space<vmem_shared>>
          tpu.enqueue_indirect_dma source(%arg7 : memref<128x128xf32, #tpu.memory_space<vmem>>) target(%dma_start3A_42 : memref<10000x128xf32, #tpu.memory_space<vmem_shared>>) offsets(%dma_start3A_39 : memref<128xi32, #tpu.memory_space<vmem>>) semaphore(%run_scoped3A_37 : memref<!tpu.dma_semaphore, #tpu.memory_space<semaphore_mem>>) {add = true}
          %dma_wait3A = arith.constant 0 : i32
          %dma_wait3A_43 = tpu.memref_slice %arg6[%run_scoped3A_36, %dma_wait3A] : memref<1x128xi32, #tpu.memory_space<vmem>> -> memref<1x128xi32, #tpu.memory_space<vmem>>
          %dma_wait3A_44 = tpu.memref_squeeze %dma_wait3A_43 : memref<1x128xi32, #tpu.memory_space<vmem>> -> memref<128xi32, #tpu.memory_space<vmem>>
          %dma_wait3A_45 = arith.constant 0 : i32
          %dma_wait3A_46 = arith.constant 0 : i32
          %dma_wait3A_47 = tpu.memref_slice %arg5[%dma_wait3A_45, %dma_wait3A_46] : memref<10000x128xf32, #tpu.memory_space<vmem_shared>> -> memref<10000x128xf32, #tpu.memory_space<vmem_shared>>
          tpu.wait_indirect_dma semaphore(%run_scoped3A_37 : memref<!tpu.dma_semaphore, #tpu.memory_space<semaphore_mem>>) src(%arg7 : memref<128x128xf32, #tpu.memory_space<vmem>>) dst(%dma_wait3A_47 : memref<10000x128xf32, #tpu.memory_space<vmem_shared>>)
          tpu.yield
        }) : () -> ()
      } else {
      }
    }
    %scan3A_14 = arith.constant 40 : i32
    %barrier3A_15 = arith.constant 0 : index
    tpu.barrier barrier_id(%barrier3A_15)
    %scan3A_16 = arith.constant 0 : i32
    %scan3A_17 = arith.constant 4 : i32
    %scan3A_18 = arith.addi %scan3A_16, %scan3A_17 : i32
    %scan3A_19 = arith.constant 1 : i32
    scf.for %scan3A_21 = %scan3A_16 to %scan3A_18 step %scan3A_19  : i32 {
      %mul3A_22 = arith.constant 1 : i32
      %mul3A_23 = arith.muli %scan3A_21, %mul3A_22 : i32
      %add3A_24 = arith.constant 0 : i32
      %add3A_25 = arith.addi %add3A_24, %mul3A_23 : i32
      %mul3A_26 = arith.constant 16 : i32
      %mul3A_27 = arith.muli %add3A_25, %mul3A_26 : i32
      %add3A_28 = arith.addi %arg1, %mul3A_27 : i32
      %lt3A = arith.constant 50 : i32
      %lt3A_29 = arith.cmpi slt, %add3A_28, %lt3A : i32
      %convert_element_type3A = arith.extui %lt3A_29 : i1 to i32
      %cond3A = arith.constant 0 : i32
      %cond3A_30 = arith.cmpi ne, %convert_element_type3A, %cond3A : i32
      scf.if %cond3A_30 {
        %mul3A_31 = arith.constant 200 : i32
        %mul3A_32 = arith.muli %add3A_28, %mul3A_31 : i32
        "tpu.region"() ({
          %run_scoped3A = tpu.sem_alloc : memref<!tpu.dma_semaphore, #tpu.memory_space<semaphore_mem>>
          %dma_start3A = arith.constant 0 : i32
          %dma_start3A_33 = tpu.memref_slice %arg5[%mul3A_32, %dma_start3A] : memref<10000x128xf32, #tpu.memory_space<vmem_shared>> -> memref<200x128xf32, #tpu.memory_space<vmem_shared>>
          %dma_start3A_34 = arith.constant 0 : i32
          %dma_start3A_35 = tpu.memref_slice %arg5[%mul3A_32, %dma_start3A_34] : memref<10000x128xf32, #tpu.memory_space<vmem_shared>> -> memref<200x128xf32, #tpu.memory_space<vmem_shared>>
          tpu.enqueue_dma source(%dma_start3A_35 : memref<200x128xf32, #tpu.memory_space<vmem_shared>>) target(%arg8 : memref<200x128xf32, #tpu.memory_space<vmem>>) target_semaphore(%run_scoped3A : memref<!tpu.dma_semaphore, #tpu.memory_space<semaphore_mem>>)
          %dma_wait3A = arith.constant 0 : i32
          %dma_wait3A_36 = tpu.memref_slice %arg5[%mul3A_32, %dma_wait3A] : memref<10000x128xf32, #tpu.memory_space<vmem_shared>> -> memref<200x128xf32, #tpu.memory_space<vmem_shared>>
          %dma_wait3A_37 = arith.constant 0 : i32
          %dma_wait3A_38 = tpu.memref_slice %arg5[%mul3A_32, %dma_wait3A_37] : memref<10000x128xf32, #tpu.memory_space<vmem_shared>> -> memref<200x128xf32, #tpu.memory_space<vmem_shared>>
          tpu.wait_dma2 semaphore(%run_scoped3A : memref<!tpu.dma_semaphore, #tpu.memory_space<semaphore_mem>>) src(%dma_wait3A_38 : memref<200x128xf32, #tpu.memory_space<vmem_shared>>) dst(%arg8 : memref<200x128xf32, #tpu.memory_space<vmem>>)
          tpu.yield
        }) : () -> ()
        "tpu.region"() ({
          %run_scoped3A = tpu.sem_alloc : memref<!tpu.dma_semaphore, #tpu.memory_space<semaphore_mem>>
          %dma_start3A = arith.constant 0 : i32
          %dma_start3A_33 = tpu.memref_slice %arg4[%arg0, %mul3A_32, %dma_start3A] : memref<2x10000x128xf32, #tpu.memory_space<hbm>> -> memref<1x200x128xf32, #tpu.memory_space<hbm>>
          %dma_start3A_34 = tpu.memref_squeeze %dma_start3A_33 : memref<1x200x128xf32, #tpu.memory_space<hbm>> -> memref<200x128xf32, #tpu.memory_space<hbm>>
          %dma_start3A_35 = arith.constant 0 : i32
          %dma_start3A_36 = tpu.memref_slice %arg4[%arg0, %mul3A_32, %dma_start3A_35] : memref<2x10000x128xf32, #tpu.memory_space<hbm>> -> memref<1x200x128xf32, #tpu.memory_space<hbm>>
          %dma_start3A_37 = tpu.memref_squeeze %dma_start3A_36 : memref<1x200x128xf32, #tpu.memory_space<hbm>> -> memref<200x128xf32, #tpu.memory_space<hbm>>
          tpu.enqueue_dma source(%arg8 : memref<200x128xf32, #tpu.memory_space<vmem>>) target(%dma_start3A_37 : memref<200x128xf32, #tpu.memory_space<hbm>>) target_semaphore(%run_scoped3A : memref<!tpu.dma_semaphore, #tpu.memory_space<semaphore_mem>>)
          %dma_wait3A = arith.constant 0 : i32
          %dma_wait3A_38 = tpu.memref_slice %arg4[%arg0, %mul3A_32, %dma_wait3A] : memref<2x10000x128xf32, #tpu.memory_space<hbm>> -> memref<1x200x128xf32, #tpu.memory_space<hbm>>
          %dma_wait3A_39 = tpu.memref_squeeze %dma_wait3A_38 : memref<1x200x128xf32, #tpu.memory_space<hbm>> -> memref<200x128xf32, #tpu.memory_space<hbm>>
          %dma_wait3A_40 = arith.constant 0 : i32
          %dma_wait3A_41 = tpu.memref_slice %arg4[%arg0, %mul3A_32, %dma_wait3A_40] : memref<2x10000x128xf32, #tpu.memory_space<hbm>> -> memref<1x200x128xf32, #tpu.memory_space<hbm>>
          %dma_wait3A_42 = tpu.memref_squeeze %dma_wait3A_41 : memref<1x200x128xf32, #tpu.memory_space<hbm>> -> memref<200x128xf32, #tpu.memory_space<hbm>>
          tpu.wait_dma2 semaphore(%run_scoped3A : memref<!tpu.dma_semaphore, #tpu.memory_space<semaphore_mem>>) src(%arg8 : memref<200x128xf32, #tpu.memory_space<vmem>>) dst(%dma_wait3A_42 : memref<200x128xf32, #tpu.memory_space<hbm>>)
          tpu.yield
        }) : () -> ()
      } else {
      }
    }
    %scan3A_20 = arith.constant 4 : i32
    return
  }
}

#map = affine_map<(d0, d1) -> (0, 0)>
#map1 = affine_map<(d0, d1) -> (0, 0, 0)>
module attributes {stable_mosaic.version = 14 : i64} {
  func.func @k(%arg0: i32, %arg1: i32, %arg2: memref<160000x128xf32, #tpu.memory_space<hbm>>, %arg3: memref<1x160000xi32, #tpu.memory_space<hbm>>, %arg4: memref<2x10000x128xf32, #tpu.memory_space<hbm>>, %arg5: memref<10000x128xf32, #tpu.memory_space<vmem_shared>>, %arg6: memref<1x128xi32, #tpu.memory_space<vmem>>, %arg7: memref<128x128xf32, #tpu.memory_space<vmem>>, %arg8: memref<200x128xf32, #tpu.memory_space<vmem>>) attributes {dimension_semantics = [#tpu.dimension_semantics<core_parallel>, #tpu.dimension_semantics<subcore_parallel>], iteration_bounds = array<i64: 2, 16>, scalar_prefetch = 0 : i64, scratch_operands = 4 : i64, tpu.core_type = #tpu.core_type<sc_vector_subcore>, window_params = [{transform_indices = #map}, {transform_indices = #map}, {transform_indices = #map1}]} {
    %mul3A = arith.constant 2 : i32
    %mul3A_0 = arith.muli %arg1, %mul3A : i32
    %add3A = arith.addi %mul3A_0, %arg0 : i32
    %scan3A = arith.constant 0 : i32
    %scan3A_1 = arith.constant 200 : i32
    %scan3A_2 = arith.addi %scan3A, %scan3A_1 : i32
    %scan3A_3 = arith.constant 1 : i32
    scf.for %scan3A_21 = %scan3A to %scan3A_2 step %scan3A_3  : i32 {
      %mul3A_22 = arith.constant 1 : i32
      %mul3A_23 = arith.muli %scan3A_21, %mul3A_22 : i32
      %add3A_24 = arith.constant 0 : i32
      %add3A_25 = arith.addi %add3A_24, %mul3A_23 : i32
      %broadcast_in_dim3A = arith.constant 0.000000e+00 : f32
      %broadcast_in_dim3A_26 = vector.broadcast %broadcast_in_dim3A : f32 to vector<16xf32>
      %swap3A = arith.index_cast %add3A_25 : i32 to index
      %swap3A_27 = arith.constant 0 : index
      %swap3A_28 = tpu.vector_load %arg8[%swap3A, %swap3A_27] {strides = array<i32>} : memref<200x128xf32, #tpu.memory_space<vmem>>, vector<1x16xf32>,
      %swap3A_29 = vector.shape_cast %swap3A_28 : vector<1x16xf32> to vector<16xf32>
      %swap3A_30 = vector.shape_cast %broadcast_in_dim3A_26 : vector<16xf32> to vector<1x16xf32>
      tpu.vector_store %arg8[%swap3A, %swap3A_27], %swap3A_30 {strides = array<i32>} : memref<200x128xf32, #tpu.memory_space<vmem>>, vector<1x16xf32>,
      %broadcast_in_dim3A_31 = arith.constant 0.000000e+00 : f32
      %broadcast_in_dim3A_32 = vector.broadcast %broadcast_in_dim3A_31 : f32 to vector<16xf32>
      %swap3A_33 = arith.index_cast %add3A_25 : i32 to index
      %swap3A_34 = arith.constant 16 : index
      %swap3A_35 = tpu.vector_load %arg8[%swap3A_33, %swap3A_34] {strides = array<i32>} : memref<200x128xf32, #tpu.memory_space<vmem>>, vector<1x16xf32>,
      %swap3A_36 = vector.shape_cast %swap3A_35 : vector<1x16xf32> to vector<16xf32>
      %swap3A_37 = vector.shape_cast %broadcast_in_dim3A_32 : vector<16xf32> to vector<1x16xf32>
      tpu.vector_store %arg8[%swap3A_33, %swap3A_34], %swap3A_37 {strides = array<i32>} : memref<200x128xf32, #tpu.memory_space<vmem>>, vector<1x16xf32>,
      %broadcast_in_dim3A_38 = arith.constant 0.000000e+00 : f32
      %broadcast_in_dim3A_39 = vector.broadcast %broadcast_in_dim3A_38 : f32 to vector<16xf32>
      %swap3A_40 = arith.index_cast %add3A_25 : i32 to index
      %swap3A_41 = arith.constant 32 : index
      %swap3A_42 = tpu.vector_load %arg8[%swap3A_40, %swap3A_41] {strides = array<i32>} : memref<200x128xf32, #tpu.memory_space<vmem>>, vector<1x16xf32>,
      %swap3A_43 = vector.shape_cast %swap3A_42 : vector<1x16xf32> to vector<16xf32>
      %swap3A_44 = vector.shape_cast %broadcast_in_dim3A_39 : vector<16xf32> to vector<1x16xf32>
      tpu.vector_store %arg8[%swap3A_40, %swap3A_41], %swap3A_44 {strides = array<i32>} : memref<200x128xf32, #tpu.memory_space<vmem>>, vector<1x16xf32>,
      %broadcast_in_dim3A_45 = arith.constant 0.000000e+00 : f32
      %broadcast_in_dim3A_46 = vector.broadcast %broadcast_in_dim3A_45 : f32 to vector<16xf32>
      %swap3A_47 = arith.index_cast %add3A_25 : i32 to index
      %swap3A_48 = arith.constant 48 : index
      %swap3A_49 = tpu.vector_load %arg8[%swap3A_47, %swap3A_48] {strides = array<i32>} : memref<200x128xf32, #tpu.memory_space<vmem>>, vector<1x16xf32>,
      %swap3A_50 = vector.shape_cast %swap3A_49 : vector<1x16xf32> to vector<16xf32>
      %swap3A_51 = vector.shape_cast %broadcast_in_dim3A_46 : vector<16xf32> to vector<1x16xf32>
      tpu.vector_store %arg8[%swap3A_47, %swap3A_48], %swap3A_51 {strides = array<i32>} : memref<200x128xf32, #tpu.memory_space<vmem>>, vector<1x16xf32>,
      %broadcast_in_dim3A_52 = arith.constant 0.000000e+00 : f32
      %broadcast_in_dim3A_53 = vector.broadcast %broadcast_in_dim3A_52 : f32 to vector<16xf32>
      %swap3A_54 = arith.index_cast %add3A_25 : i32 to index
      %swap3A_55 = arith.constant 64 : index
      %swap3A_56 = tpu.vector_load %arg8[%swap3A_54, %swap3A_55] {strides = array<i32>} : memref<200x128xf32, #tpu.memory_space<vmem>>, vector<1x16xf32>,
      %swap3A_57 = vector.shape_cast %swap3A_56 : vector<1x16xf32> to vector<16xf32>
      %swap3A_58 = vector.shape_cast %broadcast_in_dim3A_53 : vector<16xf32> to vector<1x16xf32>
      tpu.vector_store %arg8[%swap3A_54, %swap3A_55], %swap3A_58 {strides = array<i32>} : memref<200x128xf32, #tpu.memory_space<vmem>>, vector<1x16xf32>,
      %broadcast_in_dim3A_59 = arith.constant 0.000000e+00 : f32
      %broadcast_in_dim3A_60 = vector.broadcast %broadcast_in_dim3A_59 : f32 to vector<16xf32>
      %swap3A_61 = arith.index_cast %add3A_25 : i32 to index
      %swap3A_62 = arith.constant 80 : index
      %swap3A_63 = tpu.vector_load %arg8[%swap3A_61, %swap3A_62] {strides = array<i32>} : memref<200x128xf32, #tpu.memory_space<vmem>>, vector<1x16xf32>,
      %swap3A_64 = vector.shape_cast %swap3A_63 : vector<1x16xf32> to vector<16xf32>
      %swap3A_65 = vector.shape_cast %broadcast_in_dim3A_60 : vector<16xf32> to vector<1x16xf32>
      tpu.vector_store %arg8[%swap3A_61, %swap3A_62], %swap3A_65 {strides = array<i32>} : memref<200x128xf32, #tpu.memory_space<vmem>>, vector<1x16xf32>,
      %broadcast_in_dim3A_66 = arith.constant 0.000000e+00 : f32
      %broadcast_in_dim3A_67 = vector.broadcast %broadcast_in_dim3A_66 : f32 to vector<16xf32>
      %swap3A_68 = arith.index_cast %add3A_25 : i32 to index
      %swap3A_69 = arith.constant 96 : index
      %swap3A_70 = tpu.vector_load %arg8[%swap3A_68, %swap3A_69] {strides = array<i32>} : memref<200x128xf32, #tpu.memory_space<vmem>>, vector<1x16xf32>,
      %swap3A_71 = vector.shape_cast %swap3A_70 : vector<1x16xf32> to vector<16xf32>
      %swap3A_72 = vector.shape_cast %broadcast_in_dim3A_67 : vector<16xf32> to vector<1x16xf32>
      tpu.vector_store %arg8[%swap3A_68, %swap3A_69], %swap3A_72 {strides = array<i32>} : memref<200x128xf32, #tpu.memory_space<vmem>>, vector<1x16xf32>,
      %broadcast_in_dim3A_73 = arith.constant 0.000000e+00 : f32
      %broadcast_in_dim3A_74 = vector.broadcast %broadcast_in_dim3A_73 : f32 to vector<16xf32>
      %swap3A_75 = arith.index_cast %add3A_25 : i32 to index
      %swap3A_76 = arith.constant 112 : index
      %swap3A_77 = tpu.vector_load %arg8[%swap3A_75, %swap3A_76] {strides = array<i32>} : memref<200x128xf32, #tpu.memory_space<vmem>>, vector<1x16xf32>,
      %swap3A_78 = vector.shape_cast %swap3A_77 : vector<1x16xf32> to vector<16xf32>
      %swap3A_79 = vector.shape_cast %broadcast_in_dim3A_74 : vector<16xf32> to vector<1x16xf32>
      tpu.vector_store %arg8[%swap3A_75, %swap3A_76], %swap3A_79 {strides = array<i32>} : memref<200x128xf32, #tpu.memory_space<vmem>>, vector<1x16xf32>,
    }
    %scan3A_4 = arith.constant 200 : i32
    %scan3A_5 = arith.constant 0 : i32
    %scan3A_6 = arith.constant 4 : i32
    %scan3A_7 = arith.addi %scan3A_5, %scan3A_6 : i32
    %scan3A_8 = arith.constant 1 : i32
    scf.for %scan3A_21 = %scan3A_5 to %scan3A_7 step %scan3A_8  : i32 {
      %mul3A_22 = arith.constant 1 : i32
      %mul3A_23 = arith.muli %scan3A_21, %mul3A_22 : i32
      %add3A_24 = arith.constant 0 : i32
      %add3A_25 = arith.addi %add3A_24, %mul3A_23 : i32
      %mul3A_26 = arith.constant 16 : i32
      %mul3A_27 = arith.muli %add3A_25, %mul3A_26 : i32
      %add3A_28 = arith.addi %arg1, %mul3A_27 : i32
      %lt3A = arith.constant 50 : i32
      %lt3A_29 = arith.cmpi slt, %add3A_28, %lt3A : i32
      %convert_element_type3A = arith.extui %lt3A_29 : i1 to i32
      %cond3A = arith.constant 0 : i32
      %cond3A_30 = arith.cmpi ne, %convert_element_type3A, %cond3A : i32
      scf.if %cond3A_30 {
        %mul3A_31 = arith.constant 200 : i32
        %mul3A_32 = arith.muli %add3A_28, %mul3A_31 : i32
        "tpu.region"() ({
          %run_scoped3A = tpu.sem_alloc : memref<!tpu.dma_semaphore, #tpu.memory_space<semaphore_mem>>
          %dma_start3A = arith.constant 0 : i32
          %dma_start3A_33 = tpu.memref_slice %arg5[%mul3A_32, %dma_start3A] : memref<10000x128xf32, #tpu.memory_space<vmem_shared>> -> memref<200x128xf32, #tpu.memory_space<vmem_shared>>
          %dma_start3A_34 = arith.constant 0 : i32
          %dma_start3A_35 = tpu.memref_slice %arg5[%mul3A_32, %dma_start3A_34] : memref<10000x128xf32, #tpu.memory_space<vmem_shared>> -> memref<200x128xf32, #tpu.memory_space<vmem_shared>>
          tpu.enqueue_dma source(%arg8 : memref<200x128xf32, #tpu.memory_space<vmem>>) target(%dma_start3A_35 : memref<200x128xf32, #tpu.memory_space<vmem_shared>>) target_semaphore(%run_scoped3A : memref<!tpu.dma_semaphore, #tpu.memory_space<semaphore_mem>>)
          %dma_wait3A = arith.constant 0 : i32
          %dma_wait3A_36 = tpu.memref_slice %arg5[%mul3A_32, %dma_wait3A] : memref<10000x128xf32, #tpu.memory_space<vmem_shared>> -> memref<200x128xf32, #tpu.memory_space<vmem_shared>>
          %dma_wait3A_37 = arith.constant 0 : i32
          %dma_wait3A_38 = tpu.memref_slice %arg5[%mul3A_32, %dma_wait3A_37] : memref<10000x128xf32, #tpu.memory_space<vmem_shared>> -> memref<200x128xf32, #tpu.memory_space<vmem_shared>>
          tpu.wait_dma2 semaphore(%run_scoped3A : memref<!tpu.dma_semaphore, #tpu.memory_space<semaphore_mem>>) src(%arg8 : memref<200x128xf32, #tpu.memory_space<vmem>>) dst(%dma_wait3A_38 : memref<200x128xf32, #tpu.memory_space<vmem_shared>>)
          tpu.yield
        }) : () -> ()
      } else {
      }
    }
    %scan3A_9 = arith.constant 4 : i32
    %barrier3A = arith.constant 0 : index
    tpu.barrier barrier_id(%barrier3A)
    %scan3A_10 = arith.constant 0 : i32
    %scan3A_11 = arith.constant 40 : i32
    %scan3A_12 = arith.addi %scan3A_10, %scan3A_11 : i32
    %scan3A_13 = arith.constant 1 : i32
    scf.for %scan3A_21 = %scan3A_10 to %scan3A_12 step %scan3A_13  : i32 {
      %mul3A_22 = arith.constant 1 : i32
      %mul3A_23 = arith.muli %scan3A_21, %mul3A_22 : i32
      %add3A_24 = arith.constant 0 : i32
      %add3A_25 = arith.addi %add3A_24, %mul3A_23 : i32
      %mul3A_26 = arith.constant 32 : i32
      %mul3A_27 = arith.muli %add3A_25, %mul3A_26 : i32
      %add3A_28 = arith.addi %add3A, %mul3A_27 : i32
      %lt3A = arith.constant 1250 : i32
      %lt3A_29 = arith.cmpi slt, %add3A_28, %lt3A : i32
      %convert_element_type3A = arith.extui %lt3A_29 : i1 to i32
      %cond3A = arith.constant 0 : i32
      %cond3A_30 = arith.cmpi ne, %convert_element_type3A, %cond3A : i32
      scf.if %cond3A_30 {
        %mul3A_31 = arith.constant 128 : i32
        %mul3A_32 = arith.muli %add3A_28, %mul3A_31 : i32
        %add3A_33 = arith.constant 0 : i32
        %add3A_34 = arith.addi %add3A_33, %mul3A_32 : i32
        %run_scoped3A = arith.constant 0 : i32
        %run_scoped3A_35 = arith.constant 0 : i32
        "tpu.region"() ({
          %run_scoped3A_37 = tpu.sem_alloc : memref<!tpu.dma_semaphore, #tpu.memory_space<semaphore_mem>>
          %dma_start3A = arith.constant 0 : i32
          %dma_start3A_38 = tpu.memref_slice %arg6[%run_scoped3A_35, %dma_start3A] : memref<1x128xi32, #tpu.memory_space<vmem>> -> memref<1x128xi32, #tpu.memory_space<vmem>>
          %dma_start3A_39 = tpu.memref_squeeze %dma_start3A_38 : memref<1x128xi32, #tpu.memory_space<vmem>> -> memref<128xi32, #tpu.memory_space<vmem>>
          %dma_start3A_40 = tpu.memref_slice %arg3[%run_scoped3A, %add3A_34] : memref<1x160000xi32, #tpu.memory_space<hbm>> -> memref<1x128xi32, #tpu.memory_space<hbm>>
          %dma_start3A_41 = tpu.memref_squeeze %dma_start3A_40 : memref<1x128xi32, #tpu.memory_space<hbm>> -> memref<128xi32, #tpu.memory_space<hbm>>
          %dma_start3A_42 = arith.constant 0 : i32
          %dma_start3A_43 = tpu.memref_slice %arg6[%run_scoped3A_35, %dma_start3A_42] : memref<1x128xi32, #tpu.memory_space<vmem>> -> memref<1x128xi32, #tpu.memory_space<vmem>>
          %dma_start3A_44 = tpu.memref_squeeze %dma_start3A_43 : memref<1x128xi32, #tpu.memory_space<vmem>> -> memref<128xi32, #tpu.memory_space<vmem>>
          %dma_start3A_45 = tpu.memref_slice %arg3[%run_scoped3A, %add3A_34] : memref<1x160000xi32, #tpu.memory_space<hbm>> -> memref<1x128xi32, #tpu.memory_space<hbm>>
          %dma_start3A_46 = tpu.memref_squeeze %dma_start3A_45 : memref<1x128xi32, #tpu.memory_space<hbm>> -> memref<128xi32, #tpu.memory_space<hbm>>
          tpu.enqueue_dma source(%dma_start3A_46 : memref<128xi32, #tpu.memory_space<hbm>>) target(%dma_start3A_44 : memref<128xi32, #tpu.memory_space<vmem>>) target_semaphore(%run_scoped3A_37 : memref<!tpu.dma_semaphore, #tpu.memory_space<semaphore_mem>>)
          %dma_wait3A = arith.constant 0 : i32
          %dma_wait3A_47 = tpu.memref_slice %arg6[%run_scoped3A_35, %dma_wait3A] : memref<1x128xi32, #tpu.memory_space<vmem>> -> memref<1x128xi32, #tpu.memory_space<vmem>>
          %dma_wait3A_48 = tpu.memref_squeeze %dma_wait3A_47 : memref<1x128xi32, #tpu.memory_space<vmem>> -> memref<128xi32, #tpu.memory_space<vmem>>
          %dma_wait3A_49 = tpu.memref_slice %arg3[%run_scoped3A, %add3A_34] : memref<1x160000xi32, #tpu.memory_space<hbm>> -> memref<1x128xi32, #tpu.memory_space<hbm>>
          %dma_wait3A_50 = tpu.memref_squeeze %dma_wait3A_49 : memref<1x128xi32, #tpu.memory_space<hbm>> -> memref<128xi32, #tpu.memory_space<hbm>>
          %dma_wait3A_51 = arith.constant 0 : i32
          %dma_wait3A_52 = tpu.memref_slice %arg6[%run_scoped3A_35, %dma_wait3A_51] : memref<1x128xi32, #tpu.memory_space<vmem>> -> memref<1x128xi32, #tpu.memory_space<vmem>>
          %dma_wait3A_53 = tpu.memref_squeeze %dma_wait3A_52 : memref<1x128xi32, #tpu.memory_space<vmem>> -> memref<128xi32, #tpu.memory_space<vmem>>
          %dma_wait3A_54 = tpu.memref_slice %arg3[%run_scoped3A, %add3A_34] : memref<1x160000xi32, #tpu.memory_space<hbm>> -> memref<1x128xi32, #tpu.memory_space<hbm>>
          %dma_wait3A_55 = tpu.memref_squeeze %dma_wait3A_54 : memref<1x128xi32, #tpu.memory_space<hbm>> -> memref<128xi32, #tpu.memory_space<hbm>>
          tpu.wait_dma2 semaphore(%run_scoped3A_37 : memref<!tpu.dma_semaphore, #tpu.memory_space<semaphore_mem>>) src(%dma_wait3A_55 : memref<128xi32, #tpu.memory_space<hbm>>) dst(%dma_wait3A_53 : memref<128xi32, #tpu.memory_space<vmem>>)
          tpu.yield
        }) : () -> ()
        "tpu.region"() ({
          %run_scoped3A_37 = tpu.sem_alloc : memref<!tpu.dma_semaphore, #tpu.memory_space<semaphore_mem>>
          %dma_start3A = arith.constant 0 : i32
          %dma_start3A_38 = tpu.memref_slice %arg2[%mul3A_32, %dma_start3A] : memref<160000x128xf32, #tpu.memory_space<hbm>> -> memref<128x128xf32, #tpu.memory_space<hbm>>
          %dma_start3A_39 = arith.constant 0 : i32
          %dma_start3A_40 = tpu.memref_slice %arg2[%mul3A_32, %dma_start3A_39] : memref<160000x128xf32, #tpu.memory_space<hbm>> -> memref<128x128xf32, #tpu.memory_space<hbm>>
          tpu.enqueue_dma source(%dma_start3A_40 : memref<128x128xf32, #tpu.memory_space<hbm>>) target(%arg7 : memref<128x128xf32, #tpu.memory_space<vmem>>) target_semaphore(%run_scoped3A_37 : memref<!tpu.dma_semaphore, #tpu.memory_space<semaphore_mem>>)
          %dma_wait3A = arith.constant 0 : i32
          %dma_wait3A_41 = tpu.memref_slice %arg2[%mul3A_32, %dma_wait3A] : memref<160000x128xf32, #tpu.memory_space<hbm>> -> memref<128x128xf32, #tpu.memory_space<hbm>>
          %dma_wait3A_42 = arith.constant 0 : i32
          %dma_wait3A_43 = tpu.memref_slice %arg2[%mul3A_32, %dma_wait3A_42] : memref<160000x128xf32, #tpu.memory_space<hbm>> -> memref<128x128xf32, #tpu.memory_space<hbm>>
          tpu.wait_dma2 semaphore(%run_scoped3A_37 : memref<!tpu.dma_semaphore, #tpu.memory_space<semaphore_mem>>) src(%dma_wait3A_43 : memref<128x128xf32, #tpu.memory_space<hbm>>) dst(%arg7 : memref<128x128xf32, #tpu.memory_space<vmem>>)
          tpu.yield
        }) : () -> ()
        %run_scoped3A_36 = arith.constant 0 : i32
        "tpu.region"() ({
          %run_scoped3A_37 = tpu.sem_alloc : memref<!tpu.dma_semaphore, #tpu.memory_space<semaphore_mem>>
          %dma_start3A = arith.constant 0 : i32
          %dma_start3A_38 = tpu.memref_slice %arg6[%run_scoped3A_36, %dma_start3A] : memref<1x128xi32, #tpu.memory_space<vmem>> -> memref<1x128xi32, #tpu.memory_space<vmem>>
          %dma_start3A_39 = tpu.memref_squeeze %dma_start3A_38 : memref<1x128xi32, #tpu.memory_space<vmem>> -> memref<128xi32, #tpu.memory_space<vmem>>
          %dma_start3A_40 = arith.constant 0 : i32
          %dma_start3A_41 = arith.constant 0 : i32
          %dma_start3A_42 = tpu.memref_slice %arg5[%dma_start3A_40, %dma_start3A_41] : memref<10000x128xf32, #tpu.memory_space<vmem_shared>> -> memref<10000x128xf32, #tpu.memory_space<vmem_shared>>
          tpu.enqueue_indirect_dma source(%arg7 : memref<128x128xf32, #tpu.memory_space<vmem>>) target(%dma_start3A_42 : memref<10000x128xf32, #tpu.memory_space<vmem_shared>>) offsets(%dma_start3A_39 : memref<128xi32, #tpu.memory_space<vmem>>) semaphore(%run_scoped3A_37 : memref<!tpu.dma_semaphore, #tpu.memory_space<semaphore_mem>>) {add = true}
          %dma_wait3A = arith.constant 0 : i32
          %dma_wait3A_43 = tpu.memref_slice %arg6[%run_scoped3A_36, %dma_wait3A] : memref<1x128xi32, #tpu.memory_space<vmem>> -> memref<1x128xi32, #tpu.memory_space<vmem>>
          %dma_wait3A_44 = tpu.memref_squeeze %dma_wait3A_43 : memref<1x128xi32, #tpu.memory_space<vmem>> -> memref<128xi32, #tpu.memory_space<vmem>>
          %dma_wait3A_45 = arith.constant 0 : i32
          %dma_wait3A_46 = arith.constant 0 : i32
          %dma_wait3A_47 = tpu.memref_slice %arg5[%dma_wait3A_45, %dma_wait3A_46] : memref<10000x128xf32, #tpu.memory_space<vmem_shared>> -> memref<10000x128xf32, #tpu.memory_space<vmem_shared>>
          tpu.wait_indirect_dma semaphore(%run_scoped3A_37 : memref<!tpu.dma_semaphore, #tpu.memory_space<semaphore_mem>>) src(%arg7 : memref<128x128xf32, #tpu.memory_space<vmem>>) dst(%dma_wait3A_47 : memref<10000x128xf32, #tpu.memory_space<vmem_shared>>)
          tpu.yield
        }) : () -> ()
      } else {
      }
    }
    %scan3A_14 = arith.constant 40 : i32
    %barrier3A_15 = arith.constant 0 : index
    tpu.barrier barrier_id(%barrier3A_15)
    %scan3A_16 = arith.constant 0 : i32
    %scan3A_17 = arith.constant 4 : i32
    %scan3A_18 = arith.addi %scan3A_16, %scan3A_17 : i32
    %scan3A_19 = arith.constant 1 : i32
    scf.for %scan3A_21 = %scan3A_16 to %scan3A_18 step %scan3A_19  : i32 {
      %mul3A_22 = arith.constant 1 : i32
      %mul3A_23 = arith.muli %scan3A_21, %mul3A_22 : i32
      %add3A_24 = arith.constant 0 : i32
      %add3A_25 = arith.addi %add3A_24, %mul3A_23 : i32
      %mul3A_26 = arith.constant 16 : i32
      %mul3A_27 = arith.muli %add3A_25, %mul3A_26 : i32
      %add3A_28 = arith.addi %arg1, %mul3A_27 : i32
      %lt3A = arith.constant 50 : i32
      %lt3A_29 = arith.cmpi slt, %add3A_28, %lt3A : i32
      %convert_element_type3A = arith.extui %lt3A_29 : i1 to i32
      %cond3A = arith.constant 0 : i32
      %cond3A_30 = arith.cmpi ne, %convert_element_type3A, %cond3A : i32
      scf.if %cond3A_30 {
        %mul3A_31 = arith.constant 200 : i32
        %mul3A_32 = arith.muli %add3A_28, %mul3A_31 : i32
        "tpu.region"() ({
          %run_scoped3A = tpu.sem_alloc : memref<!tpu.dma_semaphore, #tpu.memory_space<semaphore_mem>>
          %dma_start3A = arith.constant 0 : i32
          %dma_start3A_33 = tpu.memref_slice %arg5[%mul3A_32, %dma_start3A] : memref<10000x128xf32, #tpu.memory_space<vmem_shared>> -> memref<200x128xf32, #tpu.memory_space<vmem_shared>>
          %dma_start3A_34 = arith.constant 0 : i32
          %dma_start3A_35 = tpu.memref_slice %arg5[%mul3A_32, %dma_start3A_34] : memref<10000x128xf32, #tpu.memory_space<vmem_shared>> -> memref<200x128xf32, #tpu.memory_space<vmem_shared>>
          tpu.enqueue_dma source(%dma_start3A_35 : memref<200x128xf32, #tpu.memory_space<vmem_shared>>) target(%arg8 : memref<200x128xf32, #tpu.memory_space<vmem>>) target_semaphore(%run_scoped3A : memref<!tpu.dma_semaphore, #tpu.memory_space<semaphore_mem>>)
          %dma_wait3A = arith.constant 0 : i32
          %dma_wait3A_36 = tpu.memref_slice %arg5[%mul3A_32, %dma_wait3A] : memref<10000x128xf32, #tpu.memory_space<vmem_shared>> -> memref<200x128xf32, #tpu.memory_space<vmem_shared>>
          %dma_wait3A_37 = arith.constant 0 : i32
          %dma_wait3A_38 = tpu.memref_slice %arg5[%mul3A_32, %dma_wait3A_37] : memref<10000x128xf32, #tpu.memory_space<vmem_shared>> -> memref<200x128xf32, #tpu.memory_space<vmem_shared>>
          tpu.wait_dma2 semaphore(%run_scoped3A : memref<!tpu.dma_semaphore, #tpu.memory_space<semaphore_mem>>) src(%dma_wait3A_38 : memref<200x128xf32, #tpu.memory_space<vmem_shared>>) dst(%arg8 : memref<200x128xf32, #tpu.memory_space<vmem>>)
          tpu.yield
        }) : () -> ()
        "tpu.region"() ({
          %run_scoped3A = tpu.sem_alloc : memref<!tpu.dma_semaphore, #tpu.memory_space<semaphore_mem>>
          %dma_start3A = arith.constant 0 : i32
          %dma_start3A_33 = tpu.memref_slice %arg4[%arg0, %mul3A_32, %dma_start3A] : memref<2x10000x128xf32, #tpu.memory_space<hbm>> -> memref<1x200x128xf32, #tpu.memory_space<hbm>>
          %dma_start3A_34 = tpu.memref_squeeze %dma_start3A_33 : memref<1x200x128xf32, #tpu.memory_space<hbm>> -> memref<200x128xf32, #tpu.memory_space<hbm>>
          %dma_start3A_35 = arith.constant 0 : i32
          %dma_start3A_36 = tpu.memref_slice %arg4[%arg0, %mul3A_32, %dma_start3A_35] : memref<2x10000x128xf32, #tpu.memory_space<hbm>> -> memref<1x200x128xf32, #tpu.memory_space<hbm>>
          %dma_start3A_37 = tpu.memref_squeeze %dma_start3A_36 : memref<1x200x128xf32, #tpu.memory_space<hbm>> -> memref<200x128xf32, #tpu.memory_space<hbm>>
          tpu.enqueue_dma source(%arg8 : memref<200x128xf32, #tpu.memory_space<vmem>>) target(%dma_start3A_37 : memref<200x128xf32, #tpu.memory_space<hbm>>) target_semaphore(%run_scoped3A : memref<!tpu.dma_semaphore, #tpu.memory_space<semaphore_mem>>)
          %dma_wait3A = arith.constant 0 : i32
          %dma_wait3A_38 = tpu.memref_slice %arg4[%arg0, %mul3A_32, %dma_wait3A] : memref<2x10000x128xf32, #tpu.memory_space<hbm>> -> memref<1x200x128xf32, #tpu.memory_space<hbm>>
          %dma_wait3A_39 = tpu.memref_squeeze %dma_wait3A_38 : memref<1x200x128xf32, #tpu.memory_space<hbm>> -> memref<200x128xf32, #tpu.memory_space<hbm>>
          %dma_wait3A_40 = arith.constant 0 : i32
          %dma_wait3A_41 = tpu.memref_slice %arg4[%arg0, %mul3A_32, %dma_wait3A_40] : memref<2x10000x128xf32, #tpu.memory_space<hbm>> -> memref<1x200x128xf32, #tpu.memory_space<hbm>>
          %dma_wait3A_42 = tpu.memref_squeeze %dma_wait3A_41 : memref<1x200x128xf32, #tpu.memory_space<hbm>> -> memref<200x128xf32, #tpu.memory_space<hbm>>
          tpu.wait_dma2 semaphore(%run_scoped3A : memref<!tpu.dma_semaphore, #tpu.memory_space<semaphore_mem>>) src(%arg8 : memref<200x128xf32, #tpu.memory_space<vmem>>) dst(%dma_wait3A_42 : memref<200x128xf32, #tpu.memory_space<hbm>>)
          tpu.yield
        }) : () -> ()
      } else {
      }
    }
    %scan3A_20 = arith.constant 4 : i32
    return
  }
}

module attributes {stable_mosaic.version = 14 : i64} {
  func.func @_emb_body(%arg0: i32, %arg1: memref<400x128xf32, #tpu.memory_space<vmem>>, %arg2: memref<400x16xf32, #tpu.memory_space<vmem>>, %arg3: memref<128x2048xf32, #tpu.memory_space<vmem>>, %arg4: memref<1x128xf32, #tpu.memory_space<vmem>>, %arg5: memref<400x128xf32, #tpu.memory_space<vmem>>) attributes {dimension_semantics = [#tpu.dimension_semantics<arbitrary>], iteration_bounds = array<i64: 25>, scalar_prefetch = 0 : i64, scratch_operands = 0 : i64, tpu.core_type = #tpu.core_type<tc>, window_params = [{transform_indices = @transform_0, window_bounds = array<i64: 400, 128>}, {transform_indices = @transform_1, window_bounds = array<i64: 400, 16>}, {pipeline_mode = #tpu.pipeline_mode<synchronous>, transform_indices = @transform_2, window_bounds = array<i64: 128, 2048>}, {pipeline_mode = #tpu.pipeline_mode<synchronous>, transform_indices = @transform_3, window_bounds = array<i64: 1, 128>}, {transform_indices = @transform_4, window_bounds = array<i64: 400, 128>}]} {
    %get3A = arith.constant 0 : index
    %get3A_0 = arith.constant 0 : index
    %get3A_1 = vector.load %arg1[%get3A, %get3A_0] : memref<400x128xf32, #tpu.memory_space<vmem>>, vector<400x128xf32>
    %get3A_2 = arith.constant 0 : index
    %get3A_3 = arith.constant 0 : index
    %get3A_4 = vector.load %arg3[%get3A_2, %get3A_3] : memref<128x2048xf32, #tpu.memory_space<vmem>>, vector<128x2048xf32>
    %dot_general3A = arith.constant dense<0.000000e+00> : vector<400x2048xf32>
    %dot_general3A_5 = tpu.matmul %get3A_1, %get3A_4, %dot_general3A {dimension_numbers = #tpu.dot_dimension_numbers<[1], [0], [0], [1], [0, 0, 1, 1], [], []>, transpose_lhs_hint = false} : vector<400x128xf32>, vector<128x2048xf32>, vector<400x2048xf32> -> vector<400x2048xf32>
    %get3A_6 = arith.constant 0 : index
    %get3A_7 = arith.constant 0 : index
    %get3A_8 = vector.load %arg2[%get3A_6, %get3A_7] : memref<400x16xf32, #tpu.memory_space<vmem>>, vector<400x16xf32>
    %get3A_9 = arith.constant 0 : index
    %get3A_10 = arith.constant 0 : index
    %get3A_11 = vector.load %arg4[%get3A_9, %get3A_10] : memref<1x128xf32, #tpu.memory_space<vmem>>, vector<1x128xf32>
    %slice3A = vector.extract_strided_slice %dot_general3A_5 {offsets = [0, 0], sizes = [400, 128], strides = [1, 1]} : vector<400x2048xf32> to vector<400x128xf32>
    %slice3A_12 = vector.extract_strided_slice %get3A_8 {offsets = [0, 0], sizes = [400, 1], strides = [1, 1]} : vector<400x16xf32> to vector<400x1xf32>
    %mul3A = vector.broadcast %slice3A_12 : vector<400x1xf32> to vector<400x128xf32>
    %mul3A_13 = arith.mulf %slice3A, %mul3A : vector<400x128xf32>
    %add3A = vector.broadcast %get3A_11 : vector<1x128xf32> to vector<400x128xf32>
    %add3A_14 = arith.addf %add3A, %mul3A_13 : vector<400x128xf32>
    %slice3A_15 = vector.extract_strided_slice %dot_general3A_5 {offsets = [0, 128], sizes = [400, 128], strides = [1, 1]} : vector<400x2048xf32> to vector<400x128xf32>
    %slice3A_16 = vector.extract_strided_slice %get3A_8 {offsets = [0, 1], sizes = [400, 1], strides = [1, 1]} : vector<400x16xf32> to vector<400x1xf32>
    %mul3A_17 = vector.broadcast %slice3A_16 : vector<400x1xf32> to vector<400x128xf32>
    %mul3A_18 = arith.mulf %slice3A_15, %mul3A_17 : vector<400x128xf32>
    %add3A_19 = arith.addf %add3A_14, %mul3A_18 : vector<400x128xf32>
    %slice3A_20 = vector.extract_strided_slice %dot_general3A_5 {offsets = [0, 256], sizes = [400, 128], strides = [1, 1]} : vector<400x2048xf32> to vector<400x128xf32>
    %slice3A_21 = vector.extract_strided_slice %get3A_8 {offsets = [0, 2], sizes = [400, 1], strides = [1, 1]} : vector<400x16xf32> to vector<400x1xf32>
    %mul3A_22 = vector.broadcast %slice3A_21 : vector<400x1xf32> to vector<400x128xf32>
    %mul3A_23 = arith.mulf %slice3A_20, %mul3A_22 : vector<400x128xf32>
    %add3A_24 = arith.addf %add3A_19, %mul3A_23 : vector<400x128xf32>
    %slice3A_25 = vector.extract_strided_slice %dot_general3A_5 {offsets = [0, 384], sizes = [400, 128], strides = [1, 1]} : vector<400x2048xf32> to vector<400x128xf32>
    %slice3A_26 = vector.extract_strided_slice %get3A_8 {offsets = [0, 3], sizes = [400, 1], strides = [1, 1]} : vector<400x16xf32> to vector<400x1xf32>
    %mul3A_27 = vector.broadcast %slice3A_26 : vector<400x1xf32> to vector<400x128xf32>
    %mul3A_28 = arith.mulf %slice3A_25, %mul3A_27 : vector<400x128xf32>
    %add3A_29 = arith.addf %add3A_24, %mul3A_28 : vector<400x128xf32>
    %slice3A_30 = vector.extract_strided_slice %dot_general3A_5 {offsets = [0, 512], sizes = [400, 128], strides = [1, 1]} : vector<400x2048xf32> to vector<400x128xf32>
    %slice3A_31 = vector.extract_strided_slice %get3A_8 {offsets = [0, 4], sizes = [400, 1], strides = [1, 1]} : vector<400x16xf32> to vector<400x1xf32>
    %mul3A_32 = vector.broadcast %slice3A_31 : vector<400x1xf32> to vector<400x128xf32>
    %mul3A_33 = arith.mulf %slice3A_30, %mul3A_32 : vector<400x128xf32>
    %add3A_34 = arith.addf %add3A_29, %mul3A_33 : vector<400x128xf32>
    %slice3A_35 = vector.extract_strided_slice %dot_general3A_5 {offsets = [0, 640], sizes = [400, 128], strides = [1, 1]} : vector<400x2048xf32> to vector<400x128xf32>
    %slice3A_36 = vector.extract_strided_slice %get3A_8 {offsets = [0, 5], sizes = [400, 1], strides = [1, 1]} : vector<400x16xf32> to vector<400x1xf32>
    %mul3A_37 = vector.broadcast %slice3A_36 : vector<400x1xf32> to vector<400x128xf32>
    %mul3A_38 = arith.mulf %slice3A_35, %mul3A_37 : vector<400x128xf32>
    %add3A_39 = arith.addf %add3A_34, %mul3A_38 : vector<400x128xf32>
    %slice3A_40 = vector.extract_strided_slice %dot_general3A_5 {offsets = [0, 768], sizes = [400, 128], strides = [1, 1]} : vector<400x2048xf32> to vector<400x128xf32>
    %slice3A_41 = vector.extract_strided_slice %get3A_8 {offsets = [0, 6], sizes = [400, 1], strides = [1, 1]} : vector<400x16xf32> to vector<400x1xf32>
    %mul3A_42 = vector.broadcast %slice3A_41 : vector<400x1xf32> to vector<400x128xf32>
    %mul3A_43 = arith.mulf %slice3A_40, %mul3A_42 : vector<400x128xf32>
    %add3A_44 = arith.addf %add3A_39, %mul3A_43 : vector<400x128xf32>
    %slice3A_45 = vector.extract_strided_slice %dot_general3A_5 {offsets = [0, 896], sizes = [400, 128], strides = [1, 1]} : vector<400x2048xf32> to vector<400x128xf32>
    %slice3A_46 = vector.extract_strided_slice %get3A_8 {offsets = [0, 7], sizes = [400, 1], strides = [1, 1]} : vector<400x16xf32> to vector<400x1xf32>
    %mul3A_47 = vector.broadcast %slice3A_46 : vector<400x1xf32> to vector<400x128xf32>
    %mul3A_48 = arith.mulf %slice3A_45, %mul3A_47 : vector<400x128xf32>
    %add3A_49 = arith.addf %add3A_44, %mul3A_48 : vector<400x128xf32>
    %slice3A_50 = vector.extract_strided_slice %dot_general3A_5 {offsets = [0, 1024], sizes = [400, 128], strides = [1, 1]} : vector<400x2048xf32> to vector<400x128xf32>
    %slice3A_51 = vector.extract_strided_slice %get3A_8 {offsets = [0, 8], sizes = [400, 1], strides = [1, 1]} : vector<400x16xf32> to vector<400x1xf32>
    %mul3A_52 = vector.broadcast %slice3A_51 : vector<400x1xf32> to vector<400x128xf32>
    %mul3A_53 = arith.mulf %slice3A_50, %mul3A_52 : vector<400x128xf32>
    %add3A_54 = arith.addf %add3A_49, %mul3A_53 : vector<400x128xf32>
    %slice3A_55 = vector.extract_strided_slice %dot_general3A_5 {offsets = [0, 1152], sizes = [400, 128], strides = [1, 1]} : vector<400x2048xf32> to vector<400x128xf32>
    %slice3A_56 = vector.extract_strided_slice %get3A_8 {offsets = [0, 9], sizes = [400, 1], strides = [1, 1]} : vector<400x16xf32> to vector<400x1xf32>
    %mul3A_57 = vector.broadcast %slice3A_56 : vector<400x1xf32> to vector<400x128xf32>
    %mul3A_58 = arith.mulf %slice3A_55, %mul3A_57 : vector<400x128xf32>
    %add3A_59 = arith.addf %add3A_54, %mul3A_58 : vector<400x128xf32>
    %slice3A_60 = vector.extract_strided_slice %dot_general3A_5 {offsets = [0, 1280], sizes = [400, 128], strides = [1, 1]} : vector<400x2048xf32> to vector<400x128xf32>
    %slice3A_61 = vector.extract_strided_slice %get3A_8 {offsets = [0, 10], sizes = [400, 1], strides = [1, 1]} : vector<400x16xf32> to vector<400x1xf32>
    %mul3A_62 = vector.broadcast %slice3A_61 : vector<400x1xf32> to vector<400x128xf32>
    %mul3A_63 = arith.mulf %slice3A_60, %mul3A_62 : vector<400x128xf32>
    %add3A_64 = arith.addf %add3A_59, %mul3A_63 : vector<400x128xf32>
    %slice3A_65 = vector.extract_strided_slice %dot_general3A_5 {offsets = [0, 1408], sizes = [400, 128], strides = [1, 1]} : vector<400x2048xf32> to vector<400x128xf32>
    %slice3A_66 = vector.extract_strided_slice %get3A_8 {offsets = [0, 11], sizes = [400, 1], strides = [1, 1]} : vector<400x16xf32> to vector<400x1xf32>
    %mul3A_67 = vector.broadcast %slice3A_66 : vector<400x1xf32> to vector<400x128xf32>
    %mul3A_68 = arith.mulf %slice3A_65, %mul3A_67 : vector<400x128xf32>
    %add3A_69 = arith.addf %add3A_64, %mul3A_68 : vector<400x128xf32>
    %slice3A_70 = vector.extract_strided_slice %dot_general3A_5 {offsets = [0, 1536], sizes = [400, 128], strides = [1, 1]} : vector<400x2048xf32> to vector<400x128xf32>
    %slice3A_71 = vector.extract_strided_slice %get3A_8 {offsets = [0, 12], sizes = [400, 1], strides = [1, 1]} : vector<400x16xf32> to vector<400x1xf32>
    %mul3A_72 = vector.broadcast %slice3A_71 : vector<400x1xf32> to vector<400x128xf32>
    %mul3A_73 = arith.mulf %slice3A_70, %mul3A_72 : vector<400x128xf32>
    %add3A_74 = arith.addf %add3A_69, %mul3A_73 : vector<400x128xf32>
    %slice3A_75 = vector.extract_strided_slice %dot_general3A_5 {offsets = [0, 1664], sizes = [400, 128], strides = [1, 1]} : vector<400x2048xf32> to vector<400x128xf32>
    %slice3A_76 = vector.extract_strided_slice %get3A_8 {offsets = [0, 13], sizes = [400, 1], strides = [1, 1]} : vector<400x16xf32> to vector<400x1xf32>
    %mul3A_77 = vector.broadcast %slice3A_76 : vector<400x1xf32> to vector<400x128xf32>
    %mul3A_78 = arith.mulf %slice3A_75, %mul3A_77 : vector<400x128xf32>
    %add3A_79 = arith.addf %add3A_74, %mul3A_78 : vector<400x128xf32>
    %slice3A_80 = vector.extract_strided_slice %dot_general3A_5 {offsets = [0, 1792], sizes = [400, 128], strides = [1, 1]} : vector<400x2048xf32> to vector<400x128xf32>
    %slice3A_81 = vector.extract_strided_slice %get3A_8 {offsets = [0, 14], sizes = [400, 1], strides = [1, 1]} : vector<400x16xf32> to vector<400x1xf32>
    %mul3A_82 = vector.broadcast %slice3A_81 : vector<400x1xf32> to vector<400x128xf32>
    %mul3A_83 = arith.mulf %slice3A_80, %mul3A_82 : vector<400x128xf32>
    %add3A_84 = arith.addf %add3A_79, %mul3A_83 : vector<400x128xf32>
    %slice3A_85 = vector.extract_strided_slice %dot_general3A_5 {offsets = [0, 1920], sizes = [400, 128], strides = [1, 1]} : vector<400x2048xf32> to vector<400x128xf32>
    %slice3A_86 = vector.extract_strided_slice %get3A_8 {offsets = [0, 15], sizes = [400, 1], strides = [1, 1]} : vector<400x16xf32> to vector<400x1xf32>
    %mul3A_87 = vector.broadcast %slice3A_86 : vector<400x1xf32> to vector<400x128xf32>
    %mul3A_88 = arith.mulf %slice3A_85, %mul3A_87 : vector<400x128xf32>
    %add3A_89 = arith.addf %add3A_84, %mul3A_88 : vector<400x128xf32>
    %swap3A = arith.constant 0 : index
    %swap3A_90 = arith.constant 0 : index
    %swap3A_91 = vector.load %arg5[%swap3A, %swap3A_90] : memref<400x128xf32, #tpu.memory_space<vmem>>, vector<400x128xf32>
    tpu.vector_store %arg5[%swap3A, %swap3A_90], %add3A_89 {strides = array<i32>} : memref<400x128xf32, #tpu.memory_space<vmem>>, vector<400x128xf32>,
    return
  }
  func.func @transform_0(%arg0: i32) -> (i32, i32) {
    %add3A = arith.constant 0 : i32
    %add3A_0 = arith.addi %arg0, %add3A : i32
    %c0_i32 = arith.constant 0 : i32
    %c0_i32_1 = arith.constant 0 : i32
    return %add3A_0, %c0_i32 : i32, i32
  }
  func.func @transform_1(%arg0: i32) -> (i32, i32) {
    %add3A = arith.constant 0 : i32
    %add3A_0 = arith.addi %arg0, %add3A : i32
    %c0_i32 = arith.constant 0 : i32
    %c0_i32_1 = arith.constant 0 : i32
    return %add3A_0, %c0_i32 : i32, i32
  }
  func.func @transform_2(%arg0: i32) -> (i32, i32) {
    %c0_i32 = arith.constant 0 : i32
    %c0_i32_0 = arith.constant 0 : i32
    %c0_i32_1 = arith.constant 0 : i32
    return %c0_i32, %c0_i32_0 : i32, i32
  }
  func.func @transform_3(%arg0: i32) -> (i32, i32) {
    %c0_i32 = arith.constant 0 : i32
    %c0_i32_0 = arith.constant 0 : i32
    %c0_i32_1 = arith.constant 0 : i32
    return %c0_i32, %c0_i32_0 : i32, i32
  }
  func.func @transform_4(%arg0: i32) -> (i32, i32) {
    %add3A = arith.constant 0 : i32
    %add3A_0 = arith.addi %arg0, %add3A : i32
    %c0_i32 = arith.constant 0 : i32
    %c0_i32_1 = arith.constant 0 : i32
    return %add3A_0, %c0_i32 : i32, i32
  }
}

module attributes {stable_mosaic.version = 14 : i64} {
  func.func @_msg_body(%arg0: i32, %arg1: memref<640x128xf32, #tpu.memory_space<vmem>>, %arg2: memref<640x128xf32, #tpu.memory_space<vmem>>, %arg3: memref<640x4xf32, #tpu.memory_space<vmem>>, %arg4: memref<640x4xf32, #tpu.memory_space<vmem>>, %arg5: memref<128x512xf32, #tpu.memory_space<vmem>>, %arg6: memref<128x512xf32, #tpu.memory_space<vmem>>, %arg7: memref<4x512xf32, #tpu.memory_space<vmem>>, %arg8: memref<1x128xf32, #tpu.memory_space<vmem>>, %arg9: memref<128x512xf32, #tpu.memory_space<vmem>>, %arg10: memref<1x128xf32, #tpu.memory_space<vmem>>, %arg11: memref<640x128xf32, #tpu.memory_space<vmem>>) attributes {dimension_semantics = [#tpu.dimension_semantics<arbitrary>], iteration_bounds = array<i64: 250>, scalar_prefetch = 0 : i64, scratch_operands = 0 : i64, tpu.core_type = #tpu.core_type<tc>, window_params = [{transform_indices = @transform_0, window_bounds = array<i64: 640, 128>}, {transform_indices = @transform_1, window_bounds = array<i64: 640, 128>}, {transform_indices = @transform_2, window_bounds = array<i64: 640, 4>}, {transform_indices = @transform_3, window_bounds = array<i64: 640, 4>}, {pipeline_mode = #tpu.pipeline_mode<synchronous>, transform_indices = @transform_4, window_bounds = array<i64: 128, 512>}, {pipeline_mode = #tpu.pipeline_mode<synchronous>, transform_indices = @transform_5, window_bounds = array<i64: 128, 512>}, {pipeline_mode = #tpu.pipeline_mode<synchronous>, transform_indices = @transform_6, window_bounds = array<i64: 4, 512>}, {pipeline_mode = #tpu.pipeline_mode<synchronous>, transform_indices = @transform_7, window_bounds = array<i64: 1, 128>}, {pipeline_mode = #tpu.pipeline_mode<synchronous>, transform_indices = @transform_8, window_bounds = array<i64: 128, 512>}, {pipeline_mode = #tpu.pipeline_mode<synchronous>, transform_indices = @transform_9, window_bounds = array<i64: 1, 128>}, {transform_indices = @transform_10, window_bounds = array<i64: 640, 128>}]} {
    %get3A = arith.constant 0 : index
    %get3A_0 = arith.constant 0 : index
    %get3A_1 = vector.load %arg1[%get3A, %get3A_0] : memref<640x128xf32, #tpu.memory_space<vmem>>, vector<640x128xf32>
    %get3A_2 = arith.constant 0 : index
    %get3A_3 = arith.constant 0 : index
    %get3A_4 = vector.load %arg5[%get3A_2, %get3A_3] : memref<128x512xf32, #tpu.memory_space<vmem>>, vector<128x512xf32>
    %dot_general3A = arith.constant dense<0.000000e+00> : vector<640x512xf32>
    %dot_general3A_5 = tpu.matmul %get3A_1, %get3A_4, %dot_general3A {dimension_numbers = #tpu.dot_dimension_numbers<[1], [0], [0], [1], [0, 0, 1, 1], [], []>, transpose_lhs_hint = false} : vector<640x128xf32>, vector<128x512xf32>, vector<640x512xf32> -> vector<640x512xf32>
    %get3A_6 = arith.constant 0 : index
    %get3A_7 = arith.constant 0 : index
    %get3A_8 = vector.load %arg2[%get3A_6, %get3A_7] : memref<640x128xf32, #tpu.memory_space<vmem>>, vector<640x128xf32>
    %get3A_9 = arith.constant 0 : index
    %get3A_10 = arith.constant 0 : index
    %get3A_11 = vector.load %arg6[%get3A_9, %get3A_10] : memref<128x512xf32, #tpu.memory_space<vmem>>, vector<128x512xf32>
    %dot_general3A_12 = arith.constant dense<0.000000e+00> : vector<640x512xf32>
    %dot_general3A_13 = tpu.matmul %get3A_8, %get3A_11, %dot_general3A_12 {dimension_numbers = #tpu.dot_dimension_numbers<[1], [0], [0], [1], [0, 0, 1, 1], [], []>, transpose_lhs_hint = false} : vector<640x128xf32>, vector<128x512xf32>, vector<640x512xf32> -> vector<640x512xf32>
    %add3A = arith.addf %dot_general3A_5, %dot_general3A_13 : vector<640x512xf32>
    %get3A_14 = arith.constant 0 : index
    %get3A_15 = arith.constant 0 : index
    %get3A_16 = vector.load %arg4[%get3A_14, %get3A_15] : memref<640x4xf32, #tpu.memory_space<vmem>>, vector<640x4xf32>
    %get3A_17 = arith.constant 0 : index
    %get3A_18 = arith.constant 0 : index
    %get3A_19 = vector.load %arg7[%get3A_17, %get3A_18] : memref<4x512xf32, #tpu.memory_space<vmem>>, vector<4x512xf32>
    %dot_general3A_20 = arith.constant dense<0.000000e+00> : vector<640x512xf32>
    %dot_general3A_21 = tpu.matmul %get3A_16, %get3A_19, %dot_general3A_20 {dimension_numbers = #tpu.dot_dimension_numbers<[1], [0], [0], [1], [0, 0, 1, 1], [], []>, transpose_lhs_hint = false} : vector<640x4xf32>, vector<4x512xf32>, vector<640x512xf32> -> vector<640x512xf32>
    %add3A_22 = arith.addf %add3A, %dot_general3A_21 : vector<640x512xf32>
    %get3A_23 = arith.constant 0 : index
    %get3A_24 = arith.constant 0 : index
    %get3A_25 = vector.load %arg3[%get3A_23, %get3A_24] : memref<640x4xf32, #tpu.memory_space<vmem>>, vector<640x4xf32>
    %get3A_26 = arith.constant 0 : index
    %get3A_27 = arith.constant 0 : index
    %get3A_28 = vector.load %arg8[%get3A_26, %get3A_27] : memref<1x128xf32, #tpu.memory_space<vmem>>, vector<1x128xf32>
    %slice3A = vector.extract_strided_slice %add3A_22 {offsets = [0, 0], sizes = [640, 128], strides = [1, 1]} : vector<640x512xf32> to vector<640x128xf32>
    %slice3A_29 = vector.extract_strided_slice %get3A_25 {offsets = [0, 0], sizes = [640, 1], strides = [1, 1]} : vector<640x4xf32> to vector<640x1xf32>
    %mul3A = vector.broadcast %slice3A_29 : vector<640x1xf32> to vector<640x128xf32>
    %mul3A_30 = arith.mulf %slice3A, %mul3A : vector<640x128xf32>
    %add3A_31 = vector.broadcast %get3A_28 : vector<1x128xf32> to vector<640x128xf32>
    %add3A_32 = arith.addf %add3A_31, %mul3A_30 : vector<640x128xf32>
    %slice3A_33 = vector.extract_strided_slice %add3A_22 {offsets = [0, 128], sizes = [640, 128], strides = [1, 1]} : vector<640x512xf32> to vector<640x128xf32>
    %slice3A_34 = vector.extract_strided_slice %get3A_25 {offsets = [0, 1], sizes = [640, 1], strides = [1, 1]} : vector<640x4xf32> to vector<640x1xf32>
    %mul3A_35 = vector.broadcast %slice3A_34 : vector<640x1xf32> to vector<640x128xf32>
    %mul3A_36 = arith.mulf %slice3A_33, %mul3A_35 : vector<640x128xf32>
    %add3A_37 = arith.addf %add3A_32, %mul3A_36 : vector<640x128xf32>
    %slice3A_38 = vector.extract_strided_slice %add3A_22 {offsets = [0, 256], sizes = [640, 128], strides = [1, 1]} : vector<640x512xf32> to vector<640x128xf32>
    %slice3A_39 = vector.extract_strided_slice %get3A_25 {offsets = [0, 2], sizes = [640, 1], strides = [1, 1]} : vector<640x4xf32> to vector<640x1xf32>
    %mul3A_40 = vector.broadcast %slice3A_39 : vector<640x1xf32> to vector<640x128xf32>
    %mul3A_41 = arith.mulf %slice3A_38, %mul3A_40 : vector<640x128xf32>
    %add3A_42 = arith.addf %add3A_37, %mul3A_41 : vector<640x128xf32>
    %slice3A_43 = vector.extract_strided_slice %add3A_22 {offsets = [0, 384], sizes = [640, 128], strides = [1, 1]} : vector<640x512xf32> to vector<640x128xf32>
    %slice3A_44 = vector.extract_strided_slice %get3A_25 {offsets = [0, 3], sizes = [640, 1], strides = [1, 1]} : vector<640x4xf32> to vector<640x1xf32>
    %mul3A_45 = vector.broadcast %slice3A_44 : vector<640x1xf32> to vector<640x128xf32>
    %mul3A_46 = arith.mulf %slice3A_43, %mul3A_45 : vector<640x128xf32>
    %add3A_47 = arith.addf %add3A_42, %mul3A_46 : vector<640x128xf32>
    %logistic3A = arith.negf %add3A_47 : vector<640x128xf32>
    %logistic3A_48 = math.exp %logistic3A : vector<640x128xf32>
    %logistic3A_49 = arith.constant 1.000000e+00 : f32
    %logistic3A_50 = vector.broadcast %logistic3A_49 : f32 to vector<640x128xf32>
    %logistic3A_51 = arith.addf %logistic3A_50, %logistic3A_48 : vector<640x128xf32>
    %logistic3A_52 = arith.divf %logistic3A_50, %logistic3A_51 : vector<640x128xf32>
    %mul3A_53 = arith.mulf %add3A_47, %logistic3A_52 : vector<640x128xf32>
    %get3A_54 = arith.constant 0 : index
    %get3A_55 = arith.constant 0 : index
    %get3A_56 = vector.load %arg9[%get3A_54, %get3A_55] : memref<128x512xf32, #tpu.memory_space<vmem>>, vector<128x512xf32>
    %dot_general3A_57 = arith.constant dense<0.000000e+00> : vector<640x512xf32>
    %dot_general3A_58 = tpu.matmul %mul3A_53, %get3A_56, %dot_general3A_57 {dimension_numbers = #tpu.dot_dimension_numbers<[1], [0], [0], [1], [0, 0, 1, 1], [], []>, transpose_lhs_hint = false} : vector<640x128xf32>, vector<128x512xf32>, vector<640x512xf32> -> vector<640x512xf32>
    %get3A_59 = arith.constant 0 : index
    %get3A_60 = arith.constant 0 : index
    %get3A_61 = vector.load %arg3[%get3A_59, %get3A_60] : memref<640x4xf32, #tpu.memory_space<vmem>>, vector<640x4xf32>
    %get3A_62 = arith.constant 0 : index
    %get3A_63 = arith.constant 0 : index
    %get3A_64 = vector.load %arg10[%get3A_62, %get3A_63] : memref<1x128xf32, #tpu.memory_space<vmem>>, vector<1x128xf32>
    %slice3A_65 = vector.extract_strided_slice %dot_general3A_58 {offsets = [0, 0], sizes = [640, 128], strides = [1, 1]} : vector<640x512xf32> to vector<640x128xf32>
    %slice3A_66 = vector.extract_strided_slice %get3A_61 {offsets = [0, 0], sizes = [640, 1], strides = [1, 1]} : vector<640x4xf32> to vector<640x1xf32>
    %mul3A_67 = vector.broadcast %slice3A_66 : vector<640x1xf32> to vector<640x128xf32>
    %mul3A_68 = arith.mulf %slice3A_65, %mul3A_67 : vector<640x128xf32>
    %add3A_69 = vector.broadcast %get3A_64 : vector<1x128xf32> to vector<640x128xf32>
    %add3A_70 = arith.addf %add3A_69, %mul3A_68 : vector<640x128xf32>
    %slice3A_71 = vector.extract_strided_slice %dot_general3A_58 {offsets = [0, 128], sizes = [640, 128], strides = [1, 1]} : vector<640x512xf32> to vector<640x128xf32>
    %slice3A_72 = vector.extract_strided_slice %get3A_61 {offsets = [0, 1], sizes = [640, 1], strides = [1, 1]} : vector<640x4xf32> to vector<640x1xf32>
    %mul3A_73 = vector.broadcast %slice3A_72 : vector<640x1xf32> to vector<640x128xf32>
    %mul3A_74 = arith.mulf %slice3A_71, %mul3A_73 : vector<640x128xf32>
    %add3A_75 = arith.addf %add3A_70, %mul3A_74 : vector<640x128xf32>
    %slice3A_76 = vector.extract_strided_slice %dot_general3A_58 {offsets = [0, 256], sizes = [640, 128], strides = [1, 1]} : vector<640x512xf32> to vector<640x128xf32>
    %slice3A_77 = vector.extract_strided_slice %get3A_61 {offsets = [0, 2], sizes = [640, 1], strides = [1, 1]} : vector<640x4xf32> to vector<640x1xf32>
    %mul3A_78 = vector.broadcast %slice3A_77 : vector<640x1xf32> to vector<640x128xf32>
    %mul3A_79 = arith.mulf %slice3A_76, %mul3A_78 : vector<640x128xf32>
    %add3A_80 = arith.addf %add3A_75, %mul3A_79 : vector<640x128xf32>
    %slice3A_81 = vector.extract_strided_slice %dot_general3A_58 {offsets = [0, 384], sizes = [640, 128], strides = [1, 1]} : vector<640x512xf32> to vector<640x128xf32>
    %slice3A_82 = vector.extract_strided_slice %get3A_61 {offsets = [0, 3], sizes = [640, 1], strides = [1, 1]} : vector<640x4xf32> to vector<640x1xf32>
    %mul3A_83 = vector.broadcast %slice3A_82 : vector<640x1xf32> to vector<640x128xf32>
    %mul3A_84 = arith.mulf %slice3A_81, %mul3A_83 : vector<640x128xf32>
    %add3A_85 = arith.addf %add3A_80, %mul3A_84 : vector<640x128xf32>
    %logistic3A_86 = arith.negf %add3A_85 : vector<640x128xf32>
    %logistic3A_87 = math.exp %logistic3A_86 : vector<640x128xf32>
    %logistic3A_88 = arith.constant 1.000000e+00 : f32
    %logistic3A_89 = vector.broadcast %logistic3A_88 : f32 to vector<640x128xf32>
    %logistic3A_90 = arith.addf %logistic3A_89, %logistic3A_87 : vector<640x128xf32>
    %logistic3A_91 = arith.divf %logistic3A_89, %logistic3A_90 : vector<640x128xf32>
    %mul3A_92 = arith.mulf %add3A_85, %logistic3A_91 : vector<640x128xf32>
    %swap3A = arith.constant 0 : index
    %swap3A_93 = arith.constant 0 : index
    %swap3A_94 = vector.load %arg11[%swap3A, %swap3A_93] : memref<640x128xf32, #tpu.memory_space<vmem>>, vector<640x128xf32>
    tpu.vector_store %arg11[%swap3A, %swap3A_93], %mul3A_92 {strides = array<i32>} : memref<640x128xf32, #tpu.memory_space<vmem>>, vector<640x128xf32>,
    return
  }
  func.func @transform_0(%arg0: i32) -> (i32, i32) {
    %add3A = arith.constant 0 : i32
    %add3A_0 = arith.addi %arg0, %add3A : i32
    %c0_i32 = arith.constant 0 : i32
    %c0_i32_1 = arith.constant 0 : i32
    return %add3A_0, %c0_i32 : i32, i32
  }
  func.func @transform_1(%arg0: i32) -> (i32, i32) {
    %add3A = arith.constant 250 : i32
    %add3A_0 = arith.addi %arg0, %add3A : i32
    %c0_i32 = arith.constant 0 : i32
    %c0_i32_1 = arith.constant 0 : i32
    return %add3A_0, %c0_i32 : i32, i32
  }
  func.func @transform_2(%arg0: i32) -> (i32, i32) {
    %add3A = arith.constant 0 : i32
    %add3A_0 = arith.addi %arg0, %add3A : i32
    %c0_i32 = arith.constant 0 : i32
    %c0_i32_1 = arith.constant 0 : i32
    return %add3A_0, %c0_i32 : i32, i32
  }
  func.func @transform_3(%arg0: i32) -> (i32, i32) {
    %add3A = arith.constant 0 : i32
    %add3A_0 = arith.addi %arg0, %add3A : i32
    %c0_i32 = arith.constant 0 : i32
    %c0_i32_1 = arith.constant 0 : i32
    return %add3A_0, %c0_i32 : i32, i32
  }
  func.func @transform_4(%arg0: i32) -> (i32, i32) {
    %c0_i32 = arith.constant 0 : i32
    %c0_i32_0 = arith.constant 0 : i32
    %c0_i32_1 = arith.constant 0 : i32
    return %c0_i32, %c0_i32_0 : i32, i32
  }
  func.func @transform_5(%arg0: i32) -> (i32, i32) {
    %c0_i32 = arith.constant 0 : i32
    %c0_i32_0 = arith.constant 0 : i32
    %c0_i32_1 = arith.constant 0 : i32
    return %c0_i32, %c0_i32_0 : i32, i32
  }
  func.func @transform_6(%arg0: i32) -> (i32, i32) {
    %c0_i32 = arith.constant 0 : i32
    %c0_i32_0 = arith.constant 0 : i32
    %c0_i32_1 = arith.constant 0 : i32
    return %c0_i32, %c0_i32_0 : i32, i32
  }
  func.func @transform_7(%arg0: i32) -> (i32, i32) {
    %c0_i32 = arith.constant 0 : i32
    %c0_i32_0 = arith.constant 0 : i32
    %c0_i32_1 = arith.constant 0 : i32
    return %c0_i32, %c0_i32_0 : i32, i32
  }
  func.func @transform_8(%arg0: i32) -> (i32, i32) {
    %c0_i32 = arith.constant 0 : i32
    %c0_i32_0 = arith.constant 0 : i32
    %c0_i32_1 = arith.constant 0 : i32
    return %c0_i32, %c0_i32_0 : i32, i32
  }
  func.func @transform_9(%arg0: i32) -> (i32, i32) {
    %c0_i32 = arith.constant 0 : i32
    %c0_i32_0 = arith.constant 0 : i32
    %c0_i32_1 = arith.constant 0 : i32
    return %c0_i32, %c0_i32_0 : i32, i32
  }
  func.func @transform_10(%arg0: i32) -> (i32, i32) {
    %add3A = arith.constant 0 : i32
    %add3A_0 = arith.addi %arg0, %add3A : i32
    %c0_i32 = arith.constant 0 : i32
    %c0_i32_1 = arith.constant 0 : i32
    return %add3A_0, %c0_i32 : i32, i32
  }
}

module attributes {stable_mosaic.version = 14 : i64} {
  func.func @_upd_body(%arg0: i32, %arg1: memref<400x128xf32, #tpu.memory_space<vmem>>, %arg2: memref<2x400x128xf32, #tpu.memory_space<vmem>>, %arg3: memref<400x16xf32, #tpu.memory_space<vmem>>, %arg4: memref<128x2048xf32, #tpu.memory_space<vmem>>, %arg5: memref<128x2048xf32, #tpu.memory_space<vmem>>, %arg6: memref<1x128xf32, #tpu.memory_space<vmem>>, %arg7: memref<128x2048xf32, #tpu.memory_space<vmem>>, %arg8: memref<1x128xf32, #tpu.memory_space<vmem>>, %arg9: memref<400x128xf32, #tpu.memory_space<vmem>>) attributes {dimension_semantics = [#tpu.dimension_semantics<arbitrary>], iteration_bounds = array<i64: 25>, scalar_prefetch = 0 : i64, scratch_operands = 0 : i64, tpu.core_type = #tpu.core_type<tc>, window_params = [{transform_indices = @transform_0, window_bounds = array<i64: 400, 128>}, {transform_indices = @transform_1, window_bounds = array<i64: 2, 400, 128>}, {transform_indices = @transform_2, window_bounds = array<i64: 400, 16>}, {pipeline_mode = #tpu.pipeline_mode<synchronous>, transform_indices = @transform_3, window_bounds = array<i64: 128, 2048>}, {pipeline_mode = #tpu.pipeline_mode<synchronous>, transform_indices = @transform_4, window_bounds = array<i64: 128, 2048>}, {pipeline_mode = #tpu.pipeline_mode<synchronous>, transform_indices = @transform_5, window_bounds = array<i64: 1, 128>}, {pipeline_mode = #tpu.pipeline_mode<synchronous>, transform_indices = @transform_6, window_bounds = array<i64: 128, 2048>}, {pipeline_mode = #tpu.pipeline_mode<synchronous>, transform_indices = @transform_7, window_bounds = array<i64: 1, 128>}, {transform_indices = @transform_8, window_bounds = array<i64: 400, 128>}]} {
    %get3A = arith.constant 0 : index
    %get3A_0 = arith.constant 0 : index
    %get3A_1 = arith.constant 0 : index
    %get3A_2 = vector.load %arg2[%get3A, %get3A_0, %get3A_1] : memref<2x400x128xf32, #tpu.memory_space<vmem>>, vector<1x400x128xf32>
    %get3A_3 = vector.shape_cast %get3A_2 : vector<1x400x128xf32> to vector<400x128xf32>
    %get3A_4 = arith.constant 1 : index
    %get3A_5 = arith.constant 0 : index
    %get3A_6 = arith.constant 0 : index
    %get3A_7 = vector.load %arg2[%get3A_4, %get3A_5, %get3A_6] : memref<2x400x128xf32, #tpu.memory_space<vmem>>, vector<1x400x128xf32>
    %get3A_8 = vector.shape_cast %get3A_7 : vector<1x400x128xf32> to vector<400x128xf32>
    %add3A = arith.addf %get3A_3, %get3A_8 : vector<400x128xf32>
    %get3A_9 = arith.constant 0 : index
    %get3A_10 = arith.constant 0 : index
    %get3A_11 = vector.load %arg1[%get3A_9, %get3A_10] : memref<400x128xf32, #tpu.memory_space<vmem>>, vector<400x128xf32>
    %get3A_12 = arith.constant 0 : index
    %get3A_13 = arith.constant 0 : index
    %get3A_14 = vector.load %arg4[%get3A_12, %get3A_13] : memref<128x2048xf32, #tpu.memory_space<vmem>>, vector<128x2048xf32>
    %dot_general3A = arith.constant dense<0.000000e+00> : vector<400x2048xf32>
    %dot_general3A_15 = tpu.matmul %get3A_11, %get3A_14, %dot_general3A {dimension_numbers = #tpu.dot_dimension_numbers<[1], [0], [0], [1], [0, 0, 1, 1], [], []>, transpose_lhs_hint = false} : vector<400x128xf32>, vector<128x2048xf32>, vector<400x2048xf32> -> vector<400x2048xf32>
    %get3A_16 = arith.constant 0 : index
    %get3A_17 = arith.constant 0 : index
    %get3A_18 = vector.load %arg5[%get3A_16, %get3A_17] : memref<128x2048xf32, #tpu.memory_space<vmem>>, vector<128x2048xf32>
    %dot_general3A_19 = arith.constant dense<0.000000e+00> : vector<400x2048xf32>
    %dot_general3A_20 = tpu.matmul %add3A, %get3A_18, %dot_general3A_19 {dimension_numbers = #tpu.dot_dimension_numbers<[1], [0], [0], [1], [0, 0, 1, 1], [], []>, transpose_lhs_hint = false} : vector<400x128xf32>, vector<128x2048xf32>, vector<400x2048xf32> -> vector<400x2048xf32>
    %add3A_21 = arith.addf %dot_general3A_15, %dot_general3A_20 : vector<400x2048xf32>
    %get3A_22 = arith.constant 0 : index
    %get3A_23 = arith.constant 0 : index
    %get3A_24 = vector.load %arg3[%get3A_22, %get3A_23] : memref<400x16xf32, #tpu.memory_space<vmem>>, vector<400x16xf32>
    %get3A_25 = arith.constant 0 : index
    %get3A_26 = arith.constant 0 : index
    %get3A_27 = vector.load %arg6[%get3A_25, %get3A_26] : memref<1x128xf32, #tpu.memory_space<vmem>>, vector<1x128xf32>
    %slice3A = vector.extract_strided_slice %add3A_21 {offsets = [0, 0], sizes = [400, 128], strides = [1, 1]} : vector<400x2048xf32> to vector<400x128xf32>
    %slice3A_28 = vector.extract_strided_slice %get3A_24 {offsets = [0, 0], sizes = [400, 1], strides = [1, 1]} : vector<400x16xf32> to vector<400x1xf32>
    %mul3A = vector.broadcast %slice3A_28 : vector<400x1xf32> to vector<400x128xf32>
    %mul3A_29 = arith.mulf %slice3A, %mul3A : vector<400x128xf32>
    %add3A_30 = vector.broadcast %get3A_27 : vector<1x128xf32> to vector<400x128xf32>
    %add3A_31 = arith.addf %add3A_30, %mul3A_29 : vector<400x128xf32>
    %slice3A_32 = vector.extract_strided_slice %add3A_21 {offsets = [0, 128], sizes = [400, 128], strides = [1, 1]} : vector<400x2048xf32> to vector<400x128xf32>
    %slice3A_33 = vector.extract_strided_slice %get3A_24 {offsets = [0, 1], sizes = [400, 1], strides = [1, 1]} : vector<400x16xf32> to vector<400x1xf32>
    %mul3A_34 = vector.broadcast %slice3A_33 : vector<400x1xf32> to vector<400x128xf32>
    %mul3A_35 = arith.mulf %slice3A_32, %mul3A_34 : vector<400x128xf32>
    %add3A_36 = arith.addf %add3A_31, %mul3A_35 : vector<400x128xf32>
    %slice3A_37 = vector.extract_strided_slice %add3A_21 {offsets = [0, 256], sizes = [400, 128], strides = [1, 1]} : vector<400x2048xf32> to vector<400x128xf32>
    %slice3A_38 = vector.extract_strided_slice %get3A_24 {offsets = [0, 2], sizes = [400, 1], strides = [1, 1]} : vector<400x16xf32> to vector<400x1xf32>
    %mul3A_39 = vector.broadcast %slice3A_38 : vector<400x1xf32> to vector<400x128xf32>
    %mul3A_40 = arith.mulf %slice3A_37, %mul3A_39 : vector<400x128xf32>
    %add3A_41 = arith.addf %add3A_36, %mul3A_40 : vector<400x128xf32>
    %slice3A_42 = vector.extract_strided_slice %add3A_21 {offsets = [0, 384], sizes = [400, 128], strides = [1, 1]} : vector<400x2048xf32> to vector<400x128xf32>
    %slice3A_43 = vector.extract_strided_slice %get3A_24 {offsets = [0, 3], sizes = [400, 1], strides = [1, 1]} : vector<400x16xf32> to vector<400x1xf32>
    %mul3A_44 = vector.broadcast %slice3A_43 : vector<400x1xf32> to vector<400x128xf32>
    %mul3A_45 = arith.mulf %slice3A_42, %mul3A_44 : vector<400x128xf32>
    %add3A_46 = arith.addf %add3A_41, %mul3A_45 : vector<400x128xf32>
    %slice3A_47 = vector.extract_strided_slice %add3A_21 {offsets = [0, 512], sizes = [400, 128], strides = [1, 1]} : vector<400x2048xf32> to vector<400x128xf32>
    %slice3A_48 = vector.extract_strided_slice %get3A_24 {offsets = [0, 4], sizes = [400, 1], strides = [1, 1]} : vector<400x16xf32> to vector<400x1xf32>
    %mul3A_49 = vector.broadcast %slice3A_48 : vector<400x1xf32> to vector<400x128xf32>
    %mul3A_50 = arith.mulf %slice3A_47, %mul3A_49 : vector<400x128xf32>
    %add3A_51 = arith.addf %add3A_46, %mul3A_50 : vector<400x128xf32>
    %slice3A_52 = vector.extract_strided_slice %add3A_21 {offsets = [0, 640], sizes = [400, 128], strides = [1, 1]} : vector<400x2048xf32> to vector<400x128xf32>
    %slice3A_53 = vector.extract_strided_slice %get3A_24 {offsets = [0, 5], sizes = [400, 1], strides = [1, 1]} : vector<400x16xf32> to vector<400x1xf32>
    %mul3A_54 = vector.broadcast %slice3A_53 : vector<400x1xf32> to vector<400x128xf32>
    %mul3A_55 = arith.mulf %slice3A_52, %mul3A_54 : vector<400x128xf32>
    %add3A_56 = arith.addf %add3A_51, %mul3A_55 : vector<400x128xf32>
    %slice3A_57 = vector.extract_strided_slice %add3A_21 {offsets = [0, 768], sizes = [400, 128], strides = [1, 1]} : vector<400x2048xf32> to vector<400x128xf32>
    %slice3A_58 = vector.extract_strided_slice %get3A_24 {offsets = [0, 6], sizes = [400, 1], strides = [1, 1]} : vector<400x16xf32> to vector<400x1xf32>
    %mul3A_59 = vector.broadcast %slice3A_58 : vector<400x1xf32> to vector<400x128xf32>
    %mul3A_60 = arith.mulf %slice3A_57, %mul3A_59 : vector<400x128xf32>
    %add3A_61 = arith.addf %add3A_56, %mul3A_60 : vector<400x128xf32>
    %slice3A_62 = vector.extract_strided_slice %add3A_21 {offsets = [0, 896], sizes = [400, 128], strides = [1, 1]} : vector<400x2048xf32> to vector<400x128xf32>
    %slice3A_63 = vector.extract_strided_slice %get3A_24 {offsets = [0, 7], sizes = [400, 1], strides = [1, 1]} : vector<400x16xf32> to vector<400x1xf32>
    %mul3A_64 = vector.broadcast %slice3A_63 : vector<400x1xf32> to vector<400x128xf32>
    %mul3A_65 = arith.mulf %slice3A_62, %mul3A_64 : vector<400x128xf32>
    %add3A_66 = arith.addf %add3A_61, %mul3A_65 : vector<400x128xf32>
    %slice3A_67 = vector.extract_strided_slice %add3A_21 {offsets = [0, 1024], sizes = [400, 128], strides = [1, 1]} : vector<400x2048xf32> to vector<400x128xf32>
    %slice3A_68 = vector.extract_strided_slice %get3A_24 {offsets = [0, 8], sizes = [400, 1], strides = [1, 1]} : vector<400x16xf32> to vector<400x1xf32>
    %mul3A_69 = vector.broadcast %slice3A_68 : vector<400x1xf32> to vector<400x128xf32>
    %mul3A_70 = arith.mulf %slice3A_67, %mul3A_69 : vector<400x128xf32>
    %add3A_71 = arith.addf %add3A_66, %mul3A_70 : vector<400x128xf32>
    %slice3A_72 = vector.extract_strided_slice %add3A_21 {offsets = [0, 1152], sizes = [400, 128], strides = [1, 1]} : vector<400x2048xf32> to vector<400x128xf32>
    %slice3A_73 = vector.extract_strided_slice %get3A_24 {offsets = [0, 9], sizes = [400, 1], strides = [1, 1]} : vector<400x16xf32> to vector<400x1xf32>
    %mul3A_74 = vector.broadcast %slice3A_73 : vector<400x1xf32> to vector<400x128xf32>
    %mul3A_75 = arith.mulf %slice3A_72, %mul3A_74 : vector<400x128xf32>
    %add3A_76 = arith.addf %add3A_71, %mul3A_75 : vector<400x128xf32>
    %slice3A_77 = vector.extract_strided_slice %add3A_21 {offsets = [0, 1280], sizes = [400, 128], strides = [1, 1]} : vector<400x2048xf32> to vector<400x128xf32>
    %slice3A_78 = vector.extract_strided_slice %get3A_24 {offsets = [0, 10], sizes = [400, 1], strides = [1, 1]} : vector<400x16xf32> to vector<400x1xf32>
    %mul3A_79 = vector.broadcast %slice3A_78 : vector<400x1xf32> to vector<400x128xf32>
    %mul3A_80 = arith.mulf %slice3A_77, %mul3A_79 : vector<400x128xf32>
    %add3A_81 = arith.addf %add3A_76, %mul3A_80 : vector<400x128xf32>
    %slice3A_82 = vector.extract_strided_slice %add3A_21 {offsets = [0, 1408], sizes = [400, 128], strides = [1, 1]} : vector<400x2048xf32> to vector<400x128xf32>
    %slice3A_83 = vector.extract_strided_slice %get3A_24 {offsets = [0, 11], sizes = [400, 1], strides = [1, 1]} : vector<400x16xf32> to vector<400x1xf32>
    %mul3A_84 = vector.broadcast %slice3A_83 : vector<400x1xf32> to vector<400x128xf32>
    %mul3A_85 = arith.mulf %slice3A_82, %mul3A_84 : vector<400x128xf32>
    %add3A_86 = arith.addf %add3A_81, %mul3A_85 : vector<400x128xf32>
    %slice3A_87 = vector.extract_strided_slice %add3A_21 {offsets = [0, 1536], sizes = [400, 128], strides = [1, 1]} : vector<400x2048xf32> to vector<400x128xf32>
    %slice3A_88 = vector.extract_strided_slice %get3A_24 {offsets = [0, 12], sizes = [400, 1], strides = [1, 1]} : vector<400x16xf32> to vector<400x1xf32>
    %mul3A_89 = vector.broadcast %slice3A_88 : vector<400x1xf32> to vector<400x128xf32>
    %mul3A_90 = arith.mulf %slice3A_87, %mul3A_89 : vector<400x128xf32>
    %add3A_91 = arith.addf %add3A_86, %mul3A_90 : vector<400x128xf32>
    %slice3A_92 = vector.extract_strided_slice %add3A_21 {offsets = [0, 1664], sizes = [400, 128], strides = [1, 1]} : vector<400x2048xf32> to vector<400x128xf32>
    %slice3A_93 = vector.extract_strided_slice %get3A_24 {offsets = [0, 13], sizes = [400, 1], strides = [1, 1]} : vector<400x16xf32> to vector<400x1xf32>
    %mul3A_94 = vector.broadcast %slice3A_93 : vector<400x1xf32> to vector<400x128xf32>
    %mul3A_95 = arith.mulf %slice3A_92, %mul3A_94 : vector<400x128xf32>
    %add3A_96 = arith.addf %add3A_91, %mul3A_95 : vector<400x128xf32>
    %slice3A_97 = vector.extract_strided_slice %add3A_21 {offsets = [0, 1792], sizes = [400, 128], strides = [1, 1]} : vector<400x2048xf32> to vector<400x128xf32>
    %slice3A_98 = vector.extract_strided_slice %get3A_24 {offsets = [0, 14], sizes = [400, 1], strides = [1, 1]} : vector<400x16xf32> to vector<400x1xf32>
    %mul3A_99 = vector.broadcast %slice3A_98 : vector<400x1xf32> to vector<400x128xf32>
    %mul3A_100 = arith.mulf %slice3A_97, %mul3A_99 : vector<400x128xf32>
    %add3A_101 = arith.addf %add3A_96, %mul3A_100 : vector<400x128xf32>
    %slice3A_102 = vector.extract_strided_slice %add3A_21 {offsets = [0, 1920], sizes = [400, 128], strides = [1, 1]} : vector<400x2048xf32> to vector<400x128xf32>
    %slice3A_103 = vector.extract_strided_slice %get3A_24 {offsets = [0, 15], sizes = [400, 1], strides = [1, 1]} : vector<400x16xf32> to vector<400x1xf32>
    %mul3A_104 = vector.broadcast %slice3A_103 : vector<400x1xf32> to vector<400x128xf32>
    %mul3A_105 = arith.mulf %slice3A_102, %mul3A_104 : vector<400x128xf32>
    %add3A_106 = arith.addf %add3A_101, %mul3A_105 : vector<400x128xf32>
    %logistic3A = arith.negf %add3A_106 : vector<400x128xf32>
    %logistic3A_107 = math.exp %logistic3A : vector<400x128xf32>
    %logistic3A_108 = arith.constant 1.000000e+00 : f32
    %logistic3A_109 = vector.broadcast %logistic3A_108 : f32 to vector<400x128xf32>
    %logistic3A_110 = arith.addf %logistic3A_109, %logistic3A_107 : vector<400x128xf32>
    %logistic3A_111 = arith.divf %logistic3A_109, %logistic3A_110 : vector<400x128xf32>
    %mul3A_112 = arith.mulf %add3A_106, %logistic3A_111 : vector<400x128xf32>
    %get3A_113 = arith.constant 0 : index
    %get3A_114 = arith.constant 0 : index
    %get3A_115 = vector.load %arg7[%get3A_113, %get3A_114] : memref<128x2048xf32, #tpu.memory_space<vmem>>, vector<128x2048xf32>
    %dot_general3A_116 = arith.constant dense<0.000000e+00> : vector<400x2048xf32>
    %dot_general3A_117 = tpu.matmul %mul3A_112, %get3A_115, %dot_general3A_116 {dimension_numbers = #tpu.dot_dimension_numbers<[1], [0], [0], [1], [0, 0, 1, 1], [], []>, transpose_lhs_hint = false} : vector<400x128xf32>, vector<128x2048xf32>, vector<400x2048xf32> -> vector<400x2048xf32>
    %get3A_118 = arith.constant 0 : index
    %get3A_119 = arith.constant 0 : index
    %get3A_120 = vector.load %arg1[%get3A_118, %get3A_119] : memref<400x128xf32, #tpu.memory_space<vmem>>, vector<400x128xf32>
    %get3A_121 = arith.constant 0 : index
    %get3A_122 = arith.constant 0 : index
    %get3A_123 = vector.load %arg3[%get3A_121, %get3A_122] : memref<400x16xf32, #tpu.memory_space<vmem>>, vector<400x16xf32>
    %get3A_124 = arith.constant 0 : index
    %get3A_125 = arith.constant 0 : index
    %get3A_126 = vector.load %arg8[%get3A_124, %get3A_125] : memref<1x128xf32, #tpu.memory_space<vmem>>, vector<1x128xf32>
    %slice3A_127 = vector.extract_strided_slice %dot_general3A_117 {offsets = [0, 0], sizes = [400, 128], strides = [1, 1]} : vector<400x2048xf32> to vector<400x128xf32>
    %slice3A_128 = vector.extract_strided_slice %get3A_123 {offsets = [0, 0], sizes = [400, 1], strides = [1, 1]} : vector<400x16xf32> to vector<400x1xf32>
    %mul3A_129 = vector.broadcast %slice3A_128 : vector<400x1xf32> to vector<400x128xf32>
    %mul3A_130 = arith.mulf %slice3A_127, %mul3A_129 : vector<400x128xf32>
    %add3A_131 = vector.broadcast %get3A_126 : vector<1x128xf32> to vector<400x128xf32>
    %add3A_132 = arith.addf %add3A_131, %mul3A_130 : vector<400x128xf32>
    %slice3A_133 = vector.extract_strided_slice %dot_general3A_117 {offsets = [0, 128], sizes = [400, 128], strides = [1, 1]} : vector<400x2048xf32> to vector<400x128xf32>
    %slice3A_134 = vector.extract_strided_slice %get3A_123 {offsets = [0, 1], sizes = [400, 1], strides = [1, 1]} : vector<400x16xf32> to vector<400x1xf32>
    %mul3A_135 = vector.broadcast %slice3A_134 : vector<400x1xf32> to vector<400x128xf32>
    %mul3A_136 = arith.mulf %slice3A_133, %mul3A_135 : vector<400x128xf32>
    %add3A_137 = arith.addf %add3A_132, %mul3A_136 : vector<400x128xf32>
    %slice3A_138 = vector.extract_strided_slice %dot_general3A_117 {offsets = [0, 256], sizes = [400, 128], strides = [1, 1]} : vector<400x2048xf32> to vector<400x128xf32>
    %slice3A_139 = vector.extract_strided_slice %get3A_123 {offsets = [0, 2], sizes = [400, 1], strides = [1, 1]} : vector<400x16xf32> to vector<400x1xf32>
    %mul3A_140 = vector.broadcast %slice3A_139 : vector<400x1xf32> to vector<400x128xf32>
    %mul3A_141 = arith.mulf %slice3A_138, %mul3A_140 : vector<400x128xf32>
    %add3A_142 = arith.addf %add3A_137, %mul3A_141 : vector<400x128xf32>
    %slice3A_143 = vector.extract_strided_slice %dot_general3A_117 {offsets = [0, 384], sizes = [400, 128], strides = [1, 1]} : vector<400x2048xf32> to vector<400x128xf32>
    %slice3A_144 = vector.extract_strided_slice %get3A_123 {offsets = [0, 3], sizes = [400, 1], strides = [1, 1]} : vector<400x16xf32> to vector<400x1xf32>
    %mul3A_145 = vector.broadcast %slice3A_144 : vector<400x1xf32> to vector<400x128xf32>
    %mul3A_146 = arith.mulf %slice3A_143, %mul3A_145 : vector<400x128xf32>
    %add3A_147 = arith.addf %add3A_142, %mul3A_146 : vector<400x128xf32>
    %slice3A_148 = vector.extract_strided_slice %dot_general3A_117 {offsets = [0, 512], sizes = [400, 128], strides = [1, 1]} : vector<400x2048xf32> to vector<400x128xf32>
    %slice3A_149 = vector.extract_strided_slice %get3A_123 {offsets = [0, 4], sizes = [400, 1], strides = [1, 1]} : vector<400x16xf32> to vector<400x1xf32>
    %mul3A_150 = vector.broadcast %slice3A_149 : vector<400x1xf32> to vector<400x128xf32>
    %mul3A_151 = arith.mulf %slice3A_148, %mul3A_150 : vector<400x128xf32>
    %add3A_152 = arith.addf %add3A_147, %mul3A_151 : vector<400x128xf32>
    %slice3A_153 = vector.extract_strided_slice %dot_general3A_117 {offsets = [0, 640], sizes = [400, 128], strides = [1, 1]} : vector<400x2048xf32> to vector<400x128xf32>
    %slice3A_154 = vector.extract_strided_slice %get3A_123 {offsets = [0, 5], sizes = [400, 1], strides = [1, 1]} : vector<400x16xf32> to vector<400x1xf32>
    %mul3A_155 = vector.broadcast %slice3A_154 : vector<400x1xf32> to vector<400x128xf32>
    %mul3A_156 = arith.mulf %slice3A_153, %mul3A_155 : vector<400x128xf32>
    %add3A_157 = arith.addf %add3A_152, %mul3A_156 : vector<400x128xf32>
    %slice3A_158 = vector.extract_strided_slice %dot_general3A_117 {offsets = [0, 768], sizes = [400, 128], strides = [1, 1]} : vector<400x2048xf32> to vector<400x128xf32>
    %slice3A_159 = vector.extract_strided_slice %get3A_123 {offsets = [0, 6], sizes = [400, 1], strides = [1, 1]} : vector<400x16xf32> to vector<400x1xf32>
    %mul3A_160 = vector.broadcast %slice3A_159 : vector<400x1xf32> to vector<400x128xf32>
    %mul3A_161 = arith.mulf %slice3A_158, %mul3A_160 : vector<400x128xf32>
    %add3A_162 = arith.addf %add3A_157, %mul3A_161 : vector<400x128xf32>
    %slice3A_163 = vector.extract_strided_slice %dot_general3A_117 {offsets = [0, 896], sizes = [400, 128], strides = [1, 1]} : vector<400x2048xf32> to vector<400x128xf32>
    %slice3A_164 = vector.extract_strided_slice %get3A_123 {offsets = [0, 7], sizes = [400, 1], strides = [1, 1]} : vector<400x16xf32> to vector<400x1xf32>
    %mul3A_165 = vector.broadcast %slice3A_164 : vector<400x1xf32> to vector<400x128xf32>
    %mul3A_166 = arith.mulf %slice3A_163, %mul3A_165 : vector<400x128xf32>
    %add3A_167 = arith.addf %add3A_162, %mul3A_166 : vector<400x128xf32>
    %slice3A_168 = vector.extract_strided_slice %dot_general3A_117 {offsets = [0, 1024], sizes = [400, 128], strides = [1, 1]} : vector<400x2048xf32> to vector<400x128xf32>
    %slice3A_169 = vector.extract_strided_slice %get3A_123 {offsets = [0, 8], sizes = [400, 1], strides = [1, 1]} : vector<400x16xf32> to vector<400x1xf32>
    %mul3A_170 = vector.broadcast %slice3A_169 : vector<400x1xf32> to vector<400x128xf32>
    %mul3A_171 = arith.mulf %slice3A_168, %mul3A_170 : vector<400x128xf32>
    %add3A_172 = arith.addf %add3A_167, %mul3A_171 : vector<400x128xf32>
    %slice3A_173 = vector.extract_strided_slice %dot_general3A_117 {offsets = [0, 1152], sizes = [400, 128], strides = [1, 1]} : vector<400x2048xf32> to vector<400x128xf32>
    %slice3A_174 = vector.extract_strided_slice %get3A_123 {offsets = [0, 9], sizes = [400, 1], strides = [1, 1]} : vector<400x16xf32> to vector<400x1xf32>
    %mul3A_175 = vector.broadcast %slice3A_174 : vector<400x1xf32> to vector<400x128xf32>
    %mul3A_176 = arith.mulf %slice3A_173, %mul3A_175 : vector<400x128xf32>
    %add3A_177 = arith.addf %add3A_172, %mul3A_176 : vector<400x128xf32>
    %slice3A_178 = vector.extract_strided_slice %dot_general3A_117 {offsets = [0, 1280], sizes = [400, 128], strides = [1, 1]} : vector<400x2048xf32> to vector<400x128xf32>
    %slice3A_179 = vector.extract_strided_slice %get3A_123 {offsets = [0, 10], sizes = [400, 1], strides = [1, 1]} : vector<400x16xf32> to vector<400x1xf32>
    %mul3A_180 = vector.broadcast %slice3A_179 : vector<400x1xf32> to vector<400x128xf32>
    %mul3A_181 = arith.mulf %slice3A_178, %mul3A_180 : vector<400x128xf32>
    %add3A_182 = arith.addf %add3A_177, %mul3A_181 : vector<400x128xf32>
    %slice3A_183 = vector.extract_strided_slice %dot_general3A_117 {offsets = [0, 1408], sizes = [400, 128], strides = [1, 1]} : vector<400x2048xf32> to vector<400x128xf32>
    %slice3A_184 = vector.extract_strided_slice %get3A_123 {offsets = [0, 11], sizes = [400, 1], strides = [1, 1]} : vector<400x16xf32> to vector<400x1xf32>
    %mul3A_185 = vector.broadcast %slice3A_184 : vector<400x1xf32> to vector<400x128xf32>
    %mul3A_186 = arith.mulf %slice3A_183, %mul3A_185 : vector<400x128xf32>
    %add3A_187 = arith.addf %add3A_182, %mul3A_186 : vector<400x128xf32>
    %slice3A_188 = vector.extract_strided_slice %dot_general3A_117 {offsets = [0, 1536], sizes = [400, 128], strides = [1, 1]} : vector<400x2048xf32> to vector<400x128xf32>
    %slice3A_189 = vector.extract_strided_slice %get3A_123 {offsets = [0, 12], sizes = [400, 1], strides = [1, 1]} : vector<400x16xf32> to vector<400x1xf32>
    %mul3A_190 = vector.broadcast %slice3A_189 : vector<400x1xf32> to vector<400x128xf32>
    %mul3A_191 = arith.mulf %slice3A_188, %mul3A_190 : vector<400x128xf32>
    %add3A_192 = arith.addf %add3A_187, %mul3A_191 : vector<400x128xf32>
    %slice3A_193 = vector.extract_strided_slice %dot_general3A_117 {offsets = [0, 1664], sizes = [400, 128], strides = [1, 1]} : vector<400x2048xf32> to vector<400x128xf32>
    %slice3A_194 = vector.extract_strided_slice %get3A_123 {offsets = [0, 13], sizes = [400, 1], strides = [1, 1]} : vector<400x16xf32> to vector<400x1xf32>
    %mul3A_195 = vector.broadcast %slice3A_194 : vector<400x1xf32> to vector<400x128xf32>
    %mul3A_196 = arith.mulf %slice3A_193, %mul3A_195 : vector<400x128xf32>
    %add3A_197 = arith.addf %add3A_192, %mul3A_196 : vector<400x128xf32>
    %slice3A_198 = vector.extract_strided_slice %dot_general3A_117 {offsets = [0, 1792], sizes = [400, 128], strides = [1, 1]} : vector<400x2048xf32> to vector<400x128xf32>
    %slice3A_199 = vector.extract_strided_slice %get3A_123 {offsets = [0, 14], sizes = [400, 1], strides = [1, 1]} : vector<400x16xf32> to vector<400x1xf32>
    %mul3A_200 = vector.broadcast %slice3A_199 : vector<400x1xf32> to vector<400x128xf32>
    %mul3A_201 = arith.mulf %slice3A_198, %mul3A_200 : vector<400x128xf32>
    %add3A_202 = arith.addf %add3A_197, %mul3A_201 : vector<400x128xf32>
    %slice3A_203 = vector.extract_strided_slice %dot_general3A_117 {offsets = [0, 1920], sizes = [400, 128], strides = [1, 1]} : vector<400x2048xf32> to vector<400x128xf32>
    %slice3A_204 = vector.extract_strided_slice %get3A_123 {offsets = [0, 15], sizes = [400, 1], strides = [1, 1]} : vector<400x16xf32> to vector<400x1xf32>
    %mul3A_205 = vector.broadcast %slice3A_204 : vector<400x1xf32> to vector<400x128xf32>
    %mul3A_206 = arith.mulf %slice3A_203, %mul3A_205 : vector<400x128xf32>
    %add3A_207 = arith.addf %add3A_202, %mul3A_206 : vector<400x128xf32>
    %add3A_208 = arith.addf %get3A_120, %add3A_207 : vector<400x128xf32>
    %swap3A = arith.constant 0 : index
    %swap3A_209 = arith.constant 0 : index
    %swap3A_210 = vector.load %arg9[%swap3A, %swap3A_209] : memref<400x128xf32, #tpu.memory_space<vmem>>, vector<400x128xf32>
    tpu.vector_store %arg9[%swap3A, %swap3A_209], %add3A_208 {strides = array<i32>} : memref<400x128xf32, #tpu.memory_space<vmem>>, vector<400x128xf32>,
    return
  }
  func.func @transform_0(%arg0: i32) -> (i32, i32) {
    %add3A = arith.constant 0 : i32
    %add3A_0 = arith.addi %arg0, %add3A : i32
    %c0_i32 = arith.constant 0 : i32
    %c0_i32_1 = arith.constant 0 : i32
    return %add3A_0, %c0_i32 : i32, i32
  }
  func.func @transform_1(%arg0: i32) -> (i32, i32, i32) {
    %c0_i32 = arith.constant 0 : i32
    %c0_i32_0 = arith.constant 0 : i32
    %c0_i32_1 = arith.constant 0 : i32
    return %c0_i32, %arg0, %c0_i32_0 : i32, i32, i32
  }
  func.func @transform_2(%arg0: i32) -> (i32, i32) {
    %add3A = arith.constant 0 : i32
    %add3A_0 = arith.addi %arg0, %add3A : i32
    %c0_i32 = arith.constant 0 : i32
    %c0_i32_1 = arith.constant 0 : i32
    return %add3A_0, %c0_i32 : i32, i32
  }
  func.func @transform_3(%arg0: i32) -> (i32, i32) {
    %c0_i32 = arith.constant 0 : i32
    %c0_i32_0 = arith.constant 0 : i32
    %c0_i32_1 = arith.constant 0 : i32
    return %c0_i32, %c0_i32_0 : i32, i32
  }
  func.func @transform_4(%arg0: i32) -> (i32, i32) {
    %c0_i32 = arith.constant 0 : i32
    %c0_i32_0 = arith.constant 0 : i32
    %c0_i32_1 = arith.constant 0 : i32
    return %c0_i32, %c0_i32_0 : i32, i32
  }
  func.func @transform_5(%arg0: i32) -> (i32, i32) {
    %c0_i32 = arith.constant 0 : i32
    %c0_i32_0 = arith.constant 0 : i32
    %c0_i32_1 = arith.constant 0 : i32
    return %c0_i32, %c0_i32_0 : i32, i32
  }
  func.func @transform_6(%arg0: i32) -> (i32, i32) {
    %c0_i32 = arith.constant 0 : i32
    %c0_i32_0 = arith.constant 0 : i32
    %c0_i32_1 = arith.constant 0 : i32
    return %c0_i32, %c0_i32_0 : i32, i32
  }
  func.func @transform_7(%arg0: i32) -> (i32, i32) {
    %c0_i32 = arith.constant 0 : i32
    %c0_i32_0 = arith.constant 0 : i32
    %c0_i32_1 = arith.constant 0 : i32
    return %c0_i32, %c0_i32_0 : i32, i32
  }
  func.func @transform_8(%arg0: i32) -> (i32, i32) {
    %add3A = arith.constant 0 : i32
    %add3A_0 = arith.addi %arg0, %add3A : i32
    %c0_i32 = arith.constant 0 : i32
    %c0_i32_1 = arith.constant 0 : i32
    return %add3A_0, %c0_i32 : i32, i32
  }
}

module attributes {stable_mosaic.version = 14 : i64} {
  func.func @_post_body(%arg0: i32, %arg1: memref<400x128xf32, #tpu.memory_space<vmem>>, %arg2: memref<400x16xf32, #tpu.memory_space<vmem>>, %arg3: memref<128x2048xf32, #tpu.memory_space<vmem>>, %arg4: memref<1x128xf32, #tpu.memory_space<vmem>>, %arg5: memref<128x2048xf32, #tpu.memory_space<vmem>>, %arg6: memref<1x128xf32, #tpu.memory_space<vmem>>, %arg7: memref<400x128xf32, #tpu.memory_space<vmem>>) attributes {dimension_semantics = [#tpu.dimension_semantics<arbitrary>], iteration_bounds = array<i64: 25>, scalar_prefetch = 0 : i64, scratch_operands = 0 : i64, tpu.core_type = #tpu.core_type<tc>, window_params = [{transform_indices = @transform_0, window_bounds = array<i64: 400, 128>}, {transform_indices = @transform_1, window_bounds = array<i64: 400, 16>}, {pipeline_mode = #tpu.pipeline_mode<synchronous>, transform_indices = @transform_2, window_bounds = array<i64: 128, 2048>}, {pipeline_mode = #tpu.pipeline_mode<synchronous>, transform_indices = @transform_3, window_bounds = array<i64: 1, 128>}, {pipeline_mode = #tpu.pipeline_mode<synchronous>, transform_indices = @transform_4, window_bounds = array<i64: 128, 2048>}, {pipeline_mode = #tpu.pipeline_mode<synchronous>, transform_indices = @transform_5, window_bounds = array<i64: 1, 128>}, {transform_indices = @transform_6, window_bounds = array<i64: 400, 128>}]} {
    %get3A = arith.constant 0 : index
    %get3A_0 = arith.constant 0 : index
    %get3A_1 = vector.load %arg1[%get3A, %get3A_0] : memref<400x128xf32, #tpu.memory_space<vmem>>, vector<400x128xf32>
    %get3A_2 = arith.constant 0 : index
    %get3A_3 = arith.constant 0 : index
    %get3A_4 = vector.load %arg3[%get3A_2, %get3A_3] : memref<128x2048xf32, #tpu.memory_space<vmem>>, vector<128x2048xf32>
    %dot_general3A = arith.constant dense<0.000000e+00> : vector<400x2048xf32>
    %dot_general3A_5 = tpu.matmul %get3A_1, %get3A_4, %dot_general3A {dimension_numbers = #tpu.dot_dimension_numbers<[1], [0], [0], [1], [0, 0, 1, 1], [], []>, transpose_lhs_hint = false} : vector<400x128xf32>, vector<128x2048xf32>, vector<400x2048xf32> -> vector<400x2048xf32>
    %get3A_6 = arith.constant 0 : index
    %get3A_7 = arith.constant 0 : index
    %get3A_8 = vector.load %arg2[%get3A_6, %get3A_7] : memref<400x16xf32, #tpu.memory_space<vmem>>, vector<400x16xf32>
    %get3A_9 = arith.constant 0 : index
    %get3A_10 = arith.constant 0 : index
    %get3A_11 = vector.load %arg4[%get3A_9, %get3A_10] : memref<1x128xf32, #tpu.memory_space<vmem>>, vector<1x128xf32>
    %slice3A = vector.extract_strided_slice %dot_general3A_5 {offsets = [0, 0], sizes = [400, 128], strides = [1, 1]} : vector<400x2048xf32> to vector<400x128xf32>
    %slice3A_12 = vector.extract_strided_slice %get3A_8 {offsets = [0, 0], sizes = [400, 1], strides = [1, 1]} : vector<400x16xf32> to vector<400x1xf32>
    %mul3A = vector.broadcast %slice3A_12 : vector<400x1xf32> to vector<400x128xf32>
    %mul3A_13 = arith.mulf %slice3A, %mul3A : vector<400x128xf32>
    %add3A = vector.broadcast %get3A_11 : vector<1x128xf32> to vector<400x128xf32>
    %add3A_14 = arith.addf %add3A, %mul3A_13 : vector<400x128xf32>
    %slice3A_15 = vector.extract_strided_slice %dot_general3A_5 {offsets = [0, 128], sizes = [400, 128], strides = [1, 1]} : vector<400x2048xf32> to vector<400x128xf32>
    %slice3A_16 = vector.extract_strided_slice %get3A_8 {offsets = [0, 1], sizes = [400, 1], strides = [1, 1]} : vector<400x16xf32> to vector<400x1xf32>
    %mul3A_17 = vector.broadcast %slice3A_16 : vector<400x1xf32> to vector<400x128xf32>
    %mul3A_18 = arith.mulf %slice3A_15, %mul3A_17 : vector<400x128xf32>
    %add3A_19 = arith.addf %add3A_14, %mul3A_18 : vector<400x128xf32>
    %slice3A_20 = vector.extract_strided_slice %dot_general3A_5 {offsets = [0, 256], sizes = [400, 128], strides = [1, 1]} : vector<400x2048xf32> to vector<400x128xf32>
    %slice3A_21 = vector.extract_strided_slice %get3A_8 {offsets = [0, 2], sizes = [400, 1], strides = [1, 1]} : vector<400x16xf32> to vector<400x1xf32>
    %mul3A_22 = vector.broadcast %slice3A_21 : vector<400x1xf32> to vector<400x128xf32>
    %mul3A_23 = arith.mulf %slice3A_20, %mul3A_22 : vector<400x128xf32>
    %add3A_24 = arith.addf %add3A_19, %mul3A_23 : vector<400x128xf32>
    %slice3A_25 = vector.extract_strided_slice %dot_general3A_5 {offsets = [0, 384], sizes = [400, 128], strides = [1, 1]} : vector<400x2048xf32> to vector<400x128xf32>
    %slice3A_26 = vector.extract_strided_slice %get3A_8 {offsets = [0, 3], sizes = [400, 1], strides = [1, 1]} : vector<400x16xf32> to vector<400x1xf32>
    %mul3A_27 = vector.broadcast %slice3A_26 : vector<400x1xf32> to vector<400x128xf32>
    %mul3A_28 = arith.mulf %slice3A_25, %mul3A_27 : vector<400x128xf32>
    %add3A_29 = arith.addf %add3A_24, %mul3A_28 : vector<400x128xf32>
    %slice3A_30 = vector.extract_strided_slice %dot_general3A_5 {offsets = [0, 512], sizes = [400, 128], strides = [1, 1]} : vector<400x2048xf32> to vector<400x128xf32>
    %slice3A_31 = vector.extract_strided_slice %get3A_8 {offsets = [0, 4], sizes = [400, 1], strides = [1, 1]} : vector<400x16xf32> to vector<400x1xf32>
    %mul3A_32 = vector.broadcast %slice3A_31 : vector<400x1xf32> to vector<400x128xf32>
    %mul3A_33 = arith.mulf %slice3A_30, %mul3A_32 : vector<400x128xf32>
    %add3A_34 = arith.addf %add3A_29, %mul3A_33 : vector<400x128xf32>
    %slice3A_35 = vector.extract_strided_slice %dot_general3A_5 {offsets = [0, 640], sizes = [400, 128], strides = [1, 1]} : vector<400x2048xf32> to vector<400x128xf32>
    %slice3A_36 = vector.extract_strided_slice %get3A_8 {offsets = [0, 5], sizes = [400, 1], strides = [1, 1]} : vector<400x16xf32> to vector<400x1xf32>
    %mul3A_37 = vector.broadcast %slice3A_36 : vector<400x1xf32> to vector<400x128xf32>
    %mul3A_38 = arith.mulf %slice3A_35, %mul3A_37 : vector<400x128xf32>
    %add3A_39 = arith.addf %add3A_34, %mul3A_38 : vector<400x128xf32>
    %slice3A_40 = vector.extract_strided_slice %dot_general3A_5 {offsets = [0, 768], sizes = [400, 128], strides = [1, 1]} : vector<400x2048xf32> to vector<400x128xf32>
    %slice3A_41 = vector.extract_strided_slice %get3A_8 {offsets = [0, 6], sizes = [400, 1], strides = [1, 1]} : vector<400x16xf32> to vector<400x1xf32>
    %mul3A_42 = vector.broadcast %slice3A_41 : vector<400x1xf32> to vector<400x128xf32>
    %mul3A_43 = arith.mulf %slice3A_40, %mul3A_42 : vector<400x128xf32>
    %add3A_44 = arith.addf %add3A_39, %mul3A_43 : vector<400x128xf32>
    %slice3A_45 = vector.extract_strided_slice %dot_general3A_5 {offsets = [0, 896], sizes = [400, 128], strides = [1, 1]} : vector<400x2048xf32> to vector<400x128xf32>
    %slice3A_46 = vector.extract_strided_slice %get3A_8 {offsets = [0, 7], sizes = [400, 1], strides = [1, 1]} : vector<400x16xf32> to vector<400x1xf32>
    %mul3A_47 = vector.broadcast %slice3A_46 : vector<400x1xf32> to vector<400x128xf32>
    %mul3A_48 = arith.mulf %slice3A_45, %mul3A_47 : vector<400x128xf32>
    %add3A_49 = arith.addf %add3A_44, %mul3A_48 : vector<400x128xf32>
    %slice3A_50 = vector.extract_strided_slice %dot_general3A_5 {offsets = [0, 1024], sizes = [400, 128], strides = [1, 1]} : vector<400x2048xf32> to vector<400x128xf32>
    %slice3A_51 = vector.extract_strided_slice %get3A_8 {offsets = [0, 8], sizes = [400, 1], strides = [1, 1]} : vector<400x16xf32> to vector<400x1xf32>
    %mul3A_52 = vector.broadcast %slice3A_51 : vector<400x1xf32> to vector<400x128xf32>
    %mul3A_53 = arith.mulf %slice3A_50, %mul3A_52 : vector<400x128xf32>
    %add3A_54 = arith.addf %add3A_49, %mul3A_53 : vector<400x128xf32>
    %slice3A_55 = vector.extract_strided_slice %dot_general3A_5 {offsets = [0, 1152], sizes = [400, 128], strides = [1, 1]} : vector<400x2048xf32> to vector<400x128xf32>
    %slice3A_56 = vector.extract_strided_slice %get3A_8 {offsets = [0, 9], sizes = [400, 1], strides = [1, 1]} : vector<400x16xf32> to vector<400x1xf32>
    %mul3A_57 = vector.broadcast %slice3A_56 : vector<400x1xf32> to vector<400x128xf32>
    %mul3A_58 = arith.mulf %slice3A_55, %mul3A_57 : vector<400x128xf32>
    %add3A_59 = arith.addf %add3A_54, %mul3A_58 : vector<400x128xf32>
    %slice3A_60 = vector.extract_strided_slice %dot_general3A_5 {offsets = [0, 1280], sizes = [400, 128], strides = [1, 1]} : vector<400x2048xf32> to vector<400x128xf32>
    %slice3A_61 = vector.extract_strided_slice %get3A_8 {offsets = [0, 10], sizes = [400, 1], strides = [1, 1]} : vector<400x16xf32> to vector<400x1xf32>
    %mul3A_62 = vector.broadcast %slice3A_61 : vector<400x1xf32> to vector<400x128xf32>
    %mul3A_63 = arith.mulf %slice3A_60, %mul3A_62 : vector<400x128xf32>
    %add3A_64 = arith.addf %add3A_59, %mul3A_63 : vector<400x128xf32>
    %slice3A_65 = vector.extract_strided_slice %dot_general3A_5 {offsets = [0, 1408], sizes = [400, 128], strides = [1, 1]} : vector<400x2048xf32> to vector<400x128xf32>
    %slice3A_66 = vector.extract_strided_slice %get3A_8 {offsets = [0, 11], sizes = [400, 1], strides = [1, 1]} : vector<400x16xf32> to vector<400x1xf32>
    %mul3A_67 = vector.broadcast %slice3A_66 : vector<400x1xf32> to vector<400x128xf32>
    %mul3A_68 = arith.mulf %slice3A_65, %mul3A_67 : vector<400x128xf32>
    %add3A_69 = arith.addf %add3A_64, %mul3A_68 : vector<400x128xf32>
    %slice3A_70 = vector.extract_strided_slice %dot_general3A_5 {offsets = [0, 1536], sizes = [400, 128], strides = [1, 1]} : vector<400x2048xf32> to vector<400x128xf32>
    %slice3A_71 = vector.extract_strided_slice %get3A_8 {offsets = [0, 12], sizes = [400, 1], strides = [1, 1]} : vector<400x16xf32> to vector<400x1xf32>
    %mul3A_72 = vector.broadcast %slice3A_71 : vector<400x1xf32> to vector<400x128xf32>
    %mul3A_73 = arith.mulf %slice3A_70, %mul3A_72 : vector<400x128xf32>
    %add3A_74 = arith.addf %add3A_69, %mul3A_73 : vector<400x128xf32>
    %slice3A_75 = vector.extract_strided_slice %dot_general3A_5 {offsets = [0, 1664], sizes = [400, 128], strides = [1, 1]} : vector<400x2048xf32> to vector<400x128xf32>
    %slice3A_76 = vector.extract_strided_slice %get3A_8 {offsets = [0, 13], sizes = [400, 1], strides = [1, 1]} : vector<400x16xf32> to vector<400x1xf32>
    %mul3A_77 = vector.broadcast %slice3A_76 : vector<400x1xf32> to vector<400x128xf32>
    %mul3A_78 = arith.mulf %slice3A_75, %mul3A_77 : vector<400x128xf32>
    %add3A_79 = arith.addf %add3A_74, %mul3A_78 : vector<400x128xf32>
    %slice3A_80 = vector.extract_strided_slice %dot_general3A_5 {offsets = [0, 1792], sizes = [400, 128], strides = [1, 1]} : vector<400x2048xf32> to vector<400x128xf32>
    %slice3A_81 = vector.extract_strided_slice %get3A_8 {offsets = [0, 14], sizes = [400, 1], strides = [1, 1]} : vector<400x16xf32> to vector<400x1xf32>
    %mul3A_82 = vector.broadcast %slice3A_81 : vector<400x1xf32> to vector<400x128xf32>
    %mul3A_83 = arith.mulf %slice3A_80, %mul3A_82 : vector<400x128xf32>
    %add3A_84 = arith.addf %add3A_79, %mul3A_83 : vector<400x128xf32>
    %slice3A_85 = vector.extract_strided_slice %dot_general3A_5 {offsets = [0, 1920], sizes = [400, 128], strides = [1, 1]} : vector<400x2048xf32> to vector<400x128xf32>
    %slice3A_86 = vector.extract_strided_slice %get3A_8 {offsets = [0, 15], sizes = [400, 1], strides = [1, 1]} : vector<400x16xf32> to vector<400x1xf32>
    %mul3A_87 = vector.broadcast %slice3A_86 : vector<400x1xf32> to vector<400x128xf32>
    %mul3A_88 = arith.mulf %slice3A_85, %mul3A_87 : vector<400x128xf32>
    %add3A_89 = arith.addf %add3A_84, %mul3A_88 : vector<400x128xf32>
    %logistic3A = arith.negf %add3A_89 : vector<400x128xf32>
    %logistic3A_90 = math.exp %logistic3A : vector<400x128xf32>
    %logistic3A_91 = arith.constant 1.000000e+00 : f32
    %logistic3A_92 = vector.broadcast %logistic3A_91 : f32 to vector<400x128xf32>
    %logistic3A_93 = arith.addf %logistic3A_92, %logistic3A_90 : vector<400x128xf32>
    %logistic3A_94 = arith.divf %logistic3A_92, %logistic3A_93 : vector<400x128xf32>
    %mul3A_95 = arith.mulf %add3A_89, %logistic3A_94 : vector<400x128xf32>
    %get3A_96 = arith.constant 0 : index
    %get3A_97 = arith.constant 0 : index
    %get3A_98 = vector.load %arg5[%get3A_96, %get3A_97] : memref<128x2048xf32, #tpu.memory_space<vmem>>, vector<128x2048xf32>
    %dot_general3A_99 = arith.constant dense<0.000000e+00> : vector<400x2048xf32>
    %dot_general3A_100 = tpu.matmul %mul3A_95, %get3A_98, %dot_general3A_99 {dimension_numbers = #tpu.dot_dimension_numbers<[1], [0], [0], [1], [0, 0, 1, 1], [], []>, transpose_lhs_hint = false} : vector<400x128xf32>, vector<128x2048xf32>, vector<400x2048xf32> -> vector<400x2048xf32>
    %get3A_101 = arith.constant 0 : index
    %get3A_102 = arith.constant 0 : index
    %get3A_103 = vector.load %arg2[%get3A_101, %get3A_102] : memref<400x16xf32, #tpu.memory_space<vmem>>, vector<400x16xf32>
    %get3A_104 = arith.constant 0 : index
    %get3A_105 = arith.constant 0 : index
    %get3A_106 = vector.load %arg6[%get3A_104, %get3A_105] : memref<1x128xf32, #tpu.memory_space<vmem>>, vector<1x128xf32>
    %slice3A_107 = vector.extract_strided_slice %dot_general3A_100 {offsets = [0, 0], sizes = [400, 128], strides = [1, 1]} : vector<400x2048xf32> to vector<400x128xf32>
    %slice3A_108 = vector.extract_strided_slice %get3A_103 {offsets = [0, 0], sizes = [400, 1], strides = [1, 1]} : vector<400x16xf32> to vector<400x1xf32>
    %mul3A_109 = vector.broadcast %slice3A_108 : vector<400x1xf32> to vector<400x128xf32>
    %mul3A_110 = arith.mulf %slice3A_107, %mul3A_109 : vector<400x128xf32>
    %add3A_111 = vector.broadcast %get3A_106 : vector<1x128xf32> to vector<400x128xf32>
    %add3A_112 = arith.addf %add3A_111, %mul3A_110 : vector<400x128xf32>
    %slice3A_113 = vector.extract_strided_slice %dot_general3A_100 {offsets = [0, 128], sizes = [400, 128], strides = [1, 1]} : vector<400x2048xf32> to vector<400x128xf32>
    %slice3A_114 = vector.extract_strided_slice %get3A_103 {offsets = [0, 1], sizes = [400, 1], strides = [1, 1]} : vector<400x16xf32> to vector<400x1xf32>
    %mul3A_115 = vector.broadcast %slice3A_114 : vector<400x1xf32> to vector<400x128xf32>
    %mul3A_116 = arith.mulf %slice3A_113, %mul3A_115 : vector<400x128xf32>
    %add3A_117 = arith.addf %add3A_112, %mul3A_116 : vector<400x128xf32>
    %slice3A_118 = vector.extract_strided_slice %dot_general3A_100 {offsets = [0, 256], sizes = [400, 128], strides = [1, 1]} : vector<400x2048xf32> to vector<400x128xf32>
    %slice3A_119 = vector.extract_strided_slice %get3A_103 {offsets = [0, 2], sizes = [400, 1], strides = [1, 1]} : vector<400x16xf32> to vector<400x1xf32>
    %mul3A_120 = vector.broadcast %slice3A_119 : vector<400x1xf32> to vector<400x128xf32>
    %mul3A_121 = arith.mulf %slice3A_118, %mul3A_120 : vector<400x128xf32>
    %add3A_122 = arith.addf %add3A_117, %mul3A_121 : vector<400x128xf32>
    %slice3A_123 = vector.extract_strided_slice %dot_general3A_100 {offsets = [0, 384], sizes = [400, 128], strides = [1, 1]} : vector<400x2048xf32> to vector<400x128xf32>
    %slice3A_124 = vector.extract_strided_slice %get3A_103 {offsets = [0, 3], sizes = [400, 1], strides = [1, 1]} : vector<400x16xf32> to vector<400x1xf32>
    %mul3A_125 = vector.broadcast %slice3A_124 : vector<400x1xf32> to vector<400x128xf32>
    %mul3A_126 = arith.mulf %slice3A_123, %mul3A_125 : vector<400x128xf32>
    %add3A_127 = arith.addf %add3A_122, %mul3A_126 : vector<400x128xf32>
    %slice3A_128 = vector.extract_strided_slice %dot_general3A_100 {offsets = [0, 512], sizes = [400, 128], strides = [1, 1]} : vector<400x2048xf32> to vector<400x128xf32>
    %slice3A_129 = vector.extract_strided_slice %get3A_103 {offsets = [0, 4], sizes = [400, 1], strides = [1, 1]} : vector<400x16xf32> to vector<400x1xf32>
    %mul3A_130 = vector.broadcast %slice3A_129 : vector<400x1xf32> to vector<400x128xf32>
    %mul3A_131 = arith.mulf %slice3A_128, %mul3A_130 : vector<400x128xf32>
    %add3A_132 = arith.addf %add3A_127, %mul3A_131 : vector<400x128xf32>
    %slice3A_133 = vector.extract_strided_slice %dot_general3A_100 {offsets = [0, 640], sizes = [400, 128], strides = [1, 1]} : vector<400x2048xf32> to vector<400x128xf32>
    %slice3A_134 = vector.extract_strided_slice %get3A_103 {offsets = [0, 5], sizes = [400, 1], strides = [1, 1]} : vector<400x16xf32> to vector<400x1xf32>
    %mul3A_135 = vector.broadcast %slice3A_134 : vector<400x1xf32> to vector<400x128xf32>
    %mul3A_136 = arith.mulf %slice3A_133, %mul3A_135 : vector<400x128xf32>
    %add3A_137 = arith.addf %add3A_132, %mul3A_136 : vector<400x128xf32>
    %slice3A_138 = vector.extract_strided_slice %dot_general3A_100 {offsets = [0, 768], sizes = [400, 128], strides = [1, 1]} : vector<400x2048xf32> to vector<400x128xf32>
    %slice3A_139 = vector.extract_strided_slice %get3A_103 {offsets = [0, 6], sizes = [400, 1], strides = [1, 1]} : vector<400x16xf32> to vector<400x1xf32>
    %mul3A_140 = vector.broadcast %slice3A_139 : vector<400x1xf32> to vector<400x128xf32>
    %mul3A_141 = arith.mulf %slice3A_138, %mul3A_140 : vector<400x128xf32>
    %add3A_142 = arith.addf %add3A_137, %mul3A_141 : vector<400x128xf32>
    %slice3A_143 = vector.extract_strided_slice %dot_general3A_100 {offsets = [0, 896], sizes = [400, 128], strides = [1, 1]} : vector<400x2048xf32> to vector<400x128xf32>
    %slice3A_144 = vector.extract_strided_slice %get3A_103 {offsets = [0, 7], sizes = [400, 1], strides = [1, 1]} : vector<400x16xf32> to vector<400x1xf32>
    %mul3A_145 = vector.broadcast %slice3A_144 : vector<400x1xf32> to vector<400x128xf32>
    %mul3A_146 = arith.mulf %slice3A_143, %mul3A_145 : vector<400x128xf32>
    %add3A_147 = arith.addf %add3A_142, %mul3A_146 : vector<400x128xf32>
    %slice3A_148 = vector.extract_strided_slice %dot_general3A_100 {offsets = [0, 1024], sizes = [400, 128], strides = [1, 1]} : vector<400x2048xf32> to vector<400x128xf32>
    %slice3A_149 = vector.extract_strided_slice %get3A_103 {offsets = [0, 8], sizes = [400, 1], strides = [1, 1]} : vector<400x16xf32> to vector<400x1xf32>
    %mul3A_150 = vector.broadcast %slice3A_149 : vector<400x1xf32> to vector<400x128xf32>
    %mul3A_151 = arith.mulf %slice3A_148, %mul3A_150 : vector<400x128xf32>
    %add3A_152 = arith.addf %add3A_147, %mul3A_151 : vector<400x128xf32>
    %slice3A_153 = vector.extract_strided_slice %dot_general3A_100 {offsets = [0, 1152], sizes = [400, 128], strides = [1, 1]} : vector<400x2048xf32> to vector<400x128xf32>
    %slice3A_154 = vector.extract_strided_slice %get3A_103 {offsets = [0, 9], sizes = [400, 1], strides = [1, 1]} : vector<400x16xf32> to vector<400x1xf32>
    %mul3A_155 = vector.broadcast %slice3A_154 : vector<400x1xf32> to vector<400x128xf32>
    %mul3A_156 = arith.mulf %slice3A_153, %mul3A_155 : vector<400x128xf32>
    %add3A_157 = arith.addf %add3A_152, %mul3A_156 : vector<400x128xf32>
    %slice3A_158 = vector.extract_strided_slice %dot_general3A_100 {offsets = [0, 1280], sizes = [400, 128], strides = [1, 1]} : vector<400x2048xf32> to vector<400x128xf32>
    %slice3A_159 = vector.extract_strided_slice %get3A_103 {offsets = [0, 10], sizes = [400, 1], strides = [1, 1]} : vector<400x16xf32> to vector<400x1xf32>
    %mul3A_160 = vector.broadcast %slice3A_159 : vector<400x1xf32> to vector<400x128xf32>
    %mul3A_161 = arith.mulf %slice3A_158, %mul3A_160 : vector<400x128xf32>
    %add3A_162 = arith.addf %add3A_157, %mul3A_161 : vector<400x128xf32>
    %slice3A_163 = vector.extract_strided_slice %dot_general3A_100 {offsets = [0, 1408], sizes = [400, 128], strides = [1, 1]} : vector<400x2048xf32> to vector<400x128xf32>
    %slice3A_164 = vector.extract_strided_slice %get3A_103 {offsets = [0, 11], sizes = [400, 1], strides = [1, 1]} : vector<400x16xf32> to vector<400x1xf32>
    %mul3A_165 = vector.broadcast %slice3A_164 : vector<400x1xf32> to vector<400x128xf32>
    %mul3A_166 = arith.mulf %slice3A_163, %mul3A_165 : vector<400x128xf32>
    %add3A_167 = arith.addf %add3A_162, %mul3A_166 : vector<400x128xf32>
    %slice3A_168 = vector.extract_strided_slice %dot_general3A_100 {offsets = [0, 1536], sizes = [400, 128], strides = [1, 1]} : vector<400x2048xf32> to vector<400x128xf32>
    %slice3A_169 = vector.extract_strided_slice %get3A_103 {offsets = [0, 12], sizes = [400, 1], strides = [1, 1]} : vector<400x16xf32> to vector<400x1xf32>
    %mul3A_170 = vector.broadcast %slice3A_169 : vector<400x1xf32> to vector<400x128xf32>
    %mul3A_171 = arith.mulf %slice3A_168, %mul3A_170 : vector<400x128xf32>
    %add3A_172 = arith.addf %add3A_167, %mul3A_171 : vector<400x128xf32>
    %slice3A_173 = vector.extract_strided_slice %dot_general3A_100 {offsets = [0, 1664], sizes = [400, 128], strides = [1, 1]} : vector<400x2048xf32> to vector<400x128xf32>
    %slice3A_174 = vector.extract_strided_slice %get3A_103 {offsets = [0, 13], sizes = [400, 1], strides = [1, 1]} : vector<400x16xf32> to vector<400x1xf32>
    %mul3A_175 = vector.broadcast %slice3A_174 : vector<400x1xf32> to vector<400x128xf32>
    %mul3A_176 = arith.mulf %slice3A_173, %mul3A_175 : vector<400x128xf32>
    %add3A_177 = arith.addf %add3A_172, %mul3A_176 : vector<400x128xf32>
    %slice3A_178 = vector.extract_strided_slice %dot_general3A_100 {offsets = [0, 1792], sizes = [400, 128], strides = [1, 1]} : vector<400x2048xf32> to vector<400x128xf32>
    %slice3A_179 = vector.extract_strided_slice %get3A_103 {offsets = [0, 14], sizes = [400, 1], strides = [1, 1]} : vector<400x16xf32> to vector<400x1xf32>
    %mul3A_180 = vector.broadcast %slice3A_179 : vector<400x1xf32> to vector<400x128xf32>
    %mul3A_181 = arith.mulf %slice3A_178, %mul3A_180 : vector<400x128xf32>
    %add3A_182 = arith.addf %add3A_177, %mul3A_181 : vector<400x128xf32>
    %slice3A_183 = vector.extract_strided_slice %dot_general3A_100 {offsets = [0, 1920], sizes = [400, 128], strides = [1, 1]} : vector<400x2048xf32> to vector<400x128xf32>
    %slice3A_184 = vector.extract_strided_slice %get3A_103 {offsets = [0, 15], sizes = [400, 1], strides = [1, 1]} : vector<400x16xf32> to vector<400x1xf32>
    %mul3A_185 = vector.broadcast %slice3A_184 : vector<400x1xf32> to vector<400x128xf32>
    %mul3A_186 = arith.mulf %slice3A_183, %mul3A_185 : vector<400x128xf32>
    %add3A_187 = arith.addf %add3A_182, %mul3A_186 : vector<400x128xf32>
    %swap3A = arith.constant 0 : index
    %swap3A_188 = arith.constant 0 : index
    %swap3A_189 = vector.load %arg7[%swap3A, %swap3A_188] : memref<400x128xf32, #tpu.memory_space<vmem>>, vector<400x128xf32>
    tpu.vector_store %arg7[%swap3A, %swap3A_188], %add3A_187 {strides = array<i32>} : memref<400x128xf32, #tpu.memory_space<vmem>>, vector<400x128xf32>,
    return
  }
  func.func @transform_0(%arg0: i32) -> (i32, i32) {
    %add3A = arith.constant 0 : i32
    %add3A_0 = arith.addi %arg0, %add3A : i32
    %c0_i32 = arith.constant 0 : i32
    %c0_i32_1 = arith.constant 0 : i32
    return %add3A_0, %c0_i32 : i32, i32
  }
  func.func @transform_1(%arg0: i32) -> (i32, i32) {
    %add3A = arith.constant 0 : i32
    %add3A_0 = arith.addi %arg0, %add3A : i32
    %c0_i32 = arith.constant 0 : i32
    %c0_i32_1 = arith.constant 0 : i32
    return %add3A_0, %c0_i32 : i32, i32
  }
  func.func @transform_2(%arg0: i32) -> (i32, i32) {
    %c0_i32 = arith.constant 0 : i32
    %c0_i32_0 = arith.constant 0 : i32
    %c0_i32_1 = arith.constant 0 : i32
    return %c0_i32, %c0_i32_0 : i32, i32
  }
  func.func @transform_3(%arg0: i32) -> (i32, i32) {
    %c0_i32 = arith.constant 0 : i32
    %c0_i32_0 = arith.constant 0 : i32
    %c0_i32_1 = arith.constant 0 : i32
    return %c0_i32, %c0_i32_0 : i32, i32
  }
  func.func @transform_4(%arg0: i32) -> (i32, i32) {
    %c0_i32 = arith.constant 0 : i32
    %c0_i32_0 = arith.constant 0 : i32
    %c0_i32_1 = arith.constant 0 : i32
    return %c0_i32, %c0_i32_0 : i32, i32
  }
  func.func @transform_5(%arg0: i32) -> (i32, i32) {
    %c0_i32 = arith.constant 0 : i32
    %c0_i32_0 = arith.constant 0 : i32
    %c0_i32_1 = arith.constant 0 : i32
    return %c0_i32, %c0_i32_0 : i32, i32
  }
  func.func @transform_6(%arg0: i32) -> (i32, i32) {
    %add3A = arith.constant 0 : i32
    %add3A_0 = arith.addi %arg0, %add3A : i32
    %c0_i32 = arith.constant 0 : i32
    %c0_i32_1 = arith.constant 0 : i32
    return %add3A_0, %c0_i32 : i32, i32
  }
}

</mosaic_0001>

<sc_bundles>
// kernel: kernel.12.cloned.1.call-start
scs
__scs_entry_jumppad:
0x0: {  	(pc) =	sbr.rel $0x88, $3  }
0x1: {  	(tag) =	ssettag $0x0;
	lr =	simm.s32 $0x1  }
0x2: {  	[smem:$0x3F8E] =	sst lr;
	_ =	strace $0xD0000000  }
0x3: {  	_ = 	snop  }
0x4: {  	_ = 	snop  }
0x5: {  	_ = 	snop  }
0x6: {  	_ = 	snop  }
0x7: {  	_ = 	snop  }
__scs_overlays_trampoline_lowered:
0x8: {  	[smem:$0x3F9D] =	sst s0  }
0x9: {  	[smem:$0x3F9E] =	sst s1  }
0xa: {  	[smem:$0x3F9F] =	sst s2  }
0xb: {  	[smem:$0x3FA0] =	sst s3  }
0xc: {  	[smem:$0x3FA1] =	sst s4  }
0xd: {  	[smem:$0x3FA2] =	sst s5  }
0xe: {  	[smem:$0x3FA3] =	sst s6  }
0xf: {  	[smem:$0x3FA4] =	sst s7  }
0x10: {  	[smem:$0x3FA5] =	sst s8  }
0x11: {  	[smem:$0x3FA6] =	sst s9;
	s0 =	simm.s32 @!p0 $0x0  }
0x12: {  	s1 =	sld [smem:$0x3F8C];
	s0 =	simm.s32 @p0 $0x1  }
0x13: {  	[smem:$0x3FA7] =	sst s0;
	s0 =	simm.s32 @!p1 $0x0  }
0x14: {  	s2 =	sld [smem:$0x3F8B];
	s0 =	simm.s32 @p1 $0x1  }
0x15: {  	[smem:$0x3FA8] =	sst s0;
	s0 =	simm.s32 @!p2 $0x0  }
0x16: {  	s3 =	sld [smem:$0x3FDB];
	s0 =	simm.s32 @p2 $0x1  }
0x17: {  	s4 =	simm.s32 $0x1BF5;
	[smem:$0x3FAA] =	sst s0  }
0x18: {  	s0 =	sld [smem:$0x3F8D];
	_ =	swait.ge [sflag:s4], $0x0  }
0x19: {  	s7 =	sld [smem:$0x3F8E]  }
0x1a: {  	s8 =	sadd.s32 $0xFFFFE003, lr  }
0x1b: {  	s9 =	sadd.s32 $0xFFFFFEF7, lr;
	s5 =	simm.s32 $0xFFFFFFFF;
	p2 =	slt.u32 s8, $0xFFFFF086  }
0x1c: {  	p1 =	slt.u32 s9, $0xF7A;
	s5 =	simm.s32 @!p2 $0x0  }
0x1d: {  	s5 =	simm.s32 @p1 $0x1;
	p0 =	seq.s32 s7, s2  }
0x1e: {  	s7 =	smul.u32 @!p0 $0xF7A, s2;
	p2 =	seq.s32 @!p0 s5, $0x0  }
0x1f: {  	s9 =	smul.u32 $0xF7A, s1;
	s8 =	simm.s32 @!p0 $0x1BF5;
	p2 =	por !p2, p0  }
0x20: {  	[sflag:s8] =	ssyncset.s32 @!p0 $0xFFFFF086;
	s6 =	sadd.s32 @!p0 s3, s7;
	s7 =	simm.s32 @!p0 $0x108  }
0x21: {  	s3 =	sadd.s32 s3, s9;
	s6 =	sadd.s32 @!p0 $0x88, s6;
	s7 =	simm.s32 @p2 $0x1082  }
0x22: {  	[simem:s7], [sflag:s8] =	dma.local @!p0 [hbm:s6], $0xF7A  }
0x23: {  	s9 =	sor.u32 $0xD0000000, s2;
	s6 =	simm.s32 $0x108;
	_ =	swait.ge @!p0 [sflag:s8], $0x0  }
0x24: {  	s3 =	sadd.s32 $0x88, s3;
	s6 =	simm.s32 @!p1 $0x1082;
	[sflag:s4] =	ssyncset.s32 $0xFFFFF086  }
0x25: {  	[simem:s6], [sflag:s4] =	dma.local [hbm:s3], $0xF7A  }
0x26: {  	[smem:$0x3F8E] =	sst s1;
	(tag) =	ssettag s2;
	_ =	strace s9  }
0x27: {  	s1 =	sld [smem:$0x3F9E]  }
0x28: {  	s2 =	sld [smem:$0x3F9F]  }
0x29: {  	s4 =	sld [smem:$0x3FA1]  }
0x2a: {  	p0 =	seq.s32 s5, $0x0;
	s5 =	sld [smem:$0x3FA2]  }
0x2b: {  	s6 =	sld [smem:$0x3FA3]  }
0x2c: {  	s7 =	sld [smem:$0x3FA4]  }
0x2d: {  	s3 =	simm.s32 $0x108;
	s8 =	sld [smem:$0x3FA5]  }
0x2e: {  	s3 =	simm.s32 @!p0 $0x1082;
	s9 =	sld [smem:$0x3FA6]  }
0x2f: {  	lr =	sadd.s32 s0, s3;
	s0 =	sld [smem:$0x3F9D]  }
0x30: {  	s3 =	sld [smem:$0x3FA0]  }
0x31: {  	[smem:$0x3FA9] =	sst s10  }
0x32: {  	s10 =	sld [smem:$0x3FA7];
	_ =	sdelay $0x3  }
0x33: {  	p0 =	seq.s32 s10, $0x1;
	s10 =	sld [smem:$0x3FA9];
	_ =	sdelay $0x3  }
0x34: {  	[smem:$0x3FA9] =	sst s10  }
0x35: {  	s10 =	sld [smem:$0x3FA8];
	_ =	sdelay $0x3  }
0x36: {  	p1 =	seq.s32 s10, $0x1;
	s10 =	sld [smem:$0x3FA9];
	_ =	sdelay $0x3  }
0x37: {  	[smem:$0x3FA9] =	sst s10  }
0x38: {  	s10 =	sld [smem:$0x3FAA]  }
0x39: {  	_ = 	snop;
	(pc) =	sbr.ind lr, $3  }
0x3a: {  	_ = 	snop  }
0x3b: {  	_ = 	snop  }
0x3c: {  	p2 =	seq.s32 s10, $0x1;
	s10 =	sld [smem:$0x3FA9]  }
0x3d: {  	_ =	shalt  }
0x3e: {  	_ =	shalt  }
0x3f: {  	_ =	shalt  }
0x40: {  	_ =	shalt  }
0x41: {  	_ =	shalt  }
0x42: {  	_ =	shalt  }
0x43: {  	_ =	shalt  }
0x44: {  	_ =	shalt  }
0x45: {  	_ =	shalt  }
0x46: {  	_ =	shalt  }
0x47: {  	_ =	shalt  }
0x48: {  	_ =	shalt  }
0x49: {  	_ =	shalt  }
0x4a: {  	_ =	shalt  }
0x4b: {  	_ =	shalt  }
0x4c: {  	_ =	shalt  }
0x4d: {  	_ =	shalt  }
0x4e: {  	_ =	shalt  }
0x4f: {  	_ =	shalt  }
0x50: {  	_ =	shalt  }
0x51: {  	_ =	shalt  }
0x52: {  	_ =	shalt  }
0x53: {  	_ =	shalt  }
0x54: {  	_ =	shalt  }
0x55: {  	_ =	shalt  }
0x56: {  	_ =	shalt  }
0x57: {  	_ =	shalt  }
0x58: {  	_ =	shalt  }
0x59: {  	_ =	shalt  }
0x5a: {  	_ =	shalt  }
0x5b: {  	_ =	shalt  }
0x5c: {  	_ =	shalt  }
0x5d: {  	_ =	shalt  }
0x5e: {  	_ =	shalt  }
0x5f: {  	_ =	shalt  }
0x60: {  	_ =	shalt  }
0x61: {  	_ =	shalt  }
0x62: {  	_ =	shalt  }
0x63: {  	_ =	shalt  }
0x64: {  	_ =	shalt  }
0x65: {  	_ =	shalt  }
0x66: {  	_ =	shalt  }
0x67: {  	_ =	shalt  }
0x68: {  	_ =	shalt  }
0x69: {  	_ =	shalt  }
0x6a: {  	_ =	shalt  }
0x6b: {  	_ =	shalt  }
0x6c: {  	_ =	shalt  }
0x6d: {  	_ =	shalt  }
0x6e: {  	_ =	shalt  }
0x6f: {  	_ =	shalt  }
0x70: {  	_ =	shalt  }
0x71: {  	_ =	shalt  }
0x72: {  	_ =	shalt  }
0x73: {  	_ =	shalt  }
0x74: {  	_ =	shalt  }
0x75: {  	_ =	shalt  }
0x76: {  	_ =	shalt  }
0x77: {  	_ =	shalt  }
0x78: {  	_ =	shalt  }
0x79: {  	_ =	shalt  }
0x7a: {  	_ =	shalt  }
0x7b: {  	_ =	shalt  }
0x7c: {  	_ =	shalt  }
0x7d: {  	_ =	shalt  }
0x7e: {  	_ =	shalt  }
0x7f: {  	_ =	shalt  }
0x80: {  	_ =	shalt  }
0x81: {  	_ =	shalt  }
0x82: {  	_ =	shalt  }
0x83: {  	_ =	shalt  }
0x84: {  	_ =	shalt  }
0x85: {  	_ =	shalt  }
0x86: {  	_ =	shalt  }
0x87: {  	_ =	shalt  }
.Lfunc_end0:
.L_simem_size_0:
called_computation_lowered:
.L_overlay_start_0:
0x88: {  	s2 =	sld [smem:$0x3FD9]  }
0x89: {  	s3 =	sld [smem:$0x3FFE];
	_ =	sdelay $0x1  }
0x8a: {  	s1 =	srdreg.scid  }
0x8b: {  	s0 =	sand.u32 $0x1, s1  }
0x8c: {  	s17 =	sshll.u32 s0, $0xA;
	s2 =	sadd.s32 s3, s2  }
0x8d: {  	s2 =	sadd.s32 s2, s17  }
0x8e: {  	[smem:$0x3FB5] =	sst s2  }
0x8f: {  	_ = 	snop  }
0x90: {  	s2 =	sld [smem:$0x3FD0];
	(tm) =	ssettm $0x1  }
0x91: {  	s18 =	sld [smem:$0x3FFB];
	_ =	sdelay $0x3  }
0x92: {  	_ =	strace s18  }
0x93: {  	s3 =	sld [smem:$0x3FFC];
	_ =	sdelay $0x3  }
0x94: {  	_ =	strace s3  }
0x95: {  	s3 =	sld [smem:$0x3FFD];
	_ =	sdelay $0x3  }
0x96: {  	_ =	strace s3  }
0x97: {  	_ =	strace $0x8FFFFFFF  }
0x98: {  	s19 =	sld [smem:$0x3FDB];
	_ =	sdelay $0x1  }
0x99: {  	s4 =	simm.s32 $_scs_section_size  }
0x9a: {  	s5 =	simm.s32 $_size__tile_overlayer_lowered;
	s6 =	simm.s32 $_tile_overlayer_lowered  }
0x9b: {  	s22 =	simm.s32 $0x1BFF;
	s21 =	sshll.u32 s6, $0x1;
	s3 =	sadd.s32 s4, s19  }
0x9c: {  	s7 =	simm.s32 $0x0;
	s20 =	sshll.u32 s5, $0x1;
	s5 =	sadd.s32 s21, s3  }
0x9d: {  	[timem:s7], [sflag:s22] =	dma.local [hbm:s5], s20  }
0x9e: {  	_ =	swait.ge [sflag:s22], s20  }
0x9f: {  	s4 =	ssub.s32 $0x0, s20;
	[sflag:s22] =	ssyncset.done $0x0  }
0xa0: {  	[sflag:s22] =	ssyncadd.s32 s4;
	_ =	sdelay $0x1  }
0xa1: {  	s23 =	simm.s32 $0x1B8B  }
0xa2: {  	_ =	swait.ge [sflag:s23], $0x1  }
0xa3: {  	[sflag:s23] =	ssyncset.done $0x0  }
0xa4: {  	s25 =	simm.s32 $0x1B8E;
	s24 =	sld [smem:$0x3FFE];
	[sflag:s23] =	ssyncadd.s32 $0xFFFFFFFF  }
0xa5: {  	s26 =	simm.s32 $execute0_lowered;
	[smem:$0x3FD2] =	sst s25  }
0xa6: {  	s5 =	sshll.u32 s26, $0x1;
	_ =	strace $0x80000046;
	[dreg:$0x1] =	wrdreg $0xFFFFFFFF  }
0xa7: {  	s28 =	simm.s32 $_size_execute0_lowered;
	s3 =	sadd.s32 s3, s5;
	[dreg:$0x0] =	wrdreg $0x0  }
0xa8: {  	s5 =	sshll.u32 s28, $0x1;
	[dreg:$0x2] =	wrdreg s3  }
0xa9: {  	[dreg:$0x3] =	wrdreg s5  }
0xaa: {  	[dreg:$0x4] =	wrdreg $0xC0  }
0xab: {  	_ =	task [dreg:s7], $0x5FFFF  }
0xac: {  	[dreg:$0x1] =	wrdreg $0xFFFFFFFF  }
0xad: {  	[dreg:$0x0] =	wrdreg $0x60  }
0xae: {  	[dreg:$0x2] =	wrdreg s2  }
0xaf: {  	[dreg:$0x3] =	wrdreg s24  }
0xb0: {  	[dreg:$0x4] =	wrdreg $0x9  }
0xb1: {  	_ =	task.clear_ibuf [dreg:s7], $0x5FFFF;
	_ =	strace $0x90000046  }
0xb2: {  	s29 =	simm.s32 $0x9;
	_ =	strace $0x8000004F  }
0xb3: {  	_ =	swait.ge [sflag:s29], $0x1  }
0xb4: {  	[sflag:s29] =	ssyncadd.s32 $0xFFFFFFFF  }
0xb5: {  	_ =	strace $0x9000004F  }
0xb6: {  	_ =	sfence  }
0xb7: {  	s30 =	sld [smem:$0x0];
	_ =	sdelay $0x2  }
0xb8: {  	s31 =	sshll.u32 s1, $0xD;
	s1 =	sshrl.u32 s1, $0x2  }
0xb9: {  	s3 =	sand.u32 $0x4000, s31;
	s1 =	sadd.s32 s1, s30  }
0xba: {  	s0 =	sor.u32 s3, s0;
	s1 =	sshll.u32 s1, $0x11  }
0xbb: {  	s0 =	sor.u32 s1, s0  }
0xbc: {  	s0 =	sadd.s32 $0x8F2B, s0  }
0xbd: {  	[sflag:s0] =	ssyncadd.remote.s32 $0x1  }
0xbe: {  	_ =	sfence.sel $0xFFFF  }
0xbf: {  	[dreg:$0x0] =	wrdreg $0xFFFFFFFF;
	(pc) =	sbr.abs _section_cstart, $3  }
0xc0: {  	[dreg:$0x1] =	wrdreg $0xFFFFFFFF  }
0xc1: {  	_ =	task.clear_ibuf [dreg:s7], $0x2FFFF;
	_ =	strace $0x9FFFFFFF  }
0xc2: {  	(tm) =	ssettm $0x7FFFFFFF  }
0xc3: {  	_ =	shalt  }
tec
execute0_lowered:
.L_overlay_start_1:
0x0: {  	(tag) =	ssettag $0x1  }
0x1: {  	s0 =	rddreg [dreg:$0x0]  }
0x2: {  	s3 =	rddreg [dreg:$0x1];
	s1 =	srdreg.scid;
	s2 =	simm.s32 $0x0  }
0x3: {  	s31 =	simm.s32 $0x80;
	s9 =	simm.s32 $0x3;
	[dreg:$0x3] =	wrdreg s0  }
0x4: {  	s10 =	simm.s32 $0x0;
	s0 =	rddreg [dreg:$0x2];
	s4 =	sand.u32 $0x1, s1  }
0x5: {  	[smem:$0x7FF] =	sst s2;
	s1 =	stileid.u32;
	s6 =	sadd.s32 $0x3E200, s3  }
0x6: {  	s3 =	sadd.s32 $0x34400, s3;
	s5 =	sshll.u32 s4, $0x4;
	_ =	strace $0x80000047  }
0x7: {  	s4 =	ssub.s32 $0x2, s4;
	[dreg:$0x5] =	wrdreg s6;
	s5 =	sor.u32 s1, s5  }
0x8: {  	[dreg:$0x4] =	wrdreg s31;
	s7 =	sshrl.u32 s4, $0x1;
	s8 =	smul.u32 $0x4F0, s5  }
0x9: {  	s30 =	ssub.s32 s4, s7;
	s4 =	smul.u32 $0x4F, s5;
	s7 =	simm.s32 $0x1  }
0xa: {  	s6 =	smax.u32 s30, $0x1;
	s5 =	sadd.s32 s3, s8;
	s8 =	simm.s32 $0x5  }
.LBB2_1:
0xb: {  	_ =	strace $0x80000048;
	s11 =	simm.s32 $0x1;
	p0 =	por $0x0, $0x0  }
0xc: {  	[tilespmem:s2], [sflag:$0x1] =	stream.linear.gather [hbm4b:s5+s2], $0x80, $0x200038;
	[tilespmem:$0x8100] =	vst v63  }
0xd: {  	s11 =	simm.s32 @p0 $0x0  }
0xe: {  	p4 =	por $0x1, $0x1;
	s20 =	sand.u32 $0x1, s2;
	p1 =	sne.s32 s11, $0x0  }
0xf: {  	p2 =	por $0x1, $0x1;
	s18 =	simm.s32 $0x4D;
	p0 =	por !p4, !p1  }
0x10: {  	s16 =	simm.s32 $0x0;
	p5 =	por $0x0, $0x0;
	p0 =	por !p0, !p0  }
0x11: {  	s23 =	sadd.s32 $0x0, s4;
	s30 =	sadd.s32 $0x1, s20;
	s12 =	sadd.s32 @p0 s4, s11  }
0x12: {  	_ =	strace $0x90000048;
	s13 =	sand.u32 @p0 $0x1, s7;
	s12 =	sshll.u32 @p0 s12, $0x4  }
0x13: {  	_ =	strace @p0 $0x80000049;
	s15 =	simm.s32 @p0 $0x0;
	s12 =	sand.u32 @p0 $0x1FFFFFF0, s12  }
0x14: {  	s14 =	sshll.u32 @p0 s13, $0x7;
	s13 =	sadd.s32 @p0 $0x1, s13;
	s12 =	sadd.s32 @p0 s3, s12  }
0x15: {  	[tilespmem:s14], [sflag:s13] =	stream.linear.gather @p0 [hbm4b:s12+s15], $0x80, $0x200038;
	[tilespmem:$0x8100] =	vst v63  }
0x16: {  	p3 =	por p2, p2;
	s21 =	sshll.u32 s20, $0xE;
	_ =	strace @p0 $0x90000049  }
0x17: {  	s16 =	sand.u32 $0x80, s16;
	p2 =	por p5, p5;
	_ =	strace $0x8000004A  }
0x18: {  	s17 =	sadd.s32 $0x1, s11;
	s22 =	sor.u32 $0x100, s21;
	_ =	swait.ge [sflag:s30], $0x80  }
0x19: {  	s21 =	simm.s32 $0x1;
	p6 =	por p1, p1;
	[sflag:s30] =	ssyncset.done $0x0  }
0x1a: {  	p1 =	por p3, p3;
	p4 =	por $0x1, $0x1;
	[sflag:s30] =	ssyncadd.s32 $0xFFFFFF80  }
0x1b: {  	s12 =	simm.s32 $0x4E;
	s15 =	sand.u32 @!p3 $0x1, s2;
	_ =	strace $0x9000004A  }
0x1c: {  	s13 =	simm.s32 $0x1;
	p3 =	seq.s32 s17, $0x4F;
	_ =	strace $0x8000004B  }
0x1d: {  	s13 =	simm.s32 @!p0 $0x0;
	s17 =	simm.s32 @p3 $0x0;
	s19 =	rddreg [dreg:$0x4]  }
0x1e: {  	p0 =	por $0x0, $0x0;
	s14 =	sadd.s32 $0x1, s13;
	s31 =	rddreg [dreg:$0x3]  }
0x1f: {  	[tilespmem:s22], [sflag:$0x5] =	stream.indirect.gather [hbm4b:s31+s19], $0x80, s16, s19, $0x2000b8;
	[tilespmem:$0x8100] =	vst v63  }
0x20: {  	p3 =	sne.s32 s11, s17;
	s21 =	simm.s32 @!p0 $0x0;
	_ =	swait.ge [sflag:s8], $0x4000  }
0x21: {  	p5 =	por !p4, !p3;
	p4 =	por $0x0, $0x0;
	[sflag:s8] =	ssyncset.done $0x0  }
0x22: {  	s13 =	simm.s32 $0x0;
	p6 =	por p4, p6;
	[sflag:s8] =	ssyncadd.s32 $0xFFFFC000  }
0x23: {  	s16 =	simm.s32 $0x0;
	s19 =	simm.s32 $0x0;
	_ =	strace $0x9000004B  }
.LBB2_2:
0x24: {  	_ =	strace @p6 $0x8000004C;
	s13 =	sadd.s32 s21, s13;
	s21 =	smov.u32 s12  }
0x25: {  	s12 =	smov.u32 s18;
	s18 =	sadd.s32 $0xFFFFFFFF, s18;
	p0 =	por p3, p3  }
0x26: {  	s28 =	sshll.u32 @p6 s23, $0xB;
	s20 =	sadd.s32 @p6 $0x3, s20;
	s24 =	simm.s32 @!p0 $0x0  }
0x27: {  	s25 =	rddreg [dreg:$0x5];
	s28 =	sand.u32 @p6 $0x1FFFF800, s28;
	s24 =	simm.s32 @p0 $0x1  }
0x28: {  	s25 =	sadd.s32 @p6 s25, s28;
	s28 =	simm.s32 @p6 $0x0;
	p0 =	sne.s32 s18, $0x0  }
0x29: {  	[hbm4b:s25+s28] =	stream.linear.scatter @p6 [tilespmem:s22], [sflag:s20], $0x4000, $0x200038;
	[tilespmem:$0x8100] =	vst v63  }
0x2a: {  	s20 =	sadd.s32 @!p1 $0x3, s15;
	s15 =	simm.s32 @!p0 $0x0  }
0x2b: {  	s26 =	simm.s32 $0x1;
	[smem:$0x7FC] =	sst s24;
	s15 =	simm.s32 @p0 $0x1  }
0x2c: {  	s26 =	simm.s32 @!p6 $0x0;
	_ =	strace @p6 $0x9000004C;
	[smem:$0x7FD] =	sst s15  }
0x2d: {  	p5 =	por !p5, !p5;
	s19 =	sadd.s32 s26, s19;
	_ =	strace @!p1 $0x8000004D  }
0x2e: {  	s24 =	sand.u32 @!p2 $0x1, s13;
	s22 =	sand.u32 @p5 $0x1, s14;
	_ =	swait.ge @!p1 [sflag:s20], $0x4000  }
0x2f: {  	s15 =	smov.u32 s24;
	s24 =	sadd.s32 @p5 s4, s17;
	[sflag:s20] =	ssyncset.done @!p1 $0x0  }
0x30: {  	s25 =	sshll.u32 @p5 s22, $0x7;
	s24 =	sshll.u32 @p5 s24, $0x4;
	[sflag:s20] =	ssyncadd.s32 @!p1 $0xFFFFC000  }
0x31: {  	s20 =	sadd.s32 @p5 $0x1, s22;
	s22 =	sand.u32 @p5 $0x1FFFFFF0, s24;
	_ =	strace @!p1 $0x9000004D  }
0x32: {  	s24 =	simm.s32 @p5 $0x0;
	s22 =	sadd.s32 @p5 s3, s22;
	_ =	strace @p5 $0x80000049  }
0x33: {  	[tilespmem:s25], [sflag:s20] =	stream.linear.gather @p5 [hbm4b:s22+s24], $0x80, $0x200038;
	[tilespmem:$0x8100] =	vst v63  }
0x34: {  	s16 =	sadd.s32 s26, s16;
	s26 =	sand.u32 $0x1, s19;
	_ =	strace @p5 $0x90000049  }
0x35: {  	s24 =	sadd.s32 $0x1, s26;
	_ =	strace $0x8000004A  }
0x36: {  	_ =	swait.ge [sflag:s24], $0x80  }
0x37: {  	[sflag:s24] =	ssyncset.done $0x0  }
0x38: {  	s20 =	simm.s32 $0x1;
	[sflag:s24] =	ssyncadd.s32 $0xFFFFFF80  }
0x39: {  	s20 =	simm.s32 @!p5 $0x0;
	_ =	strace $0x9000004A  }
0x3a: {  	s14 =	sadd.s32 s20, s14;
	s20 =	sand.u32 $0x1, s16;
	_ =	strace $0x8000004B  }
0x3b: {  	s29 =	sshll.u32 s19, $0x7;
	s25 =	sshll.u32 s20, $0xE;
	s26 =	rddreg [dreg:$0x4]  }
0x3c: {  	s29 =	sand.u32 $0x80, s29;
	s22 =	sor.u32 $0x100, s25;
	s30 =	rddreg [dreg:$0x3]  }
0x3d: {  	[tilespmem:s22], [sflag:$0x5] =	stream.indirect.gather [hbm4b:s30+s26], $0x80, s29, s26, $0x2000b8;
	[tilespmem:$0x8100] =	vst v63  }
0x3e: {  	_ =	swait.ge [sflag:s8], $0x4000  }
0x3f: {  	s31 =	sadd.s32 $0x1, s17;
	[sflag:s8] =	ssyncset.done $0x0  }
0x40: {  	s23 =	sadd.s32 s4, s11;
	s11 =	smov.u32 s17;
	[sflag:s8] =	ssyncadd.s32 $0xFFFFC000  }
0x41: {  	p3 =	seq.s32 s31, $0x4F;
	s17 =	smov.u32 s31;
	_ =	strace $0x9000004B  }
0x42: {  	s17 =	simm.s32 @p3 $0x0;
	s31 =	sld [smem:$0x7FD]  }
0x43: {  	p6 =	sne.s32 s12, $0x1;
	p0 =	sne.s32 s21, $0x4F;
	p3 =	sne.s32 s11, s17  }
0x44: {  	p5 =	por !p6, !p3;
	p6 =	seq.s32 s21, $0x1;
	s21 =	simm.s32 $0x1  }
0x45: {  	s21 =	simm.s32 @!p0 $0x0;
	p0 =	seq.s32 s31, $0x1  }
.Ltmp0:
0x46: {  	s30 =	sld [smem:$0x7FC];
	(pc) =	sbr.rel @p0 .LBB2_2-.Ltmp0, $4  }
0x47: {  	_ = 	snop  }
0x48: {  	p4 =	seq.s32 s12, $0x4F  }
0x49: {  	p1 =	por p2, p2;
	p2 =	por p4, p4;
	p4 =	seq.s32 s30, $0x1  }
0x4a: {  	p6 =	por p6, p4  }
0x4b: {  	_ =	strace @p6 $0x8000004C;
	s23 =	sshll.u32 @p6 s23, $0xB  }
0x4c: {  	s18 =	rddreg [dreg:$0x5];
	s23 =	sand.u32 @p6 $0x1FFFF800, s23  }
0x4d: {  	s20 =	sadd.s32 @p6 $0x3, s20;
	s18 =	sadd.s32 @p6 s18, s23;
	s23 =	simm.s32 @p6 $0x0  }
0x4e: {  	[hbm4b:s18+s23] =	stream.linear.scatter @p6 [tilespmem:s22], [sflag:s20], $0x4000, $0x200038;
	[tilespmem:$0x8100] =	vst v63  }
0x4f: {  	p0 =	por !p5, !p5;
	_ =	strace @p6 $0x9000004C  }
0x50: {  	s15 =	sadd.s32 @!p1 $0x3, s15;
	s17 =	sadd.s32 @p0 s4, s17;
	_ =	strace @!p1 $0x8000004D  }
0x51: {  	s14 =	sand.u32 @p0 $0x1, s14;
	s17 =	sshll.u32 @p0 s17, $0x4;
	_ =	swait.ge @!p1 [sflag:s15], $0x4000  }
0x52: {  	s18 =	simm.s32 $0x1;
	s20 =	sshll.u32 @p0 s14, $0x7;
	[sflag:s15] =	ssyncset.done @!p1 $0x0  }
0x53: {  	s14 =	sadd.s32 @p0 $0x1, s14;
	s18 =	simm.s32 @!p6 $0x0;
	[sflag:s15] =	ssyncadd.s32 @!p1 $0xFFFFC000  }
0x54: {  	s19 =	sadd.s32 s18, s19;
	s15 =	sand.u32 @p0 $0x1FFFFFF0, s17;
	_ =	strace @!p1 $0x9000004D  }
0x55: {  	s17 =	simm.s32 @p0 $0x0;
	s15 =	sadd.s32 @p0 s3, s15;
	_ =	strace @p0 $0x80000049  }
0x56: {  	[tilespmem:s20], [sflag:s14] =	stream.linear.gather @p0 [hbm4b:s15+s17], $0x80, $0x200038;
	[tilespmem:$0x8100] =	vst v63  }
0x57: {  	s25 =	sand.u32 $0x1, s19;
	_ =	strace @p0 $0x90000049  }
0x58: {  	s14 =	sadd.s32 $0x1, s25;
	_ =	strace $0x8000004A  }
0x59: {  	_ =	swait.ge [sflag:s14], $0x80  }
0x5a: {  	[sflag:s14] =	ssyncset.done $0x0  }
0x5b: {  	[sflag:s14] =	ssyncadd.s32 $0xFFFFFF80  }
0x5c: {  	s26 =	sadd.s32 s18, s16;
	_ =	strace $0x9000004A  }
0x5d: {  	s14 =	sand.u32 $0x1, s26;
	_ =	strace $0x8000004B  }
0x5e: {  	s30 =	sshll.u32 s19, $0x7;
	s31 =	sshll.u32 s14, $0xE;
	s28 =	rddreg [dreg:$0x4]  }
0x5f: {  	s17 =	sand.u32 $0x80, s30;
	s18 =	sor.u32 $0x100, s31;
	s29 =	rddreg [dreg:$0x3]  }
0x60: {  	[tilespmem:s18], [sflag:$0x5] =	stream.indirect.gather [hbm4b:s29+s28], $0x80, s17, s28, $0x2000b8;
	[tilespmem:$0x8100] =	vst v63  }
0x61: {  	_ =	swait.ge [sflag:s8], $0x4000  }
0x62: {  	[sflag:s8] =	ssyncset.done $0x0  }
0x63: {  	p5 =	por p3, p3;
	p6 =	seq.s32 s12, $0x1;
	[sflag:s8] =	ssyncadd.s32 $0xFFFFC000  }
0x64: {  	s11 =	sadd.s32 s4, s11;
	p0 =	por p6, p5;
	_ =	strace $0x9000004B  }
0x65: {  	s11 =	sshll.u32 @p0 s11, $0xB;
	_ =	strace @p0 $0x8000004C  }
0x66: {  	s13 =	sadd.s32 s21, s13;
	s11 =	sand.u32 @p0 $0x1FFFF800, s11;
	s12 =	rddreg [dreg:$0x5]  }
0x67: {  	s14 =	sadd.s32 @p0 $0x3, s14;
	s11 =	sadd.s32 @p0 s12, s11;
	s12 =	simm.s32 @p0 $0x0  }
0x68: {  	[hbm4b:s11+s12] =	stream.linear.scatter @p0 [tilespmem:s18], [sflag:s14], $0x4000, $0x200038;
	[tilespmem:$0x8100] =	vst v63  }
0x69: {  	p1 =	por p2, p2;
	s11 =	sand.u32 @!p2 $0x1, s13;
	_ =	strace @p0 $0x9000004C  }
0x6a: {  	s11 =	sadd.s32 @!p1 $0x3, s11;
	_ =	strace @!p1 $0x8000004D  }
0x6b: {  	_ =	swait.ge @!p1 [sflag:s11], $0x4000  }
0x6c: {  	[sflag:s11] =	ssyncset.done @!p1 $0x0  }
0x6d: {  	s10 =	sadd.s32 $0x1, s10;
	[sflag:s11] =	ssyncadd.s32 @!p1 $0xFFFFC000  }
0x6e: {  	p0 =	sne.s32 s10, s6;
	_ =	strace @!p1 $0x9000004D  }
.Ltmp1:
0x6f: {  	_ =	strace $0x8000004E;
	(pc) =	sbr.rel @p0 .LBB2_1-.Ltmp1, $4  }
0x70: {  	_ =	swait.ge [sflag:s9], $0x4000  }
0x71: {  	[sflag:s9] =	ssyncset.done $0x0  }
0x72: {  	[sflag:s9] =	ssyncadd.s32 $0xFFFFC000  }
0x73: {  	_ =	strace $0x9000004E  }
0x74: {  	_ =	sfence.sel $0x180000  }
0x75: {  	[bflag:$0x0] =	sbarrier.arrive $0xFFFF  }
0x76: {  	p0 =	sne.s32 s1, $0x0;
	_ =	strace $0x90000047  }
0x77: {  	s0 =	sadd.s32 @!p0 $0x100000, s0;
	[bflag:$0x2] =	sbarrier.arrive $0xFFFF  }
0x78: {  	[sflag:s0] =	ssyncadd.tile.s32 @!p0 $0x1;
	_ =	shalt  }
.Lfunc_end2:
_tile_overlayer_lowered:
.L_overlay_start_2:
0x79: {  	(tag) =	ssettag $0x2  }
0x7a: {  	s0 =	rddreg [dreg:$0x0];
	s2 =	stileid.u32  }
0x7b: {  	s1 =	rddreg [dreg:$0x1];
	p0 =	sne.s32 s2, $0x0  }
0x7c: {  	s3 =	rddreg [dreg:$0x2];
	[bflag:$0x3] =	sbarrier.arrive $0xFFFF;
	s2 =	simm.s32 @!p0 $0x1C01  }
0x7d: {  	[timem:s3], [sflag:s2] =	dma.local @!p0 [hbm:s0], s1  }
0x7e: {  	s0 =	simm.s32 @!p0 $0x1  }
0x7f: {  	_ =	swait.ge @!p0 [sflag:s0], s1  }
0x80: {  	s1 =	ssub.s32 @!p0 $0x0, s1;
	[sflag:s0] =	ssyncset.done @!p0 $0x0  }
0x81: {  	[sflag:s0] =	ssyncadd.s32 @!p0 s1  }
0x82: {  	[bflag:$0x3] =	sbarrier.arrive $0xFFFF  }
0x83: {  	_ =	shalt  }

// kernel: kernel.15.cloned.1.call-start
scs
__scs_entry_jumppad:
0x0: {  	(pc) =	sbr.rel $0x88, $3  }
0x1: {  	(tag) =	ssettag $0x0;
	lr =	simm.s32 $0x1  }
0x2: {  	[smem:$0x3F8E] =	sst lr;
	_ =	strace $0xD0000000  }
0x3: {  	_ = 	snop  }
0x4: {  	_ = 	snop  }
0x5: {  	_ = 	snop  }
0x6: {  	_ = 	snop  }
0x7: {  	_ = 	snop  }
__scs_overlays_trampoline_lowered:
0x8: {  	[smem:$0x3F9D] =	sst s0  }
0x9: {  	[smem:$0x3F9E] =	sst s1  }
0xa: {  	[smem:$0x3F9F] =	sst s2  }
0xb: {  	[smem:$0x3FA0] =	sst s3  }
0xc: {  	[smem:$0x3FA1] =	sst s4  }
0xd: {  	[smem:$0x3FA2] =	sst s5  }
0xe: {  	[smem:$0x3FA3] =	sst s6  }
0xf: {  	[smem:$0x3FA4] =	sst s7  }
0x10: {  	[smem:$0x3FA5] =	sst s8  }
0x11: {  	[smem:$0x3FA6] =	sst s9;
	s0 =	simm.s32 @!p0 $0x0  }
0x12: {  	s1 =	sld [smem:$0x3F8C];
	s0 =	simm.s32 @p0 $0x1  }
0x13: {  	[smem:$0x3FA7] =	sst s0;
	s0 =	simm.s32 @!p1 $0x0  }
0x14: {  	s2 =	sld [smem:$0x3F8B];
	s0 =	simm.s32 @p1 $0x1  }
0x15: {  	[smem:$0x3FA8] =	sst s0;
	s0 =	simm.s32 @!p2 $0x0  }
0x16: {  	s3 =	sld [smem:$0x3FDB];
	s0 =	simm.s32 @p2 $0x1  }
0x17: {  	s4 =	simm.s32 $0x1BF5;
	[smem:$0x3FAA] =	sst s0  }
0x18: {  	s0 =	sld [smem:$0x3F8D];
	_ =	swait.ge [sflag:s4], $0x0  }
0x19: {  	s7 =	sld [smem:$0x3F8E]  }
0x1a: {  	s8 =	sadd.s32 $0xFFFFE003, lr  }
0x1b: {  	s9 =	sadd.s32 $0xFFFFFEF7, lr;
	s5 =	simm.s32 $0xFFFFFFFF;
	p2 =	slt.u32 s8, $0xFFFFF086  }
0x1c: {  	p1 =	slt.u32 s9, $0xF7A;
	s5 =	simm.s32 @!p2 $0x0  }
0x1d: {  	s5 =	simm.s32 @p1 $0x1;
	p0 =	seq.s32 s7, s2  }
0x1e: {  	s7 =	smul.u32 @!p0 $0xF7A, s2;
	p2 =	seq.s32 @!p0 s5, $0x0  }
0x1f: {  	s9 =	smul.u32 $0xF7A, s1;
	s8 =	simm.s32 @!p0 $0x1BF5;
	p2 =	por !p2, p0  }
0x20: {  	[sflag:s8] =	ssyncset.s32 @!p0 $0xFFFFF086;
	s6 =	sadd.s32 @!p0 s3, s7;
	s7 =	simm.s32 @!p0 $0x108  }
0x21: {  	s3 =	sadd.s32 s3, s9;
	s6 =	sadd.s32 @!p0 $0x88, s6;
	s7 =	simm.s32 @p2 $0x1082  }
0x22: {  	[simem:s7], [sflag:s8] =	dma.local @!p0 [hbm:s6], $0xF7A  }
0x23: {  	s9 =	sor.u32 $0xD0000000, s2;
	s6 =	simm.s32 $0x108;
	_ =	swait.ge @!p0 [sflag:s8], $0x0  }
0x24: {  	s3 =	sadd.s32 $0x88, s3;
	s6 =	simm.s32 @!p1 $0x1082;
	[sflag:s4] =	ssyncset.s32 $0xFFFFF086  }
0x25: {  	[simem:s6], [sflag:s4] =	dma.local [hbm:s3], $0xF7A  }
0x26: {  	[smem:$0x3F8E] =	sst s1;
	(tag) =	ssettag s2;
	_ =	strace s9  }
0x27: {  	s1 =	sld [smem:$0x3F9E]  }
0x28: {  	s2 =	sld [smem:$0x3F9F]  }
0x29: {  	s4 =	sld [smem:$0x3FA1]  }
0x2a: {  	p0 =	seq.s32 s5, $0x0;
	s5 =	sld [smem:$0x3FA2]  }
0x2b: {  	s6 =	sld [smem:$0x3FA3]  }
0x2c: {  	s7 =	sld [smem:$0x3FA4]  }
0x2d: {  	s3 =	simm.s32 $0x108;
	s8 =	sld [smem:$0x3FA5]  }
0x2e: {  	s3 =	simm.s32 @!p0 $0x1082;
	s9 =	sld [smem:$0x3FA6]  }
0x2f: {  	lr =	sadd.s32 s0, s3;
	s0 =	sld [smem:$0x3F9D]  }
0x30: {  	s3 =	sld [smem:$0x3FA0]  }
0x31: {  	[smem:$0x3FA9] =	sst s10  }
0x32: {  	s10 =	sld [smem:$0x3FA7];
	_ =	sdelay $0x3  }
0x33: {  	p0 =	seq.s32 s10, $0x1;
	s10 =	sld [smem:$0x3FA9];
	_ =	sdelay $0x3  }
0x34: {  	[smem:$0x3FA9] =	sst s10  }
0x35: {  	s10 =	sld [smem:$0x3FA8];
	_ =	sdelay $0x3  }
0x36: {  	p1 =	seq.s32 s10, $0x1;
	s10 =	sld [smem:$0x3FA9];
	_ =	sdelay $0x3  }
0x37: {  	[smem:$0x3FA9] =	sst s10  }
0x38: {  	s10 =	sld [smem:$0x3FAA]  }
0x39: {  	_ = 	snop;
	(pc) =	sbr.ind lr, $3  }
0x3a: {  	_ = 	snop  }
0x3b: {  	_ = 	snop  }
0x3c: {  	p2 =	seq.s32 s10, $0x1;
	s10 =	sld [smem:$0x3FA9]  }
0x3d: {  	_ =	shalt  }
0x3e: {  	_ =	shalt  }
0x3f: {  	_ =	shalt  }
0x40: {  	_ =	shalt  }
0x41: {  	_ =	shalt  }
0x42: {  	_ =	shalt  }
0x43: {  	_ =	shalt  }
0x44: {  	_ =	shalt  }
0x45: {  	_ =	shalt  }
0x46: {  	_ =	shalt  }
0x47: {  	_ =	shalt  }
0x48: {  	_ =	shalt  }
0x49: {  	_ =	shalt  }
0x4a: {  	_ =	shalt  }
0x4b: {  	_ =	shalt  }
0x4c: {  	_ =	shalt  }
0x4d: {  	_ =	shalt  }
0x4e: {  	_ =	shalt  }
0x4f: {  	_ =	shalt  }
0x50: {  	_ =	shalt  }
0x51: {  	_ =	shalt  }
0x52: {  	_ =	shalt  }
0x53: {  	_ =	shalt  }
0x54: {  	_ =	shalt  }
0x55: {  	_ =	shalt  }
0x56: {  	_ =	shalt  }
0x57: {  	_ =	shalt  }
0x58: {  	_ =	shalt  }
0x59: {  	_ =	shalt  }
0x5a: {  	_ =	shalt  }
0x5b: {  	_ =	shalt  }
0x5c: {  	_ =	shalt  }
0x5d: {  	_ =	shalt  }
0x5e: {  	_ =	shalt  }
0x5f: {  	_ =	shalt  }
0x60: {  	_ =	shalt  }
0x61: {  	_ =	shalt  }
0x62: {  	_ =	shalt  }
0x63: {  	_ =	shalt  }
0x64: {  	_ =	shalt  }
0x65: {  	_ =	shalt  }
0x66: {  	_ =	shalt  }
0x67: {  	_ =	shalt  }
0x68: {  	_ =	shalt  }
0x69: {  	_ =	shalt  }
0x6a: {  	_ =	shalt  }
0x6b: {  	_ =	shalt  }
0x6c: {  	_ =	shalt  }
0x6d: {  	_ =	shalt  }
0x6e: {  	_ =	shalt  }
0x6f: {  	_ =	shalt  }
0x70: {  	_ =	shalt  }
0x71: {  	_ =	shalt  }
0x72: {  	_ =	shalt  }
0x73: {  	_ =	shalt  }
0x74: {  	_ =	shalt  }
0x75: {  	_ =	shalt  }
0x76: {  	_ =	shalt  }
0x77: {  	_ =	shalt  }
0x78: {  	_ =	shalt  }
0x79: {  	_ =	shalt  }
0x7a: {  	_ =	shalt  }
0x7b: {  	_ =	shalt  }
0x7c: {  	_ =	shalt  }
0x7d: {  	_ =	shalt  }
0x7e: {  	_ =	shalt  }
0x7f: {  	_ =	shalt  }
0x80: {  	_ =	shalt  }
0x81: {  	_ =	shalt  }
0x82: {  	_ =	shalt  }
0x83: {  	_ =	shalt  }
0x84: {  	_ =	shalt  }
0x85: {  	_ =	shalt  }
0x86: {  	_ =	shalt  }
0x87: {  	_ =	shalt  }
.Lfunc_end0:
.L_simem_size_0:
called_computation.1_lowered:
.L_overlay_start_0:
0x88: {  	s2 =	sld [smem:$0x3FD9]  }
0x89: {  	s3 =	sld [smem:$0x3FFE];
	_ =	sdelay $0x1  }
0x8a: {  	s1 =	srdreg.scid  }
0x8b: {  	s0 =	sand.u32 $0x1, s1  }
0x8c: {  	s16 =	sshll.u32 s0, $0xA;
	s2 =	sadd.s32 s3, s2  }
0x8d: {  	s2 =	sadd.s32 s2, s16  }
0x8e: {  	[smem:$0x3FB5] =	sst s2  }
0x8f: {  	_ = 	snop  }
0x90: {  	(tm) =	ssettm $0x1  }
0x91: {  	s17 =	sld [smem:$0x3FFB];
	_ =	sdelay $0x3  }
0x92: {  	_ =	strace s17  }
0x93: {  	s2 =	sld [smem:$0x3FFC];
	_ =	sdelay $0x3  }
0x94: {  	_ =	strace s2  }
0x95: {  	s2 =	sld [smem:$0x3FFD];
	_ =	sdelay $0x3  }
0x96: {  	_ =	strace s2  }
0x97: {  	_ =	strace $0x8FFFFFFF  }
0x98: {  	s18 =	sld [smem:$0x3FDB];
	_ =	sdelay $0x1  }
0x99: {  	s19 =	simm.s32 $_scs_section_size  }
0x9a: {  	s4 =	simm.s32 $_size__tile_overlayer_lowered;
	s5 =	simm.s32 $_tile_overlayer_lowered  }
0x9b: {  	s22 =	simm.s32 $0x1BFF;
	s21 =	sshll.u32 s5, $0x1;
	s2 =	sadd.s32 s19, s18  }
0x9c: {  	s6 =	simm.s32 $0x0;
	s20 =	sshll.u32 s4, $0x1;
	s4 =	sadd.s32 s21, s2  }
0x9d: {  	[timem:s6], [sflag:s22] =	dma.local [hbm:s4], s20  }
0x9e: {  	_ =	swait.ge [sflag:s22], s20  }
0x9f: {  	s3 =	ssub.s32 $0x0, s20;
	[sflag:s22] =	ssyncset.done $0x0  }
0xa0: {  	[sflag:s22] =	ssyncadd.s32 s3;
	_ =	sdelay $0x1  }
0xa1: {  	s23 =	simm.s32 $0x1B8B  }
0xa2: {  	_ =	swait.ge [sflag:s23], $0x1  }
0xa3: {  	[sflag:s23] =	ssyncset.done $0x0  }
0xa4: {  	s25 =	simm.s32 $0x1B8E;
	s24 =	sld [smem:$0x3FFE];
	[sflag:s23] =	ssyncadd.s32 $0xFFFFFFFF  }
0xa5: {  	s26 =	simm.s32 $execute0_lowered;
	[smem:$0x3FD2] =	sst s25  }
0xa6: {  	s4 =	sshll.u32 s26, $0x1;
	_ =	strace $0x80000050;
	[dreg:$0x1] =	wrdreg $0xFFFFFFFF  }
0xa7: {  	s28 =	simm.s32 $_size_execute0_lowered;
	s2 =	sadd.s32 s2, s4;
	[dreg:$0x0] =	wrdreg $0x0  }
0xa8: {  	s4 =	sshll.u32 s28, $0x1;
	[dreg:$0x2] =	wrdreg s2  }
0xa9: {  	[dreg:$0x3] =	wrdreg s4  }
0xaa: {  	[dreg:$0x4] =	wrdreg $0xC0  }
0xab: {  	_ =	task [dreg:s6], $0x5FFFF  }
0xac: {  	[dreg:$0x1] =	wrdreg $0xFFFFFFFF  }
0xad: {  	[dreg:$0x0] =	wrdreg $0x60  }
0xae: {  	[dreg:$0x2] =	wrdreg s24  }
0xaf: {  	[dreg:$0x3] =	wrdreg $0x0  }
0xb0: {  	[dreg:$0x4] =	wrdreg $0x9  }
0xb1: {  	_ =	task.clear_ibuf [dreg:s6], $0x5FFFF;
	_ =	strace $0x90000050  }
0xb2: {  	s29 =	simm.s32 $0x9;
	_ =	strace $0x80000052  }
0xb3: {  	_ =	swait.ge [sflag:s29], $0x1  }
0xb4: {  	[sflag:s29] =	ssyncadd.s32 $0xFFFFFFFF  }
0xb5: {  	_ =	strace $0x90000052  }
0xb6: {  	_ =	sfence  }
0xb7: {  	s30 =	sld [smem:$0x0];
	_ =	sdelay $0x2  }
0xb8: {  	s31 =	sshll.u32 s1, $0xD;
	s1 =	sshrl.u32 s1, $0x2  }
0xb9: {  	s3 =	sand.u32 $0x4000, s31;
	s1 =	sadd.s32 s1, s30  }
0xba: {  	s0 =	sor.u32 s3, s0;
	s1 =	sshll.u32 s1, $0x11  }
0xbb: {  	s0 =	sor.u32 s1, s0  }
0xbc: {  	s0 =	sadd.s32 $0x8F2B, s0  }
0xbd: {  	[sflag:s0] =	ssyncadd.remote.s32 $0x1  }
0xbe: {  	_ =	sfence.sel $0xFFFF  }
0xbf: {  	[dreg:$0x0] =	wrdreg $0xFFFFFFFF;
	(pc) =	sbr.abs _section_cstart, $3  }
0xc0: {  	[dreg:$0x1] =	wrdreg $0xFFFFFFFF  }
0xc1: {  	_ =	task.clear_ibuf [dreg:s6], $0x2FFFF;
	_ =	strace $0x9FFFFFFF  }
0xc2: {  	(tm) =	ssettm $0x7FFFFFFF  }
0xc3: {  	_ =	shalt  }
tec
execute0_lowered:
.L_overlay_start_1:
0x0: {  	(tag) =	ssettag $0x1  }
0x1: {  	s4 =	rddreg [dreg:$0x0]  }
0x2: {  	s1 =	rddreg [dreg:$0x1];
	s2 =	stileid.u32  }
0x3: {  	s5 =	srdreg.scid;
	s22 =	smul.u32 $0x19000, s2  }
0x4: {  	s0 =	rddreg [dreg:$0x2];
	s13 =	sand.u32 $0x1, s5;
	s12 =	smul.u32 $0x6400, s2  }
0x5: {  	s3 =	simm.s32 $0x0;
	s9 =	sor.u32 $0x10, s2;
	s17 =	smul.u32 $0x138800, s13  }
0x6: {  	[smem:$0x7FF] =	sst s3;
	s10 =	sor.u32 $0x20, s2;
	s23 =	smul.u32 $0x19000, s9  }
0x7: {  	s6 =	sshll.u32 s2, $0xC;
	s18 =	sor.u32 $0x30, s2;
	s8 =	smul.u32 $0x19000, s10  }
0x8: {  	s7 =	sshll.u32 s2, $0x5;
	s16 =	sadd.s32 $0x3E200, s4;
	s11 =	smul.u32 $0x19000, s18  }
0x9: {  	_ =	strace $0x80000051;
	s14 =	sadd.s32 s6, s4;
	s19 =	smul.u32 $0x6400, s9  }
0xa: {  	s15 =	sadd.s32 s7, s4;
	s5 =	ssub.s32 $0x2, s13;
	s10 =	smul.u32 $0x6400, s10  }
0xb: {  	s4 =	sshll.u32 s2, $0x1;
	s20 =	smul.u32 $0x6400, s18;
	s30 =	sshll.u32 s13, $0xB  }
0xc: {  	s31 =	sshll.u32 s13, $0x4;
	p0 =	sgt.u32 s18, $0x31;
	s18 =	simm.s32 $0x2  }
0xd: {  	s21 =	sshrl.u32 s5, $0x1;
	s6 =	sshrl.u32 s22, $0x2;
	s14 =	sadd.s32 s30, s14  }
0xe: {  	s15 =	sadd.s32 s31, s15;
	s5 =	ssub.s32 s5, s21;
	s6 =	sadd.s32 s6, s1  }
0xf: {  	s7 =	sshrl.u32 s23, $0x2;
	s8 =	sshrl.u32 s8, $0x2;
	s24 =	sshrl.u32 s11, $0x2  }
0x10: {  	s25 =	sadd.s32 s17, s12;
	s26 =	sadd.s32 s17, s19;
	s28 =	sadd.s32 s17, s10  }
0x11: {  	s17 =	sadd.s32 s17, s20;
	s14 =	sadd.s32 $0xA16800, s14;
	s15 =	sadd.s32 $0x8200, s15  }
0x12: {  	s19 =	simm.s32 $0x0;
	s5 =	smax.u32 s5, $0x1;
	s7 =	sadd.s32 s7, s1  }
0x13: {  	s8 =	sadd.s32 s8, s1;
	s9 =	sadd.s32 s24, s1;
	s11 =	sshrl.u32 s25, $0x3  }
0x14: {  	s12 =	sshrl.u32 s26, $0x3;
	s29 =	sshrl.u32 s28, $0x3;
	s17 =	sshrl.u32 s17, $0x3  }
0x15: {  	s10 =	sadd.s32 s16, s11;
	s11 =	sadd.s32 s16, s12;
	s12 =	sadd.s32 s16, s29  }
0x16: {  	v0 =	vimm.f32 $0.0e+00;
	s13 =	sadd.s32 s16, s17;
	s16 =	simm.s32 $0x17900;
	s17 =	simm.s32 $0x1  }
.LBB2_1:
0x17: {  	s20 =	simm.s32 $0x0;
	s21 =	simm.s32 $0x200  }
.LBB2_2:
0x18: {  	p1 =	sne.s32 s21, $0x18E00;
	[tilespmem:s20+$0x17970] =	vst v0  }
0x19: {  	[tilespmem:s20+$0x17900] =	vst v0  }
0x1a: {  	[tilespmem:s20+$0x17910] =	vst v0  }
.Ltmp0:
0x1b: {  	[tilespmem:s20+$0x17920] =	vst v0;
	(pc) =	sbr.rel @p1 .LBB2_2-.Ltmp0, $4  }
0x1c: {  	[tilespmem:s20+$0x17930] =	vst v0  }
0x1d: {  	[tilespmem:s20+$0x17940] =	vst v0  }
0x1e: {  	[tilespmem:s20+$0x17950] =	vst v0  }
0x1f: {  	[tilespmem:s20+$0x17960] =	vst v0;
	s20 =	sshra.s32 s21, $0x2;
	s21 =	sadd.s32 $0x200, s21  }
0x20: {  	[tilespmem:s20+$0x17970] =	vst v0  }
0x21: {  	[tilespmem:s20+$0x17900] =	vst v0  }
0x22: {  	[tilespmem:s20+$0x17910] =	vst v0  }
0x23: {  	[tilespmem:s20+$0x17920] =	vst v0  }
0x24: {  	[tilespmem:s20+$0x17930] =	vst v0  }
0x25: {  	[tilespmem:s20+$0x17940] =	vst v0  }
0x26: {  	[tilespmem:s20+$0x17950] =	vst v0  }
0x27: {  	[tilespmem:s20+$0x17960] =	vst v0  }
0x28: {  	[spmem:s6] =	stream.linear.scatter [tilespmem:s16], [sflag:$0x1], $0x6400, $0x38;
	[tilespmem:$0x1DD00] =	vst v63  }
0x29: {  	_ =	swait.ge [sflag:s17], $0x6400  }
0x2a: {  	[sflag:s17] =	ssyncset.done $0x0  }
0x2b: {  	[sflag:s17] =	ssyncadd.s32 $0xFFFF9C00  }
0x2c: {  	[spmem:s7] =	stream.linear.scatter [tilespmem:s16], [sflag:$0x1], $0x6400, $0x38;
	[tilespmem:$0x1DD00] =	vst v63  }
0x2d: {  	_ =	swait.ge [sflag:s17], $0x6400  }
0x2e: {  	[sflag:s17] =	ssyncset.done $0x0  }
0x2f: {  	[sflag:s17] =	ssyncadd.s32 $0xFFFF9C00  }
0x30: {  	[spmem:s8] =	stream.linear.scatter [tilespmem:s16], [sflag:$0x1], $0x6400, $0x38;
	[tilespmem:$0x1DD00] =	vst v63  }
0x31: {  	_ =	swait.ge [sflag:s17], $0x6400  }
0x32: {  	[sflag:s17] =	ssyncset.done $0x0  }
0x33: {  	s20 =	simm.s32 @!p0 $0x17900;
	[sflag:s17] =	ssyncadd.s32 $0xFFFF9C00  }
0x34: {  	[spmem:s9] =	stream.linear.scatter @!p0 [tilespmem:s20], [sflag:$0x1], $0x6400, $0x38;
	[tilespmem:$0x1DD00] =	vst v63  }
0x35: {  	s20 =	simm.s32 @!p0 $0x1  }
0x36: {  	s30 =	sadd.s32 $0x0, s4;
	_ =	swait.ge @!p0 [sflag:s20], $0x6400  }
0x37: {  	p1 =	sgt.u32 s30, $0x4E1;
	[sflag:s20] =	ssyncset.done @!p0 $0x0  }
0x38: {  	s21 =	simm.s32 @!p1 $0x13880;
	[sflag:s20] =	ssyncadd.s32 @!p0 $0xFFFF9C00  }
0x39: {  	s23 =	simm.s32 @!p1 $0x2;
	s20 =	simm.s32 @!p1 $0x0;
	[bflag:$0x0] =	sbarrier.arrive $0xFFFF  }
0x3a: {  	[tilespmem:s21], [sflag:$0x2] =	stream.linear.gather @!p1 [hbm4b:s15+s20], $0x80, $0x38;
	[tilespmem:$0x1DD00] =	vst v63  }
0x3b: {  	_ =	swait.ge @!p1 [sflag:s23], $0x80;
	p1 =	por p1, p1  }
0x3c: {  	[sflag:s23] =	ssyncset.done @!p1 $0x0  }
0x3d: {  	s24 =	simm.s32 @!p1 $0x13900;
	[sflag:s23] =	ssyncadd.s32 @!p1 $0xFFFFFF80  }
0x3e: {  	[tilespmem:s24], [sflag:$0x2] =	stream.linear.gather @!p1 [hbm4b:s14+s20], $0x4000, $0x38;
	[tilespmem:$0x1DD00] =	vst v63  }
0x3f: {  	s31 =	sadd.s32 $0x20, s4;
	_ =	swait.ge @!p1 [sflag:s23], $0x4000  }
0x40: {  	s22 =	simm.s32 $0x40;
	p2 =	sgt.u32 s31, $0x4E1;
	[sflag:s23] =	ssyncset.done @!p1 $0x0  }
0x41: {  	s20 =	simm.s32 @!p1 $0x80;
	[sflag:s23] =	ssyncadd.s32 @!p1 $0xFFFFC000;
	s23 =	simm.s32 @!p1 $0x1  }
0x42: {  	[spmem:s1] =	stream.indirect.scatter.add.f32 @!p1 [tilespmem:s24], [sflag:$0x1], $0x80, s21, s20, $0xb8;
	[tilespmem:$0x1DD00] =	vst v63  }
0x43: {  	s21 =	sadd.s32 $0x200, s15;
	s20 =	sadd.s32 $0x10000, s14;
	_ =	swait.ge @!p1 [sflag:s23], $0x4000  }
.LBB2_4:
0x44: {  	s24 =	simm.s32 @!p2 $0x0  }
0x45: {  	s25 =	simm.s32 @!p2 $0x13880;
	[sflag:s23] =	ssyncset.done @!p1 $0x0;
	s26 =	smov.u32 s22  }
0x46: {  	s22 =	sadd.s32 $0x20, s22;
	s28 =	simm.s32 @!p2 $0x2;
	[sflag:s23] =	ssyncadd.s32 @!p1 $0xFFFFC000  }
0x47: {  	[tilespmem:s25], [sflag:$0x2] =	stream.linear.gather @!p2 [hbm4b:s21+s24], $0x80, $0x38;
	[tilespmem:$0x1DD00] =	vst v63  }
0x48: {  	p3 =	sne.s32 s22, $0x500;
	p1 =	por p2, p2;
	_ =	swait.ge @!p2 [sflag:s28], $0x80  }
0x49: {  	[sflag:s28] =	ssyncset.done @!p1 $0x0  }
0x4a: {  	s29 =	simm.s32 @!p1 $0x13900;
	[sflag:s28] =	ssyncadd.s32 @!p1 $0xFFFFFF80  }
0x4b: {  	[tilespmem:s29], [sflag:$0x2] =	stream.linear.gather @!p1 [hbm4b:s20+s24], $0x4000, $0x38;
	[tilespmem:$0x1DD00] =	vst v63  }
.Ltmp1:
0x4c: {  	_ =	swait.ge @!p1 [sflag:s28], $0x4000;
	(pc) =	sbr.rel @p3 .LBB2_4-.Ltmp1, $4  }
0x4d: {  	s23 =	simm.s32 @!p1 $0x1;
	s21 =	sadd.s32 $0x200, s21;
	[sflag:s28] =	ssyncset.done @!p1 $0x0  }
0x4e: {  	s24 =	sadd.s32 s26, s4;
	s26 =	simm.s32 @!p1 $0x80;
	[sflag:s28] =	ssyncadd.s32 @!p1 $0xFFFFC000  }
0x4f: {  	[spmem:s1] =	stream.indirect.scatter.add.f32 @!p1 [tilespmem:s29], [sflag:$0x1], $0x80, s25, s26, $0xb8;
	[tilespmem:$0x1DD00] =	vst v63  }
0x50: {  	s20 =	sadd.s32 $0x10000, s20;
	p2 =	sgt.u32 s24, $0x4E1;
	_ =	swait.ge @!p1 [sflag:s23], $0x4000  }
0x51: {  	s22 =	simm.s32 @!p2 $0x0;
	[sflag:s23] =	ssyncset.done @!p1 $0x0  }
0x52: {  	s24 =	simm.s32 @!p2 $0x13880;
	s25 =	simm.s32 @!p2 $0x2;
	[sflag:s23] =	ssyncadd.s32 @!p1 $0xFFFFC000  }
0x53: {  	[tilespmem:s24], [sflag:$0x2] =	stream.linear.gather @!p2 [hbm4b:s21+s22], $0x80, $0x38;
	[tilespmem:$0x1DD00] =	vst v63  }
0x54: {  	p1 =	por p2, p2;
	_ =	swait.ge @!p2 [sflag:s25], $0x80  }
0x55: {  	[sflag:s25] =	ssyncset.done @!p1 $0x0  }
0x56: {  	s21 =	simm.s32 @!p1 $0x13900;
	[sflag:s25] =	ssyncadd.s32 @!p1 $0xFFFFFF80  }
0x57: {  	[tilespmem:s21], [sflag:$0x2] =	stream.linear.gather @!p1 [hbm4b:s20+s22], $0x4000, $0x38;
	[tilespmem:$0x1DD00] =	vst v63  }
0x58: {  	_ =	swait.ge @!p1 [sflag:s25], $0x4000  }
0x59: {  	[sflag:s25] =	ssyncset.done @!p1 $0x0  }
0x5a: {  	s20 =	simm.s32 @!p1 $0x1;
	s22 =	simm.s32 @!p1 $0x80;
	[sflag:s25] =	ssyncadd.s32 @!p1 $0xFFFFC000  }
0x5b: {  	[spmem:s1] =	stream.indirect.scatter.add.f32 @!p1 [tilespmem:s21], [sflag:$0x1], $0x80, s24, s22, $0xb8;
	[tilespmem:$0x1DD00] =	vst v63  }
0x5c: {  	_ =	swait.ge @!p1 [sflag:s20], $0x4000  }
0x5d: {  	[sflag:s20] =	ssyncset.done @!p1 $0x0  }
0x5e: {  	[sflag:s20] =	ssyncadd.s32 @!p1 $0xFFFFC000  }
0x5f: {  	[bflag:$0x0] =	sbarrier.arrive $0xFFFF  }
0x60: {  	[tilespmem:s16], [sflag:$0x2] =	stream.linear.gather [spmem:s6], $0x6400, $0x38;
	[tilespmem:$0x1DD00] =	vst v63  }
0x61: {  	_ =	swait.ge [sflag:s18], $0x6400  }
0x62: {  	[sflag:s18] =	ssyncset.done $0x0  }
0x63: {  	[sflag:s18] =	ssyncadd.s32 $0xFFFF9C00  }
0x64: {  	[hbm4b:s10+s3] =	stream.linear.scatter [tilespmem:s16], [sflag:$0x1], $0x6400, $0x38;
	[tilespmem:$0x1DD00] =	vst v63  }
0x65: {  	_ =	swait.ge [sflag:s17], $0x6400  }
0x66: {  	[sflag:s17] =	ssyncset.done $0x0  }
0x67: {  	[sflag:s17] =	ssyncadd.s32 $0xFFFF9C00  }
0x68: {  	[tilespmem:s16], [sflag:$0x2] =	stream.linear.gather [spmem:s7], $0x6400, $0x38;
	[tilespmem:$0x1DD00] =	vst v63  }
0x69: {  	_ =	swait.ge [sflag:s18], $0x6400  }
0x6a: {  	[sflag:s18] =	ssyncset.done $0x0  }
0x6b: {  	[sflag:s18] =	ssyncadd.s32 $0xFFFF9C00  }
0x6c: {  	[hbm4b:s11+s3] =	stream.linear.scatter [tilespmem:s16], [sflag:$0x1], $0x6400, $0x38;
	[tilespmem:$0x1DD00] =	vst v63  }
0x6d: {  	_ =	swait.ge [sflag:s17], $0x6400  }
0x6e: {  	[sflag:s17] =	ssyncset.done $0x0  }
0x6f: {  	[sflag:s17] =	ssyncadd.s32 $0xFFFF9C00  }
0x70: {  	[tilespmem:s16], [sflag:$0x2] =	stream.linear.gather [spmem:s8], $0x6400, $0x38;
	[tilespmem:$0x1DD00] =	vst v63  }
0x71: {  	_ =	swait.ge [sflag:s18], $0x6400  }
0x72: {  	[sflag:s18] =	ssyncset.done $0x0  }
0x73: {  	[sflag:s18] =	ssyncadd.s32 $0xFFFF9C00  }
0x74: {  	[hbm4b:s12+s3] =	stream.linear.scatter [tilespmem:s16], [sflag:$0x1], $0x6400, $0x38;
	[tilespmem:$0x1DD00] =	vst v63  }
0x75: {  	_ =	swait.ge [sflag:s17], $0x6400  }
0x76: {  	[sflag:s17] =	ssyncset.done $0x0  }
0x77: {  	s21 =	simm.s32 @!p0 $0x2;
	s20 =	simm.s32 @!p0 $0x17900;
	[sflag:s17] =	ssyncadd.s32 $0xFFFF9C00  }
0x78: {  	[tilespmem:s20], [sflag:$0x2] =	stream.linear.gather @!p0 [spmem:s9], $0x6400, $0x38;
	[tilespmem:$0x1DD00] =	vst v63  }
0x79: {  	_ =	swait.ge @!p0 [sflag:s21], $0x6400  }
0x7a: {  	s19 =	sadd.s32 $0x1, s19;
	[sflag:s21] =	ssyncset.done @!p0 $0x0  }
0x7b: {  	p1 =	sne.s32 s19, s5;
	[sflag:s21] =	ssyncadd.s32 @!p0 $0xFFFF9C00;
	s21 =	simm.s32 @!p0 $0x0  }
0x7c: {  	[hbm4b:s13+s21] =	stream.linear.scatter @!p0 [tilespmem:s20], [sflag:$0x1], $0x6400, $0x38;
	[tilespmem:$0x1DD00] =	vst v63  }
.Ltmp2:
0x7d: {  	_ = 	snop;
	(pc) =	sbr.rel @p1 .LBB2_1-.Ltmp2, $4  }
0x7e: {  	s20 =	simm.s32 @!p0 $0x1  }
0x7f: {  	_ =	swait.ge @!p0 [sflag:s20], $0x6400  }
0x80: {  	[sflag:s20] =	ssyncset.done @!p0 $0x0  }
0x81: {  	[sflag:s20] =	ssyncadd.s32 @!p0 $0xFFFF9C00  }
0x82: {  	_ =	sfence.sel $0x180000  }
0x83: {  	[bflag:$0x0] =	sbarrier.arrive $0xFFFF  }
0x84: {  	p0 =	sne.s32 s2, $0x0;
	_ =	strace $0x90000051  }
0x85: {  	s0 =	sadd.s32 @!p0 $0x100000, s0;
	[bflag:$0x2] =	sbarrier.arrive $0xFFFF  }
0x86: {  	[sflag:s0] =	ssyncadd.tile.s32 @!p0 $0x1;
	_ =	shalt  }
.Lfunc_end2:
_tile_overlayer_lowered:
.L_overlay_start_2:
0x87: {  	(tag) =	ssettag $0x2  }
0x88: {  	s0 =	rddreg [dreg:$0x0];
	s2 =	stileid.u32  }
0x89: {  	s1 =	rddreg [dreg:$0x1];
	p0 =	sne.s32 s2, $0x0  }
0x8a: {  	s3 =	rddreg [dreg:$0x2];
	[bflag:$0x3] =	sbarrier.arrive $0xFFFF;
	s2 =	simm.s32 @!p0 $0x1C01  }
0x8b: {  	[timem:s3], [sflag:s2] =	dma.local @!p0 [hbm:s0], s1  }
0x8c: {  	s0 =	simm.s32 @!p0 $0x1  }
0x8d: {  	_ =	swait.ge @!p0 [sflag:s0], s1  }
0x8e: {  	s1 =	ssub.s32 @!p0 $0x0, s1;
	[sflag:s0] =	ssyncset.done @!p0 $0x0  }
0x8f: {  	[sflag:s0] =	ssyncadd.s32 @!p0 s1  }
0x90: {  	[bflag:$0x3] =	sbarrier.arrive $0xFFFF  }
0x91: {  	_ =	shalt  }

// kernel: kernel.18.cloned.1.call-start
scs
__scs_entry_jumppad:
0x0: {  	(pc) =	sbr.rel $0x88, $3  }
0x1: {  	(tag) =	ssettag $0x0;
	lr =	simm.s32 $0x1  }
0x2: {  	[smem:$0x3F8E] =	sst lr;
	_ =	strace $0xD0000000  }
0x3: {  	_ = 	snop  }
0x4: {  	_ = 	snop  }
0x5: {  	_ = 	snop  }
0x6: {  	_ = 	snop  }
0x7: {  	_ = 	snop  }
__scs_overlays_trampoline_lowered:
0x8: {  	[smem:$0x3F9D] =	sst s0  }
0x9: {  	[smem:$0x3F9E] =	sst s1  }
0xa: {  	[smem:$0x3F9F] =	sst s2  }
0xb: {  	[smem:$0x3FA0] =	sst s3  }
0xc: {  	[smem:$0x3FA1] =	sst s4  }
0xd: {  	[smem:$0x3FA2] =	sst s5  }
0xe: {  	[smem:$0x3FA3] =	sst s6  }
0xf: {  	[smem:$0x3FA4] =	sst s7  }
0x10: {  	[smem:$0x3FA5] =	sst s8  }
0x11: {  	[smem:$0x3FA6] =	sst s9;
	s0 =	simm.s32 @!p0 $0x0  }
0x12: {  	s1 =	sld [smem:$0x3F8C];
	s0 =	simm.s32 @p0 $0x1  }
0x13: {  	[smem:$0x3FA7] =	sst s0;
	s0 =	simm.s32 @!p1 $0x0  }
0x14: {  	s2 =	sld [smem:$0x3F8B];
	s0 =	simm.s32 @p1 $0x1  }
0x15: {  	[smem:$0x3FA8] =	sst s0;
	s0 =	simm.s32 @!p2 $0x0  }
0x16: {  	s3 =	sld [smem:$0x3FDB];
	s0 =	simm.s32 @p2 $0x1  }
0x17: {  	s4 =	simm.s32 $0x1BF5;
	[smem:$0x3FAA] =	sst s0  }
0x18: {  	s0 =	sld [smem:$0x3F8D];
	_ =	swait.ge [sflag:s4], $0x0  }
0x19: {  	s7 =	sld [smem:$0x3F8E]  }
0x1a: {  	s8 =	sadd.s32 $0xFFFFE003, lr  }
0x1b: {  	s9 =	sadd.s32 $0xFFFFFEF7, lr;
	s5 =	simm.s32 $0xFFFFFFFF;
	p2 =	slt.u32 s8, $0xFFFFF086  }
0x1c: {  	p1 =	slt.u32 s9, $0xF7A;
	s5 =	simm.s32 @!p2 $0x0  }
0x1d: {  	s5 =	simm.s32 @p1 $0x1;
	p0 =	seq.s32 s7, s2  }
0x1e: {  	s7 =	smul.u32 @!p0 $0xF7A, s2;
	p2 =	seq.s32 @!p0 s5, $0x0  }
0x1f: {  	s9 =	smul.u32 $0xF7A, s1;
	s8 =	simm.s32 @!p0 $0x1BF5;
	p2 =	por !p2, p0  }
0x20: {  	[sflag:s8] =	ssyncset.s32 @!p0 $0xFFFFF086;
	s6 =	sadd.s32 @!p0 s3, s7;
	s7 =	simm.s32 @!p0 $0x108  }
0x21: {  	s3 =	sadd.s32 s3, s9;
	s6 =	sadd.s32 @!p0 $0x88, s6;
	s7 =	simm.s32 @p2 $0x1082  }
0x22: {  	[simem:s7], [sflag:s8] =	dma.local @!p0 [hbm:s6], $0xF7A  }
0x23: {  	s9 =	sor.u32 $0xD0000000, s2;
	s6 =	simm.s32 $0x108;
	_ =	swait.ge @!p0 [sflag:s8], $0x0  }
0x24: {  	s3 =	sadd.s32 $0x88, s3;
	s6 =	simm.s32 @!p1 $0x1082;
	[sflag:s4] =	ssyncset.s32 $0xFFFFF086  }
0x25: {  	[simem:s6], [sflag:s4] =	dma.local [hbm:s3], $0xF7A  }
0x26: {  	[smem:$0x3F8E] =	sst s1;
	(tag) =	ssettag s2;
	_ =	strace s9  }
0x27: {  	s1 =	sld [smem:$0x3F9E]  }
0x28: {  	s2 =	sld [smem:$0x3F9F]  }
0x29: {  	s4 =	sld [smem:$0x3FA1]  }
0x2a: {  	p0 =	seq.s32 s5, $0x0;
	s5 =	sld [smem:$0x3FA2]  }
0x2b: {  	s6 =	sld [smem:$0x3FA3]  }
0x2c: {  	s7 =	sld [smem:$0x3FA4]  }
0x2d: {  	s3 =	simm.s32 $0x108;
	s8 =	sld [smem:$0x3FA5]  }
0x2e: {  	s3 =	simm.s32 @!p0 $0x1082;
	s9 =	sld [smem:$0x3FA6]  }
0x2f: {  	lr =	sadd.s32 s0, s3;
	s0 =	sld [smem:$0x3F9D]  }
0x30: {  	s3 =	sld [smem:$0x3FA0]  }
0x31: {  	[smem:$0x3FA9] =	sst s10  }
0x32: {  	s10 =	sld [smem:$0x3FA7];
	_ =	sdelay $0x3  }
0x33: {  	p0 =	seq.s32 s10, $0x1;
	s10 =	sld [smem:$0x3FA9];
	_ =	sdelay $0x3  }
0x34: {  	[smem:$0x3FA9] =	sst s10  }
0x35: {  	s10 =	sld [smem:$0x3FA8];
	_ =	sdelay $0x3  }
0x36: {  	p1 =	seq.s32 s10, $0x1;
	s10 =	sld [smem:$0x3FA9];
	_ =	sdelay $0x3  }
0x37: {  	[smem:$0x3FA9] =	sst s10  }
0x38: {  	s10 =	sld [smem:$0x3FAA]  }
0x39: {  	_ = 	snop;
	(pc) =	sbr.ind lr, $3  }
0x3a: {  	_ = 	snop  }
0x3b: {  	_ = 	snop  }
0x3c: {  	p2 =	seq.s32 s10, $0x1;
	s10 =	sld [smem:$0x3FA9]  }
0x3d: {  	_ =	shalt  }
0x3e: {  	_ =	shalt  }
0x3f: {  	_ =	shalt  }
0x40: {  	_ =	shalt  }
0x41: {  	_ =	shalt  }
0x42: {  	_ =	shalt  }
0x43: {  	_ =	shalt  }
0x44: {  	_ =	shalt  }
0x45: {  	_ =	shalt  }
0x46: {  	_ =	shalt  }
0x47: {  	_ =	shalt  }
0x48: {  	_ =	shalt  }
0x49: {  	_ =	shalt  }
0x4a: {  	_ =	shalt  }
0x4b: {  	_ =	shalt  }
0x4c: {  	_ =	shalt  }
0x4d: {  	_ =	shalt  }
0x4e: {  	_ =	shalt  }
0x4f: {  	_ =	shalt  }
0x50: {  	_ =	shalt  }
0x51: {  	_ =	shalt  }
0x52: {  	_ =	shalt  }
0x53: {  	_ =	shalt  }
0x54: {  	_ =	shalt  }
0x55: {  	_ =	shalt  }
0x56: {  	_ =	shalt  }
0x57: {  	_ =	shalt  }
0x58: {  	_ =	shalt  }
0x59: {  	_ =	shalt  }
0x5a: {  	_ =	shalt  }
0x5b: {  	_ =	shalt  }
0x5c: {  	_ =	shalt  }
0x5d: {  	_ =	shalt  }
0x5e: {  	_ =	shalt  }
0x5f: {  	_ =	shalt  }
0x60: {  	_ =	shalt  }
0x61: {  	_ =	shalt  }
0x62: {  	_ =	shalt  }
0x63: {  	_ =	shalt  }
0x64: {  	_ =	shalt  }
0x65: {  	_ =	shalt  }
0x66: {  	_ =	shalt  }
0x67: {  	_ =	shalt  }
0x68: {  	_ =	shalt  }
0x69: {  	_ =	shalt  }
0x6a: {  	_ =	shalt  }
0x6b: {  	_ =	shalt  }
0x6c: {  	_ =	shalt  }
0x6d: {  	_ =	shalt  }
0x6e: {  	_ =	shalt  }
0x6f: {  	_ =	shalt  }
0x70: {  	_ =	shalt  }
0x71: {  	_ =	shalt  }
0x72: {  	_ =	shalt  }
0x73: {  	_ =	shalt  }
0x74: {  	_ =	shalt  }
0x75: {  	_ =	shalt  }
0x76: {  	_ =	shalt  }
0x77: {  	_ =	shalt  }
0x78: {  	_ =	shalt  }
0x79: {  	_ =	shalt  }
0x7a: {  	_ =	shalt  }
0x7b: {  	_ =	shalt  }
0x7c: {  	_ =	shalt  }
0x7d: {  	_ =	shalt  }
0x7e: {  	_ =	shalt  }
0x7f: {  	_ =	shalt  }
0x80: {  	_ =	shalt  }
0x81: {  	_ =	shalt  }
0x82: {  	_ =	shalt  }
0x83: {  	_ =	shalt  }
0x84: {  	_ =	shalt  }
0x85: {  	_ =	shalt  }
0x86: {  	_ =	shalt  }
0x87: {  	_ =	shalt  }
.Lfunc_end0:
.L_simem_size_0:
called_computation.2_lowered:
.L_overlay_start_0:
0x88: {  	s2 =	sld [smem:$0x3FD9]  }
0x89: {  	s3 =	sld [smem:$0x3FFE];
	_ =	sdelay $0x1  }
0x8a: {  	s1 =	srdreg.scid  }
0x8b: {  	s0 =	sand.u32 $0x1, s1  }
0x8c: {  	s17 =	sshll.u32 s0, $0xA;
	s2 =	sadd.s32 s3, s2  }
0x8d: {  	s2 =	sadd.s32 s2, s17  }
0x8e: {  	[smem:$0x3FB5] =	sst s2  }
0x8f: {  	_ = 	snop  }
0x90: {  	s2 =	sld [smem:$0x3FD0];
	(tm) =	ssettm $0x1  }
0x91: {  	s18 =	sld [smem:$0x3FFB];
	_ =	sdelay $0x3  }
0x92: {  	_ =	strace s18  }
0x93: {  	s3 =	sld [smem:$0x3FFC];
	_ =	sdelay $0x3  }
0x94: {  	_ =	strace s3  }
0x95: {  	s3 =	sld [smem:$0x3FFD];
	_ =	sdelay $0x3  }
0x96: {  	_ =	strace s3  }
0x97: {  	_ =	strace $0x8FFFFFFF  }
0x98: {  	s19 =	sld [smem:$0x3FDB];
	_ =	sdelay $0x1  }
0x99: {  	s4 =	simm.s32 $_scs_section_size  }
0x9a: {  	s5 =	simm.s32 $_size__tile_overlayer_lowered;
	s6 =	simm.s32 $_tile_overlayer_lowered  }
0x9b: {  	s22 =	simm.s32 $0x1BFF;
	s21 =	sshll.u32 s6, $0x1;
	s3 =	sadd.s32 s4, s19  }
0x9c: {  	s7 =	simm.s32 $0x0;
	s20 =	sshll.u32 s5, $0x1;
	s5 =	sadd.s32 s21, s3  }
0x9d: {  	[timem:s7], [sflag:s22] =	dma.local [hbm:s5], s20  }
0x9e: {  	_ =	swait.ge [sflag:s22], s20  }
0x9f: {  	s4 =	ssub.s32 $0x0, s20;
	[sflag:s22] =	ssyncset.done $0x0  }
0xa0: {  	[sflag:s22] =	ssyncadd.s32 s4;
	_ =	sdelay $0x1  }
0xa1: {  	s23 =	simm.s32 $0x1B8B  }
0xa2: {  	_ =	swait.ge [sflag:s23], $0x1  }
0xa3: {  	[sflag:s23] =	ssyncset.done $0x0  }
0xa4: {  	s25 =	simm.s32 $0x1B8E;
	s24 =	sld [smem:$0x3FFE];
	[sflag:s23] =	ssyncadd.s32 $0xFFFFFFFF  }
0xa5: {  	s26 =	simm.s32 $execute0_lowered;
	[smem:$0x3FD2] =	sst s25  }
0xa6: {  	s5 =	sshll.u32 s26, $0x1;
	_ =	strace $0x80000053;
	[dreg:$0x1] =	wrdreg $0xFFFFFFFF  }
0xa7: {  	s28 =	simm.s32 $_size_execute0_lowered;
	s3 =	sadd.s32 s3, s5;
	[dreg:$0x0] =	wrdreg $0x0  }
0xa8: {  	s5 =	sshll.u32 s28, $0x1;
	[dreg:$0x2] =	wrdreg s3  }
0xa9: {  	[dreg:$0x3] =	wrdreg s5  }
0xaa: {  	[dreg:$0x4] =	wrdreg $0xC0  }
0xab: {  	_ =	task [dreg:s7], $0x5FFFF  }
0xac: {  	[dreg:$0x1] =	wrdreg $0xFFFFFFFF  }
0xad: {  	[dreg:$0x0] =	wrdreg $0x60  }
0xae: {  	[dreg:$0x2] =	wrdreg s2  }
0xaf: {  	[dreg:$0x3] =	wrdreg s24  }
0xb0: {  	[dreg:$0x4] =	wrdreg $0x9  }
0xb1: {  	_ =	task.clear_ibuf [dreg:s7], $0x5FFFF;
	_ =	strace $0x90000053  }
0xb2: {  	s29 =	simm.s32 $0x9;
	_ =	strace $0x8000005C  }
0xb3: {  	_ =	swait.ge [sflag:s29], $0x1  }
0xb4: {  	[sflag:s29] =	ssyncadd.s32 $0xFFFFFFFF  }
0xb5: {  	_ =	strace $0x9000005C  }
0xb6: {  	_ =	sfence  }
0xb7: {  	s30 =	sld [smem:$0x0];
	_ =	sdelay $0x2  }
0xb8: {  	s31 =	sshll.u32 s1, $0xD;
	s1 =	sshrl.u32 s1, $0x2  }
0xb9: {  	s3 =	sand.u32 $0x4000, s31;
	s1 =	sadd.s32 s1, s30  }
0xba: {  	s0 =	sor.u32 s3, s0;
	s1 =	sshll.u32 s1, $0x11  }
0xbb: {  	s0 =	sor.u32 s1, s0  }
0xbc: {  	s0 =	sadd.s32 $0x8F2B, s0  }
0xbd: {  	[sflag:s0] =	ssyncadd.remote.s32 $0x1  }
0xbe: {  	_ =	sfence.sel $0xFFFF  }
0xbf: {  	[dreg:$0x0] =	wrdreg $0xFFFFFFFF;
	(pc) =	sbr.abs _section_cstart, $3  }
0xc0: {  	[dreg:$0x1] =	wrdreg $0xFFFFFFFF  }
0xc1: {  	_ =	task.clear_ibuf [dreg:s7], $0x2FFFF;
	_ =	strace $0x9FFFFFFF  }
0xc2: {  	(tm) =	ssettm $0x7FFFFFFF  }
0xc3: {  	_ =	shalt  }
tec
execute0_lowered:
.L_overlay_start_1:
0x0: {  	(tag) =	ssettag $0x1  }
0x1: {  	s0 =	rddreg [dreg:$0x0]  }
0x2: {  	s3 =	rddreg [dreg:$0x1];
	s1 =	srdreg.scid;
	s2 =	simm.s32 $0x0  }
0x3: {  	s31 =	simm.s32 $0x80;
	s9 =	simm.s32 $0x3;
	[dreg:$0x3] =	wrdreg s0  }
0x4: {  	s10 =	simm.s32 $0x0;
	s0 =	rddreg [dreg:$0x2];
	s4 =	sand.u32 $0x1, s1  }
0x5: {  	[smem:$0x7FF] =	sst s2;
	s1 =	stileid.u32;
	s6 =	sadd.s32 $0xA16800, s3  }
0x6: {  	s3 =	sadd.s32 $0x34400, s3;
	s5 =	sshll.u32 s4, $0x4;
	_ =	strace $0x80000054  }
0x7: {  	s4 =	ssub.s32 $0x2, s4;
	[dreg:$0x5] =	wrdreg s6;
	s5 =	sor.u32 s1, s5  }
0x8: {  	[dreg:$0x4] =	wrdreg s31;
	s7 =	sshrl.u32 s4, $0x1;
	s8 =	smul.u32 $0x4F0, s5  }
0x9: {  	s30 =	ssub.s32 s4, s7;
	s4 =	smul.u32 $0x4F, s5;
	s7 =	simm.s32 $0x1  }
0xa: {  	s6 =	smax.u32 s30, $0x1;
	s5 =	sadd.s32 s3, s8;
	s8 =	simm.s32 $0x5  }
.LBB2_1:
0xb: {  	_ =	strace $0x80000055;
	s11 =	simm.s32 $0x1;
	p0 =	por $0x0, $0x0  }
0xc: {  	[tilespmem:s2], [sflag:$0x1] =	stream.linear.gather [hbm4b:s5+s2], $0x80, $0x200038;
	[tilespmem:$0x8100] =	vst v63  }
0xd: {  	s11 =	simm.s32 @p0 $0x0  }
0xe: {  	p4 =	por $0x1, $0x1;
	s20 =	sand.u32 $0x1, s2;
	p1 =	sne.s32 s11, $0x0  }
0xf: {  	p2 =	por $0x1, $0x1;
	s18 =	simm.s32 $0x4D;
	p0 =	por !p4, !p1  }
0x10: {  	s16 =	simm.s32 $0x0;
	p5 =	por $0x0, $0x0;
	p0 =	por !p0, !p0  }
0x11: {  	s23 =	sadd.s32 $0x0, s4;
	s30 =	sadd.s32 $0x1, s20;
	s12 =	sadd.s32 @p0 s4, s11  }
0x12: {  	_ =	strace $0x90000055;
	s13 =	sand.u32 @p0 $0x1, s7;
	s12 =	sshll.u32 @p0 s12, $0x4  }
0x13: {  	_ =	strace @p0 $0x80000056;
	s15 =	simm.s32 @p0 $0x0;
	s12 =	sand.u32 @p0 $0x1FFFFFF0, s12  }
0x14: {  	s14 =	sshll.u32 @p0 s13, $0x7;
	s13 =	sadd.s32 @p0 $0x1, s13;
	s12 =	sadd.s32 @p0 s3, s12  }
0x15: {  	[tilespmem:s14], [sflag:s13] =	stream.linear.gather @p0 [hbm4b:s12+s15], $0x80, $0x200038;
	[tilespmem:$0x8100] =	vst v63  }
0x16: {  	p3 =	por p2, p2;
	s21 =	sshll.u32 s20, $0xE;
	_ =	strace @p0 $0x90000056  }
0x17: {  	s16 =	sand.u32 $0x80, s16;
	p2 =	por p5, p5;
	_ =	strace $0x80000057  }
0x18: {  	s17 =	sadd.s32 $0x1, s11;
	s22 =	sor.u32 $0x100, s21;
	_ =	swait.ge [sflag:s30], $0x80  }
0x19: {  	s21 =	simm.s32 $0x1;
	p6 =	por p1, p1;
	[sflag:s30] =	ssyncset.done $0x0  }
0x1a: {  	p1 =	por p3, p3;
	p4 =	por $0x1, $0x1;
	[sflag:s30] =	ssyncadd.s32 $0xFFFFFF80  }
0x1b: {  	s12 =	simm.s32 $0x4E;
	s15 =	sand.u32 @!p3 $0x1, s2;
	_ =	strace $0x90000057  }
0x1c: {  	s13 =	simm.s32 $0x1;
	p3 =	seq.s32 s17, $0x4F;
	_ =	strace $0x80000058  }
0x1d: {  	s13 =	simm.s32 @!p0 $0x0;
	s17 =	simm.s32 @p3 $0x0;
	s19 =	rddreg [dreg:$0x4]  }
0x1e: {  	p0 =	por $0x0, $0x0;
	s14 =	sadd.s32 $0x1, s13;
	s31 =	rddreg [dreg:$0x3]  }
0x1f: {  	[tilespmem:s22], [sflag:$0x5] =	stream.indirect.gather [hbm4b:s31+s19], $0x80, s16, s19, $0x2000b8;
	[tilespmem:$0x8100] =	vst v63  }
0x20: {  	p3 =	sne.s32 s11, s17;
	s21 =	simm.s32 @!p0 $0x0;
	_ =	swait.ge [sflag:s8], $0x4000  }
0x21: {  	p5 =	por !p4, !p3;
	p4 =	por $0x0, $0x0;
	[sflag:s8] =	ssyncset.done $0x0  }
0x22: {  	s13 =	simm.s32 $0x0;
	p6 =	por p4, p6;
	[sflag:s8] =	ssyncadd.s32 $0xFFFFC000  }
0x23: {  	s16 =	simm.s32 $0x0;
	s19 =	simm.s32 $0x0;
	_ =	strace $0x90000058  }
.LBB2_2:
0x24: {  	_ =	strace @p6 $0x80000059;
	s13 =	sadd.s32 s21, s13;
	s21 =	smov.u32 s12  }
0x25: {  	s12 =	smov.u32 s18;
	s18 =	sadd.s32 $0xFFFFFFFF, s18;
	p0 =	por p3, p3  }
0x26: {  	s28 =	sshll.u32 @p6 s23, $0xB;
	s20 =	sadd.s32 @p6 $0x3, s20;
	s24 =	simm.s32 @!p0 $0x0  }
0x27: {  	s25 =	rddreg [dreg:$0x5];
	s28 =	sand.u32 @p6 $0x1FFFF800, s28;
	s24 =	simm.s32 @p0 $0x1  }
0x28: {  	s25 =	sadd.s32 @p6 s25, s28;
	s28 =	simm.s32 @p6 $0x0;
	p0 =	sne.s32 s18, $0x0  }
0x29: {  	[hbm4b:s25+s28] =	stream.linear.scatter @p6 [tilespmem:s22], [sflag:s20], $0x4000, $0x200038;
	[tilespmem:$0x8100] =	vst v63  }
0x2a: {  	s20 =	sadd.s32 @!p1 $0x3, s15;
	s15 =	simm.s32 @!p0 $0x0  }
0x2b: {  	s26 =	simm.s32 $0x1;
	[smem:$0x7FC] =	sst s24;
	s15 =	simm.s32 @p0 $0x1  }
0x2c: {  	s26 =	simm.s32 @!p6 $0x0;
	_ =	strace @p6 $0x90000059;
	[smem:$0x7FD] =	sst s15  }
0x2d: {  	p5 =	por !p5, !p5;
	s19 =	sadd.s32 s26, s19;
	_ =	strace @!p1 $0x8000005A  }
0x2e: {  	s24 =	sand.u32 @!p2 $0x1, s13;
	s22 =	sand.u32 @p5 $0x1, s14;
	_ =	swait.ge @!p1 [sflag:s20], $0x4000  }
0x2f: {  	s15 =	smov.u32 s24;
	s24 =	sadd.s32 @p5 s4, s17;
	[sflag:s20] =	ssyncset.done @!p1 $0x0  }
0x30: {  	s25 =	sshll.u32 @p5 s22, $0x7;
	s24 =	sshll.u32 @p5 s24, $0x4;
	[sflag:s20] =	ssyncadd.s32 @!p1 $0xFFFFC000  }
0x31: {  	s20 =	sadd.s32 @p5 $0x1, s22;
	s22 =	sand.u32 @p5 $0x1FFFFFF0, s24;
	_ =	strace @!p1 $0x9000005A  }
0x32: {  	s24 =	simm.s32 @p5 $0x0;
	s22 =	sadd.s32 @p5 s3, s22;
	_ =	strace @p5 $0x80000056  }
0x33: {  	[tilespmem:s25], [sflag:s20] =	stream.linear.gather @p5 [hbm4b:s22+s24], $0x80, $0x200038;
	[tilespmem:$0x8100] =	vst v63  }
0x34: {  	s16 =	sadd.s32 s26, s16;
	s26 =	sand.u32 $0x1, s19;
	_ =	strace @p5 $0x90000056  }
0x35: {  	s24 =	sadd.s32 $0x1, s26;
	_ =	strace $0x80000057  }
0x36: {  	_ =	swait.ge [sflag:s24], $0x80  }
0x37: {  	[sflag:s24] =	ssyncset.done $0x0  }
0x38: {  	s20 =	simm.s32 $0x1;
	[sflag:s24] =	ssyncadd.s32 $0xFFFFFF80  }
0x39: {  	s20 =	simm.s32 @!p5 $0x0;
	_ =	strace $0x90000057  }
0x3a: {  	s14 =	sadd.s32 s20, s14;
	s20 =	sand.u32 $0x1, s16;
	_ =	strace $0x80000058  }
0x3b: {  	s29 =	sshll.u32 s19, $0x7;
	s25 =	sshll.u32 s20, $0xE;
	s26 =	rddreg [dreg:$0x4]  }
0x3c: {  	s29 =	sand.u32 $0x80, s29;
	s22 =	sor.u32 $0x100, s25;
	s30 =	rddreg [dreg:$0x3]  }
0x3d: {  	[tilespmem:s22], [sflag:$0x5] =	stream.indirect.gather [hbm4b:s30+s26], $0x80, s29, s26, $0x2000b8;
	[tilespmem:$0x8100] =	vst v63  }
0x3e: {  	_ =	swait.ge [sflag:s8], $0x4000  }
0x3f: {  	s31 =	sadd.s32 $0x1, s17;
	[sflag:s8] =	ssyncset.done $0x0  }
0x40: {  	s23 =	sadd.s32 s4, s11;
	s11 =	smov.u32 s17;
	[sflag:s8] =	ssyncadd.s32 $0xFFFFC000  }
0x41: {  	p3 =	seq.s32 s31, $0x4F;
	s17 =	smov.u32 s31;
	_ =	strace $0x90000058  }
0x42: {  	s17 =	simm.s32 @p3 $0x0;
	s31 =	sld [smem:$0x7FD]  }
0x43: {  	p6 =	sne.s32 s12, $0x1;
	p0 =	sne.s32 s21, $0x4F;
	p3 =	sne.s32 s11, s17  }
0x44: {  	p5 =	por !p6, !p3;
	p6 =	seq.s32 s21, $0x1;
	s21 =	simm.s32 $0x1  }
0x45: {  	s21 =	simm.s32 @!p0 $0x0;
	p0 =	seq.s32 s31, $0x1  }
.Ltmp0:
0x46: {  	s30 =	sld [smem:$0x7FC];
	(pc) =	sbr.rel @p0 .LBB2_2-.Ltmp0, $4  }
0x47: {  	_ = 	snop  }
0x48: {  	p4 =	seq.s32 s12, $0x4F  }
0x49: {  	p1 =	por p2, p2;
	p2 =	por p4, p4;
	p4 =	seq.s32 s30, $0x1  }
0x4a: {  	p6 =	por p6, p4  }
0x4b: {  	_ =	strace @p6 $0x80000059;
	s23 =	sshll.u32 @p6 s23, $0xB  }
0x4c: {  	s18 =	rddreg [dreg:$0x5];
	s23 =	sand.u32 @p6 $0x1FFFF800, s23  }
0x4d: {  	s20 =	sadd.s32 @p6 $0x3, s20;
	s18 =	sadd.s32 @p6 s18, s23;
	s23 =	simm.s32 @p6 $0x0  }
0x4e: {  	[hbm4b:s18+s23] =	stream.linear.scatter @p6 [tilespmem:s22], [sflag:s20], $0x4000, $0x200038;
	[tilespmem:$0x8100] =	vst v63  }
0x4f: {  	p0 =	por !p5, !p5;
	_ =	strace @p6 $0x90000059  }
0x50: {  	s15 =	sadd.s32 @!p1 $0x3, s15;
	s17 =	sadd.s32 @p0 s4, s17;
	_ =	strace @!p1 $0x8000005A  }
0x51: {  	s14 =	sand.u32 @p0 $0x1, s14;
	s17 =	sshll.u32 @p0 s17, $0x4;
	_ =	swait.ge @!p1 [sflag:s15], $0x4000  }
0x52: {  	s18 =	simm.s32 $0x1;
	s20 =	sshll.u32 @p0 s14, $0x7;
	[sflag:s15] =	ssyncset.done @!p1 $0x0  }
0x53: {  	s14 =	sadd.s32 @p0 $0x1, s14;
	s18 =	simm.s32 @!p6 $0x0;
	[sflag:s15] =	ssyncadd.s32 @!p1 $0xFFFFC000  }
0x54: {  	s19 =	sadd.s32 s18, s19;
	s15 =	sand.u32 @p0 $0x1FFFFFF0, s17;
	_ =	strace @!p1 $0x9000005A  }
0x55: {  	s17 =	simm.s32 @p0 $0x0;
	s15 =	sadd.s32 @p0 s3, s15;
	_ =	strace @p0 $0x80000056  }
0x56: {  	[tilespmem:s20], [sflag:s14] =	stream.linear.gather @p0 [hbm4b:s15+s17], $0x80, $0x200038;
	[tilespmem:$0x8100] =	vst v63  }
0x57: {  	s25 =	sand.u32 $0x1, s19;
	_ =	strace @p0 $0x90000056  }
0x58: {  	s14 =	sadd.s32 $0x1, s25;
	_ =	strace $0x80000057  }
0x59: {  	_ =	swait.ge [sflag:s14], $0x80  }
0x5a: {  	[sflag:s14] =	ssyncset.done $0x0  }
0x5b: {  	[sflag:s14] =	ssyncadd.s32 $0xFFFFFF80  }
0x5c: {  	s26 =	sadd.s32 s18, s16;
	_ =	strace $0x90000057  }
0x5d: {  	s14 =	sand.u32 $0x1, s26;
	_ =	strace $0x80000058  }
0x5e: {  	s30 =	sshll.u32 s19, $0x7;
	s31 =	sshll.u32 s14, $0xE;
	s28 =	rddreg [dreg:$0x4]  }
0x5f: {  	s17 =	sand.u32 $0x80, s30;
	s18 =	sor.u32 $0x100, s31;
	s29 =	rddreg [dreg:$0x3]  }
0x60: {  	[tilespmem:s18], [sflag:$0x5] =	stream.indirect.gather [hbm4b:s29+s28], $0x80, s17, s28, $0x2000b8;
	[tilespmem:$0x8100] =	vst v63  }
0x61: {  	_ =	swait.ge [sflag:s8], $0x4000  }
0x62: {  	[sflag:s8] =	ssyncset.done $0x0  }
0x63: {  	p5 =	por p3, p3;
	p6 =	seq.s32 s12, $0x1;
	[sflag:s8] =	ssyncadd.s32 $0xFFFFC000  }
0x64: {  	s11 =	sadd.s32 s4, s11;
	p0 =	por p6, p5;
	_ =	strace $0x90000058  }
0x65: {  	s11 =	sshll.u32 @p0 s11, $0xB;
	_ =	strace @p0 $0x80000059  }
0x66: {  	s13 =	sadd.s32 s21, s13;
	s11 =	sand.u32 @p0 $0x1FFFF800, s11;
	s12 =	rddreg [dreg:$0x5]  }
0x67: {  	s14 =	sadd.s32 @p0 $0x3, s14;
	s11 =	sadd.s32 @p0 s12, s11;
	s12 =	simm.s32 @p0 $0x0  }
0x68: {  	[hbm4b:s11+s12] =	stream.linear.scatter @p0 [tilespmem:s18], [sflag:s14], $0x4000, $0x200038;
	[tilespmem:$0x8100] =	vst v63  }
0x69: {  	p1 =	por p2, p2;
	s11 =	sand.u32 @!p2 $0x1, s13;
	_ =	strace @p0 $0x90000059  }
0x6a: {  	s11 =	sadd.s32 @!p1 $0x3, s11;
	_ =	strace @!p1 $0x8000005A  }
0x6b: {  	_ =	swait.ge @!p1 [sflag:s11], $0x4000  }
0x6c: {  	[sflag:s11] =	ssyncset.done @!p1 $0x0  }
0x6d: {  	s10 =	sadd.s32 $0x1, s10;
	[sflag:s11] =	ssyncadd.s32 @!p1 $0xFFFFC000  }
0x6e: {  	p0 =	sne.s32 s10, s6;
	_ =	strace @!p1 $0x9000005A  }
.Ltmp1:
0x6f: {  	_ =	strace $0x8000005B;
	(pc) =	sbr.rel @p0 .LBB2_1-.Ltmp1, $4  }
0x70: {  	_ =	swait.ge [sflag:s9], $0x4000  }
0x71: {  	[sflag:s9] =	ssyncset.done $0x0  }
0x72: {  	[sflag:s9] =	ssyncadd.s32 $0xFFFFC000  }
0x73: {  	_ =	strace $0x9000005B  }
0x74: {  	_ =	sfence.sel $0x180000  }
0x75: {  	[bflag:$0x0] =	sbarrier.arrive $0xFFFF  }
0x76: {  	p0 =	sne.s32 s1, $0x0;
	_ =	strace $0x90000054  }
0x77: {  	s0 =	sadd.s32 @!p0 $0x100000, s0;
	[bflag:$0x2] =	sbarrier.arrive $0xFFFF  }
0x78: {  	[sflag:s0] =	ssyncadd.tile.s32 @!p0 $0x1;
	_ =	shalt  }
.Lfunc_end2:
_tile_overlayer_lowered:
.L_overlay_start_2:
0x79: {  	(tag) =	ssettag $0x2  }
0x7a: {  	s0 =	rddreg [dreg:$0x0];
	s2 =	stileid.u32  }
0x7b: {  	s1 =	rddreg [dreg:$0x1];
	p0 =	sne.s32 s2, $0x0  }
0x7c: {  	s3 =	rddreg [dreg:$0x2];
	[bflag:$0x3] =	sbarrier.arrive $0xFFFF;
	s2 =	simm.s32 @!p0 $0x1C01  }
0x7d: {  	[timem:s3], [sflag:s2] =	dma.local @!p0 [hbm:s0], s1  }
0x7e: {  	s0 =	simm.s32 @!p0 $0x1  }
0x7f: {  	_ =	swait.ge @!p0 [sflag:s0], s1  }
0x80: {  	s1 =	ssub.s32 @!p0 $0x0, s1;
	[sflag:s0] =	ssyncset.done @!p0 $0x0  }
0x81: {  	[sflag:s0] =	ssyncadd.s32 @!p0 s1  }
0x82: {  	[bflag:$0x3] =	sbarrier.arrive $0xFFFF  }
0x83: {  	_ =	shalt  }

// kernel: kernel.21.cloned.1.call-start
scs
__scs_entry_jumppad:
0x0: {  	(pc) =	sbr.rel $0x88, $3  }
0x1: {  	(tag) =	ssettag $0x0;
	lr =	simm.s32 $0x1  }
0x2: {  	[smem:$0x3F8E] =	sst lr;
	_ =	strace $0xD0000000  }
0x3: {  	_ = 	snop  }
0x4: {  	_ = 	snop  }
0x5: {  	_ = 	snop  }
0x6: {  	_ = 	snop  }
0x7: {  	_ = 	snop  }
__scs_overlays_trampoline_lowered:
0x8: {  	[smem:$0x3F9D] =	sst s0  }
0x9: {  	[smem:$0x3F9E] =	sst s1  }
0xa: {  	[smem:$0x3F9F] =	sst s2  }
0xb: {  	[smem:$0x3FA0] =	sst s3  }
0xc: {  	[smem:$0x3FA1] =	sst s4  }
0xd: {  	[smem:$0x3FA2] =	sst s5  }
0xe: {  	[smem:$0x3FA3] =	sst s6  }
0xf: {  	[smem:$0x3FA4] =	sst s7  }
0x10: {  	[smem:$0x3FA5] =	sst s8  }
0x11: {  	[smem:$0x3FA6] =	sst s9;
	s0 =	simm.s32 @!p0 $0x0  }
0x12: {  	s1 =	sld [smem:$0x3F8C];
	s0 =	simm.s32 @p0 $0x1  }
0x13: {  	[smem:$0x3FA7] =	sst s0;
	s0 =	simm.s32 @!p1 $0x0  }
0x14: {  	s2 =	sld [smem:$0x3F8B];
	s0 =	simm.s32 @p1 $0x1  }
0x15: {  	[smem:$0x3FA8] =	sst s0;
	s0 =	simm.s32 @!p2 $0x0  }
0x16: {  	s3 =	sld [smem:$0x3FDB];
	s0 =	simm.s32 @p2 $0x1  }
0x17: {  	s4 =	simm.s32 $0x1BF5;
	[smem:$0x3FAA] =	sst s0  }
0x18: {  	s0 =	sld [smem:$0x3F8D];
	_ =	swait.ge [sflag:s4], $0x0  }
0x19: {  	s7 =	sld [smem:$0x3F8E]  }
0x1a: {  	s8 =	sadd.s32 $0xFFFFE003, lr  }
0x1b: {  	s9 =	sadd.s32 $0xFFFFFEF7, lr;
	s5 =	simm.s32 $0xFFFFFFFF;
	p2 =	slt.u32 s8, $0xFFFFF086  }
0x1c: {  	p1 =	slt.u32 s9, $0xF7A;
	s5 =	simm.s32 @!p2 $0x0  }
0x1d: {  	s5 =	simm.s32 @p1 $0x1;
	p0 =	seq.s32 s7, s2  }
0x1e: {  	s7 =	smul.u32 @!p0 $0xF7A, s2;
	p2 =	seq.s32 @!p0 s5, $0x0  }
0x1f: {  	s9 =	smul.u32 $0xF7A, s1;
	s8 =	simm.s32 @!p0 $0x1BF5;
	p2 =	por !p2, p0  }
0x20: {  	[sflag:s8] =	ssyncset.s32 @!p0 $0xFFFFF086;
	s6 =	sadd.s32 @!p0 s3, s7;
	s7 =	simm.s32 @!p0 $0x108  }
0x21: {  	s3 =	sadd.s32 s3, s9;
	s6 =	sadd.s32 @!p0 $0x88, s6;
	s7 =	simm.s32 @p2 $0x1082  }
0x22: {  	[simem:s7], [sflag:s8] =	dma.local @!p0 [hbm:s6], $0xF7A  }
0x23: {  	s9 =	sor.u32 $0xD0000000, s2;
	s6 =	simm.s32 $0x108;
	_ =	swait.ge @!p0 [sflag:s8], $0x0  }
0x24: {  	s3 =	sadd.s32 $0x88, s3;
	s6 =	simm.s32 @!p1 $0x1082;
	[sflag:s4] =	ssyncset.s32 $0xFFFFF086  }
0x25: {  	[simem:s6], [sflag:s4] =	dma.local [hbm:s3], $0xF7A  }
0x26: {  	[smem:$0x3F8E] =	sst s1;
	(tag) =	ssettag s2;
	_ =	strace s9  }
0x27: {  	s1 =	sld [smem:$0x3F9E]  }
0x28: {  	s2 =	sld [smem:$0x3F9F]  }
0x29: {  	s4 =	sld [smem:$0x3FA1]  }
0x2a: {  	p0 =	seq.s32 s5, $0x0;
	s5 =	sld [smem:$0x3FA2]  }
0x2b: {  	s6 =	sld [smem:$0x3FA3]  }
0x2c: {  	s7 =	sld [smem:$0x3FA4]  }
0x2d: {  	s3 =	simm.s32 $0x108;
	s8 =	sld [smem:$0x3FA5]  }
0x2e: {  	s3 =	simm.s32 @!p0 $0x1082;
	s9 =	sld [smem:$0x3FA6]  }
0x2f: {  	lr =	sadd.s32 s0, s3;
	s0 =	sld [smem:$0x3F9D]  }
0x30: {  	s3 =	sld [smem:$0x3FA0]  }
0x31: {  	[smem:$0x3FA9] =	sst s10  }
0x32: {  	s10 =	sld [smem:$0x3FA7];
	_ =	sdelay $0x3  }
0x33: {  	p0 =	seq.s32 s10, $0x1;
	s10 =	sld [smem:$0x3FA9];
	_ =	sdelay $0x3  }
0x34: {  	[smem:$0x3FA9] =	sst s10  }
0x35: {  	s10 =	sld [smem:$0x3FA8];
	_ =	sdelay $0x3  }
0x36: {  	p1 =	seq.s32 s10, $0x1;
	s10 =	sld [smem:$0x3FA9];
	_ =	sdelay $0x3  }
0x37: {  	[smem:$0x3FA9] =	sst s10  }
0x38: {  	s10 =	sld [smem:$0x3FAA]  }
0x39: {  	_ = 	snop;
	(pc) =	sbr.ind lr, $3  }
0x3a: {  	_ = 	snop  }
0x3b: {  	_ = 	snop  }
0x3c: {  	p2 =	seq.s32 s10, $0x1;
	s10 =	sld [smem:$0x3FA9]  }
0x3d: {  	_ =	shalt  }
0x3e: {  	_ =	shalt  }
0x3f: {  	_ =	shalt  }
0x40: {  	_ =	shalt  }
0x41: {  	_ =	shalt  }
0x42: {  	_ =	shalt  }
0x43: {  	_ =	shalt  }
0x44: {  	_ =	shalt  }
0x45: {  	_ =	shalt  }
0x46: {  	_ =	shalt  }
0x47: {  	_ =	shalt  }
0x48: {  	_ =	shalt  }
0x49: {  	_ =	shalt  }
0x4a: {  	_ =	shalt  }
0x4b: {  	_ =	shalt  }
0x4c: {  	_ =	shalt  }
0x4d: {  	_ =	shalt  }
0x4e: {  	_ =	shalt  }
0x4f: {  	_ =	shalt  }
0x50: {  	_ =	shalt  }
0x51: {  	_ =	shalt  }
0x52: {  	_ =	shalt  }
0x53: {  	_ =	shalt  }
0x54: {  	_ =	shalt  }
0x55: {  	_ =	shalt  }
0x56: {  	_ =	shalt  }
0x57: {  	_ =	shalt  }
0x58: {  	_ =	shalt  }
0x59: {  	_ =	shalt  }
0x5a: {  	_ =	shalt  }
0x5b: {  	_ =	shalt  }
0x5c: {  	_ =	shalt  }
0x5d: {  	_ =	shalt  }
0x5e: {  	_ =	shalt  }
0x5f: {  	_ =	shalt  }
0x60: {  	_ =	shalt  }
0x61: {  	_ =	shalt  }
0x62: {  	_ =	shalt  }
0x63: {  	_ =	shalt  }
0x64: {  	_ =	shalt  }
0x65: {  	_ =	shalt  }
0x66: {  	_ =	shalt  }
0x67: {  	_ =	shalt  }
0x68: {  	_ =	shalt  }
0x69: {  	_ =	shalt  }
0x6a: {  	_ =	shalt  }
0x6b: {  	_ =	shalt  }
0x6c: {  	_ =	shalt  }
0x6d: {  	_ =	shalt  }
0x6e: {  	_ =	shalt  }
0x6f: {  	_ =	shalt  }
0x70: {  	_ =	shalt  }
0x71: {  	_ =	shalt  }
0x72: {  	_ =	shalt  }
0x73: {  	_ =	shalt  }
0x74: {  	_ =	shalt  }
0x75: {  	_ =	shalt  }
0x76: {  	_ =	shalt  }
0x77: {  	_ =	shalt  }
0x78: {  	_ =	shalt  }
0x79: {  	_ =	shalt  }
0x7a: {  	_ =	shalt  }
0x7b: {  	_ =	shalt  }
0x7c: {  	_ =	shalt  }
0x7d: {  	_ =	shalt  }
0x7e: {  	_ =	shalt  }
0x7f: {  	_ =	shalt  }
0x80: {  	_ =	shalt  }
0x81: {  	_ =	shalt  }
0x82: {  	_ =	shalt  }
0x83: {  	_ =	shalt  }
0x84: {  	_ =	shalt  }
0x85: {  	_ =	shalt  }
0x86: {  	_ =	shalt  }
0x87: {  	_ =	shalt  }
.Lfunc_end0:
.L_simem_size_0:
called_computation.3_lowered:
.L_overlay_start_0:
0x88: {  	s2 =	sld [smem:$0x3FD9]  }
0x89: {  	s3 =	sld [smem:$0x3FFE];
	_ =	sdelay $0x1  }
0x8a: {  	s1 =	srdreg.scid  }
0x8b: {  	s0 =	sand.u32 $0x1, s1  }
0x8c: {  	s16 =	sshll.u32 s0, $0xA;
	s2 =	sadd.s32 s3, s2  }
0x8d: {  	s2 =	sadd.s32 s2, s16  }
0x8e: {  	[smem:$0x3FB5] =	sst s2  }
0x8f: {  	_ = 	snop  }
0x90: {  	(tm) =	ssettm $0x1  }
0x91: {  	s17 =	sld [smem:$0x3FFB];
	_ =	sdelay $0x3  }
0x92: {  	_ =	strace s17  }
0x93: {  	s2 =	sld [smem:$0x3FFC];
	_ =	sdelay $0x3  }
0x94: {  	_ =	strace s2  }
0x95: {  	s2 =	sld [smem:$0x3FFD];
	_ =	sdelay $0x3  }
0x96: {  	_ =	strace s2  }
0x97: {  	_ =	strace $0x8FFFFFFF  }
0x98: {  	s18 =	sld [smem:$0x3FDB];
	_ =	sdelay $0x1  }
0x99: {  	s19 =	simm.s32 $_scs_section_size  }
0x9a: {  	s4 =	simm.s32 $_size__tile_overlayer_lowered;
	s5 =	simm.s32 $_tile_overlayer_lowered  }
0x9b: {  	s22 =	simm.s32 $0x1BFF;
	s21 =	sshll.u32 s5, $0x1;
	s2 =	sadd.s32 s19, s18  }
0x9c: {  	s6 =	simm.s32 $0x0;
	s20 =	sshll.u32 s4, $0x1;
	s4 =	sadd.s32 s21, s2  }
0x9d: {  	[timem:s6], [sflag:s22] =	dma.local [hbm:s4], s20  }
0x9e: {  	_ =	swait.ge [sflag:s22], s20  }
0x9f: {  	s3 =	ssub.s32 $0x0, s20;
	[sflag:s22] =	ssyncset.done $0x0  }
0xa0: {  	[sflag:s22] =	ssyncadd.s32 s3;
	_ =	sdelay $0x1  }
0xa1: {  	s23 =	simm.s32 $0x1B8B  }
0xa2: {  	_ =	swait.ge [sflag:s23], $0x1  }
0xa3: {  	[sflag:s23] =	ssyncset.done $0x0  }
0xa4: {  	s25 =	simm.s32 $0x1B8E;
	s24 =	sld [smem:$0x3FFE];
	[sflag:s23] =	ssyncadd.s32 $0xFFFFFFFF  }
0xa5: {  	s26 =	simm.s32 $execute0_lowered;
	[smem:$0x3FD2] =	sst s25  }
0xa6: {  	s4 =	sshll.u32 s26, $0x1;
	_ =	strace $0x8000005D;
	[dreg:$0x1] =	wrdreg $0xFFFFFFFF  }
0xa7: {  	s28 =	simm.s32 $_size_execute0_lowered;
	s2 =	sadd.s32 s2, s4;
	[dreg:$0x0] =	wrdreg $0x0  }
0xa8: {  	s4 =	sshll.u32 s28, $0x1;
	[dreg:$0x2] =	wrdreg s2  }
0xa9: {  	[dreg:$0x3] =	wrdreg s4  }
0xaa: {  	[dreg:$0x4] =	wrdreg $0xC0  }
0xab: {  	_ =	task [dreg:s6], $0x5FFFF  }
0xac: {  	[dreg:$0x1] =	wrdreg $0xFFFFFFFF  }
0xad: {  	[dreg:$0x0] =	wrdreg $0x60  }
0xae: {  	[dreg:$0x2] =	wrdreg s24  }
0xaf: {  	[dreg:$0x3] =	wrdreg $0x0  }
0xb0: {  	[dreg:$0x4] =	wrdreg $0x9  }
0xb1: {  	_ =	task.clear_ibuf [dreg:s6], $0x5FFFF;
	_ =	strace $0x9000005D  }
0xb2: {  	s29 =	simm.s32 $0x9;
	_ =	strace $0x8000005F  }
0xb3: {  	_ =	swait.ge [sflag:s29], $0x1  }
0xb4: {  	[sflag:s29] =	ssyncadd.s32 $0xFFFFFFFF  }
0xb5: {  	_ =	strace $0x9000005F  }
0xb6: {  	_ =	sfence  }
0xb7: {  	s30 =	sld [smem:$0x0];
	_ =	sdelay $0x2  }
0xb8: {  	s31 =	sshll.u32 s1, $0xD;
	s1 =	sshrl.u32 s1, $0x2  }
0xb9: {  	s3 =	sand.u32 $0x4000, s31;
	s1 =	sadd.s32 s1, s30  }
0xba: {  	s0 =	sor.u32 s3, s0;
	s1 =	sshll.u32 s1, $0x11  }
0xbb: {  	s0 =	sor.u32 s1, s0  }
0xbc: {  	s0 =	sadd.s32 $0x8F2B, s0  }
0xbd: {  	[sflag:s0] =	ssyncadd.remote.s32 $0x1  }
0xbe: {  	_ =	sfence.sel $0xFFFF  }
0xbf: {  	[dreg:$0x0] =	wrdreg $0xFFFFFFFF;
	(pc) =	sbr.abs _section_cstart, $3  }
0xc0: {  	[dreg:$0x1] =	wrdreg $0xFFFFFFFF  }
0xc1: {  	_ =	task.clear_ibuf [dreg:s6], $0x2FFFF;
	_ =	strace $0x9FFFFFFF  }
0xc2: {  	(tm) =	ssettm $0x7FFFFFFF  }
0xc3: {  	_ =	shalt  }
tec
execute0_lowered:
.L_overlay_start_1:
0x0: {  	(tag) =	ssettag $0x1  }
0x1: {  	s4 =	rddreg [dreg:$0x0]  }
0x2: {  	s1 =	rddreg [dreg:$0x1];
	s2 =	stileid.u32  }
0x3: {  	s5 =	srdreg.scid;
	s22 =	smul.u32 $0x19000, s2  }
0x4: {  	s0 =	rddreg [dreg:$0x2];
	s13 =	sand.u32 $0x1, s5;
	s12 =	smul.u32 $0x6400, s2  }
0x5: {  	s3 =	simm.s32 $0x0;
	s9 =	sor.u32 $0x10, s2;
	s17 =	smul.u32 $0x138800, s13  }
0x6: {  	[smem:$0x7FF] =	sst s3;
	s10 =	sor.u32 $0x20, s2;
	s23 =	smul.u32 $0x19000, s9  }
0x7: {  	s6 =	sshll.u32 s2, $0xC;
	s18 =	sor.u32 $0x30, s2;
	s8 =	smul.u32 $0x19000, s10  }
0x8: {  	s7 =	sshll.u32 s2, $0x5;
	s16 =	sadd.s32 $0x34400, s4;
	s11 =	smul.u32 $0x19000, s18  }
0x9: {  	_ =	strace $0x8000005E;
	s14 =	sadd.s32 s6, s4;
	s19 =	smul.u32 $0x6400, s9  }
0xa: {  	s15 =	sadd.s32 s7, s4;
	s5 =	ssub.s32 $0x2, s13;
	s10 =	smul.u32 $0x6400, s10  }
0xb: {  	s4 =	sshll.u32 s2, $0x1;
	s20 =	smul.u32 $0x6400, s18;
	s30 =	sshll.u32 s13, $0xB  }
0xc: {  	s31 =	sshll.u32 s13, $0x4;
	p0 =	sgt.u32 s18, $0x31;
	s18 =	simm.s32 $0x2  }
0xd: {  	s21 =	sshrl.u32 s5, $0x1;
	s6 =	sshrl.u32 s22, $0x2;
	s14 =	sadd.s32 s30, s14  }
0xe: {  	s15 =	sadd.s32 s31, s15;
	s5 =	ssub.s32 s5, s21;
	s6 =	sadd.s32 s6, s1  }
0xf: {  	s7 =	sshrl.u32 s23, $0x2;
	s8 =	sshrl.u32 s8, $0x2;
	s24 =	sshrl.u32 s11, $0x2  }
0x10: {  	s25 =	sadd.s32 s17, s12;
	s26 =	sadd.s32 s17, s19;
	s28 =	sadd.s32 s17, s10  }
0x11: {  	s17 =	sadd.s32 s17, s20;
	s14 =	sadd.s32 $0xA4800, s14;
	s15 =	sadd.s32 $0x8200, s15  }
0x12: {  	s19 =	simm.s32 $0x0;
	s5 =	smax.u32 s5, $0x1;
	s7 =	sadd.s32 s7, s1  }
0x13: {  	s8 =	sadd.s32 s8, s1;
	s9 =	sadd.s32 s24, s1;
	s11 =	sshrl.u32 s25, $0x3  }
0x14: {  	s12 =	sshrl.u32 s26, $0x3;
	s29 =	sshrl.u32 s28, $0x3;
	s17 =	sshrl.u32 s17, $0x3  }
0x15: {  	s10 =	sadd.s32 s16, s11;
	s11 =	sadd.s32 s16, s12;
	s12 =	sadd.s32 s16, s29  }
0x16: {  	v0 =	vimm.f32 $0.0e+00;
	s13 =	sadd.s32 s16, s17;
	s16 =	simm.s32 $0x17900;
	s17 =	simm.s32 $0x1  }
.LBB2_1:
0x17: {  	s20 =	simm.s32 $0x0;
	s21 =	simm.s32 $0x200  }
.LBB2_2:
0x18: {  	p1 =	sne.s32 s21, $0x18E00;
	[tilespmem:s20+$0x17970] =	vst v0  }
0x19: {  	[tilespmem:s20+$0x17900] =	vst v0  }
0x1a: {  	[tilespmem:s20+$0x17910] =	vst v0  }
.Ltmp0:
0x1b: {  	[tilespmem:s20+$0x17920] =	vst v0;
	(pc) =	sbr.rel @p1 .LBB2_2-.Ltmp0, $4  }
0x1c: {  	[tilespmem:s20+$0x17930] =	vst v0  }
0x1d: {  	[tilespmem:s20+$0x17940] =	vst v0  }
0x1e: {  	[tilespmem:s20+$0x17950] =	vst v0  }
0x1f: {  	[tilespmem:s20+$0x17960] =	vst v0;
	s20 =	sshra.s32 s21, $0x2;
	s21 =	sadd.s32 $0x200, s21  }
0x20: {  	[tilespmem:s20+$0x17970] =	vst v0  }
0x21: {  	[tilespmem:s20+$0x17900] =	vst v0  }
0x22: {  	[tilespmem:s20+$0x17910] =	vst v0  }
0x23: {  	[tilespmem:s20+$0x17920] =	vst v0  }
0x24: {  	[tilespmem:s20+$0x17930] =	vst v0  }
0x25: {  	[tilespmem:s20+$0x17940] =	vst v0  }
0x26: {  	[tilespmem:s20+$0x17950] =	vst v0  }
0x27: {  	[tilespmem:s20+$0x17960] =	vst v0  }
0x28: {  	[spmem:s6] =	stream.linear.scatter [tilespmem:s16], [sflag:$0x1], $0x6400, $0x38;
	[tilespmem:$0x1DD00] =	vst v63  }
0x29: {  	_ =	swait.ge [sflag:s17], $0x6400  }
0x2a: {  	[sflag:s17] =	ssyncset.done $0x0  }
0x2b: {  	[sflag:s17] =	ssyncadd.s32 $0xFFFF9C00  }
0x2c: {  	[spmem:s7] =	stream.linear.scatter [tilespmem:s16], [sflag:$0x1], $0x6400, $0x38;
	[tilespmem:$0x1DD00] =	vst v63  }
0x2d: {  	_ =	swait.ge [sflag:s17], $0x6400  }
0x2e: {  	[sflag:s17] =	ssyncset.done $0x0  }
0x2f: {  	[sflag:s17] =	ssyncadd.s32 $0xFFFF9C00  }
0x30: {  	[spmem:s8] =	stream.linear.scatter [tilespmem:s16], [sflag:$0x1], $0x6400, $0x38;
	[tilespmem:$0x1DD00] =	vst v63  }
0x31: {  	_ =	swait.ge [sflag:s17], $0x6400  }
0x32: {  	[sflag:s17] =	ssyncset.done $0x0  }
0x33: {  	s20 =	simm.s32 @!p0 $0x17900;
	[sflag:s17] =	ssyncadd.s32 $0xFFFF9C00  }
0x34: {  	[spmem:s9] =	stream.linear.scatter @!p0 [tilespmem:s20], [sflag:$0x1], $0x6400, $0x38;
	[tilespmem:$0x1DD00] =	vst v63  }
0x35: {  	s20 =	simm.s32 @!p0 $0x1  }
0x36: {  	s30 =	sadd.s32 $0x0, s4;
	_ =	swait.ge @!p0 [sflag:s20], $0x6400  }
0x37: {  	p1 =	sgt.u32 s30, $0x4E1;
	[sflag:s20] =	ssyncset.done @!p0 $0x0  }
0x38: {  	s21 =	simm.s32 @!p1 $0x13880;
	[sflag:s20] =	ssyncadd.s32 @!p0 $0xFFFF9C00  }
0x39: {  	s23 =	simm.s32 @!p1 $0x2;
	s20 =	simm.s32 @!p1 $0x0;
	[bflag:$0x0] =	sbarrier.arrive $0xFFFF  }
0x3a: {  	[tilespmem:s21], [sflag:$0x2] =	stream.linear.gather @!p1 [hbm4b:s15+s20], $0x80, $0x38;
	[tilespmem:$0x1DD00] =	vst v63  }
0x3b: {  	_ =	swait.ge @!p1 [sflag:s23], $0x80;
	p1 =	por p1, p1  }
0x3c: {  	[sflag:s23] =	ssyncset.done @!p1 $0x0  }
0x3d: {  	s24 =	simm.s32 @!p1 $0x13900;
	[sflag:s23] =	ssyncadd.s32 @!p1 $0xFFFFFF80  }
0x3e: {  	[tilespmem:s24], [sflag:$0x2] =	stream.linear.gather @!p1 [hbm4b:s14+s20], $0x4000, $0x38;
	[tilespmem:$0x1DD00] =	vst v63  }
0x3f: {  	s31 =	sadd.s32 $0x20, s4;
	_ =	swait.ge @!p1 [sflag:s23], $0x4000  }
0x40: {  	s22 =	simm.s32 $0x40;
	p2 =	sgt.u32 s31, $0x4E1;
	[sflag:s23] =	ssyncset.done @!p1 $0x0  }
0x41: {  	s20 =	simm.s32 @!p1 $0x80;
	[sflag:s23] =	ssyncadd.s32 @!p1 $0xFFFFC000;
	s23 =	simm.s32 @!p1 $0x1  }
0x42: {  	[spmem:s1] =	stream.indirect.scatter.add.f32 @!p1 [tilespmem:s24], [sflag:$0x1], $0x80, s21, s20, $0xb8;
	[tilespmem:$0x1DD00] =	vst v63  }
0x43: {  	s21 =	sadd.s32 $0x200, s15;
	s20 =	sadd.s32 $0x10000, s14;
	_ =	swait.ge @!p1 [sflag:s23], $0x4000  }
.LBB2_4:
0x44: {  	s24 =	simm.s32 @!p2 $0x0  }
0x45: {  	s25 =	simm.s32 @!p2 $0x13880;
	[sflag:s23] =	ssyncset.done @!p1 $0x0;
	s26 =	smov.u32 s22  }
0x46: {  	s22 =	sadd.s32 $0x20, s22;
	s28 =	simm.s32 @!p2 $0x2;
	[sflag:s23] =	ssyncadd.s32 @!p1 $0xFFFFC000  }
0x47: {  	[tilespmem:s25], [sflag:$0x2] =	stream.linear.gather @!p2 [hbm4b:s21+s24], $0x80, $0x38;
	[tilespmem:$0x1DD00] =	vst v63  }
0x48: {  	p3 =	sne.s32 s22, $0x500;
	p1 =	por p2, p2;
	_ =	swait.ge @!p2 [sflag:s28], $0x80  }
0x49: {  	[sflag:s28] =	ssyncset.done @!p1 $0x0  }
0x4a: {  	s29 =	simm.s32 @!p1 $0x13900;
	[sflag:s28] =	ssyncadd.s32 @!p1 $0xFFFFFF80  }
0x4b: {  	[tilespmem:s29], [sflag:$0x2] =	stream.linear.gather @!p1 [hbm4b:s20+s24], $0x4000, $0x38;
	[tilespmem:$0x1DD00] =	vst v63  }
.Ltmp1:
0x4c: {  	_ =	swait.ge @!p1 [sflag:s28], $0x4000;
	(pc) =	sbr.rel @p3 .LBB2_4-.Ltmp1, $4  }
0x4d: {  	s23 =	simm.s32 @!p1 $0x1;
	s21 =	sadd.s32 $0x200, s21;
	[sflag:s28] =	ssyncset.done @!p1 $0x0  }
0x4e: {  	s24 =	sadd.s32 s26, s4;
	s26 =	simm.s32 @!p1 $0x80;
	[sflag:s28] =	ssyncadd.s32 @!p1 $0xFFFFC000  }
0x4f: {  	[spmem:s1] =	stream.indirect.scatter.add.f32 @!p1 [tilespmem:s29], [sflag:$0x1], $0x80, s25, s26, $0xb8;
	[tilespmem:$0x1DD00] =	vst v63  }
0x50: {  	s20 =	sadd.s32 $0x10000, s20;
	p2 =	sgt.u32 s24, $0x4E1;
	_ =	swait.ge @!p1 [sflag:s23], $0x4000  }
0x51: {  	s22 =	simm.s32 @!p2 $0x0;
	[sflag:s23] =	ssyncset.done @!p1 $0x0  }
0x52: {  	s24 =	simm.s32 @!p2 $0x13880;
	s25 =	simm.s32 @!p2 $0x2;
	[sflag:s23] =	ssyncadd.s32 @!p1 $0xFFFFC000  }
0x53: {  	[tilespmem:s24], [sflag:$0x2] =	stream.linear.gather @!p2 [hbm4b:s21+s22], $0x80, $0x38;
	[tilespmem:$0x1DD00] =	vst v63  }
0x54: {  	p1 =	por p2, p2;
	_ =	swait.ge @!p2 [sflag:s25], $0x80  }
0x55: {  	[sflag:s25] =	ssyncset.done @!p1 $0x0  }
0x56: {  	s21 =	simm.s32 @!p1 $0x13900;
	[sflag:s25] =	ssyncadd.s32 @!p1 $0xFFFFFF80  }
0x57: {  	[tilespmem:s21], [sflag:$0x2] =	stream.linear.gather @!p1 [hbm4b:s20+s22], $0x4000, $0x38;
	[tilespmem:$0x1DD00] =	vst v63  }
0x58: {  	_ =	swait.ge @!p1 [sflag:s25], $0x4000  }
0x59: {  	[sflag:s25] =	ssyncset.done @!p1 $0x0  }
0x5a: {  	s20 =	simm.s32 @!p1 $0x1;
	s22 =	simm.s32 @!p1 $0x80;
	[sflag:s25] =	ssyncadd.s32 @!p1 $0xFFFFC000  }
0x5b: {  	[spmem:s1] =	stream.indirect.scatter.add.f32 @!p1 [tilespmem:s21], [sflag:$0x1], $0x80, s24, s22, $0xb8;
	[tilespmem:$0x1DD00] =	vst v63  }
0x5c: {  	_ =	swait.ge @!p1 [sflag:s20], $0x4000  }
0x5d: {  	[sflag:s20] =	ssyncset.done @!p1 $0x0  }
0x5e: {  	[sflag:s20] =	ssyncadd.s32 @!p1 $0xFFFFC000  }
0x5f: {  	[bflag:$0x0] =	sbarrier.arrive $0xFFFF  }
0x60: {  	[tilespmem:s16], [sflag:$0x2] =	stream.linear.gather [spmem:s6], $0x6400, $0x38;
	[tilespmem:$0x1DD00] =	vst v63  }
0x61: {  	_ =	swait.ge [sflag:s18], $0x6400  }
0x62: {  	[sflag:s18] =	ssyncset.done $0x0  }
0x63: {  	[sflag:s18] =	ssyncadd.s32 $0xFFFF9C00  }
0x64: {  	[hbm4b:s10+s3] =	stream.linear.scatter [tilespmem:s16], [sflag:$0x1], $0x6400, $0x38;
	[tilespmem:$0x1DD00] =	vst v63  }
0x65: {  	_ =	swait.ge [sflag:s17], $0x6400  }
0x66: {  	[sflag:s17] =	ssyncset.done $0x0  }
0x67: {  	[sflag:s17] =	ssyncadd.s32 $0xFFFF9C00  }
0x68: {  	[tilespmem:s16], [sflag:$0x2] =	stream.linear.gather [spmem:s7], $0x6400, $0x38;
	[tilespmem:$0x1DD00] =	vst v63  }
0x69: {  	_ =	swait.ge [sflag:s18], $0x6400  }
0x6a: {  	[sflag:s18] =	ssyncset.done $0x0  }
0x6b: {  	[sflag:s18] =	ssyncadd.s32 $0xFFFF9C00  }
0x6c: {  	[hbm4b:s11+s3] =	stream.linear.scatter [tilespmem:s16], [sflag:$0x1], $0x6400, $0x38;
	[tilespmem:$0x1DD00] =	vst v63  }
0x6d: {  	_ =	swait.ge [sflag:s17], $0x6400  }
0x6e: {  	[sflag:s17] =	ssyncset.done $0x0  }
0x6f: {  	[sflag:s17] =	ssyncadd.s32 $0xFFFF9C00  }
0x70: {  	[tilespmem:s16], [sflag:$0x2] =	stream.linear.gather [spmem:s8], $0x6400, $0x38;
	[tilespmem:$0x1DD00] =	vst v63  }
0x71: {  	_ =	swait.ge [sflag:s18], $0x6400  }
0x72: {  	[sflag:s18] =	ssyncset.done $0x0  }
0x73: {  	[sflag:s18] =	ssyncadd.s32 $0xFFFF9C00  }
0x74: {  	[hbm4b:s12+s3] =	stream.linear.scatter [tilespmem:s16], [sflag:$0x1], $0x6400, $0x38;
	[tilespmem:$0x1DD00] =	vst v63  }
0x75: {  	_ =	swait.ge [sflag:s17], $0x6400  }
0x76: {  	[sflag:s17] =	ssyncset.done $0x0  }
0x77: {  	s21 =	simm.s32 @!p0 $0x2;
	s20 =	simm.s32 @!p0 $0x17900;
	[sflag:s17] =	ssyncadd.s32 $0xFFFF9C00  }
0x78: {  	[tilespmem:s20], [sflag:$0x2] =	stream.linear.gather @!p0 [spmem:s9], $0x6400, $0x38;
	[tilespmem:$0x1DD00] =	vst v63  }
0x79: {  	_ =	swait.ge @!p0 [sflag:s21], $0x6400  }
0x7a: {  	s19 =	sadd.s32 $0x1, s19;
	[sflag:s21] =	ssyncset.done @!p0 $0x0  }
0x7b: {  	p1 =	sne.s32 s19, s5;
	[sflag:s21] =	ssyncadd.s32 @!p0 $0xFFFF9C00;
	s21 =	simm.s32 @!p0 $0x0  }
0x7c: {  	[hbm4b:s13+s21] =	stream.linear.scatter @!p0 [tilespmem:s20], [sflag:$0x1], $0x6400, $0x38;
	[tilespmem:$0x1DD00] =	vst v63  }
.Ltmp2:
0x7d: {  	_ = 	snop;
	(pc) =	sbr.rel @p1 .LBB2_1-.Ltmp2, $4  }
0x7e: {  	s20 =	simm.s32 @!p0 $0x1  }
0x7f: {  	_ =	swait.ge @!p0 [sflag:s20], $0x6400  }
0x80: {  	[sflag:s20] =	ssyncset.done @!p0 $0x0  }
0x81: {  	[sflag:s20] =	ssyncadd.s32 @!p0 $0xFFFF9C00  }
0x82: {  	_ =	sfence.sel $0x180000  }
0x83: {  	[bflag:$0x0] =	sbarrier.arrive $0xFFFF  }
0x84: {  	p0 =	sne.s32 s2, $0x0;
	_ =	strace $0x9000005E  }
0x85: {  	s0 =	sadd.s32 @!p0 $0x100000, s0;
	[bflag:$0x2] =	sbarrier.arrive $0xFFFF  }
0x86: {  	[sflag:s0] =	ssyncadd.tile.s32 @!p0 $0x1;
	_ =	shalt  }
.Lfunc_end2:
_tile_overlayer_lowered:
.L_overlay_start_2:
0x87: {  	(tag) =	ssettag $0x2  }
0x88: {  	s0 =	rddreg [dreg:$0x0];
	s2 =	stileid.u32  }
0x89: {  	s1 =	rddreg [dreg:$0x1];
	p0 =	sne.s32 s2, $0x0  }
0x8a: {  	s3 =	rddreg [dreg:$0x2];
	[bflag:$0x3] =	sbarrier.arrive $0xFFFF;
	s2 =	simm.s32 @!p0 $0x1C01  }
0x8b: {  	[timem:s3], [sflag:s2] =	dma.local @!p0 [hbm:s0], s1  }
0x8c: {  	s0 =	simm.s32 @!p0 $0x1  }
0x8d: {  	_ =	swait.ge @!p0 [sflag:s0], s1  }
0x8e: {  	s1 =	ssub.s32 @!p0 $0x0, s1;
	[sflag:s0] =	ssyncset.done @!p0 $0x0  }
0x8f: {  	[sflag:s0] =	ssyncadd.s32 @!p0 s1  }
0x90: {  	[bflag:$0x3] =	sbarrier.arrive $0xFFFF  }
0x91: {  	_ =	shalt  }

</sc_bundles>
